<compile_context>
chip_gen: v7x
topology: tpu7x:2x2x1
jax: 0.10.2.dev20260603
libtpu: 0.0.44.dev20260713+nightly
codegen_flags: <defaults>
</compile_context>

<pallas_src>
import jax
import jax.numpy as jnp
from jax import lax
from jax.experimental import pallas as pl
from jax.experimental.pallas import tpu as pltpu
from jax.experimental.pallas import tpu_sc as plsc

VOCAB = 1000000
D = 64
ROWS = 16384
COLS = 50
NC = 2
NS = 16
NW = NC * NS
ROWS_PER_W = ROWS // NW
GROUP = 16
GROUPS = ROWS_PER_W // GROUP


def _fire(table_hbm, idx_v, rows_buf, sem, g):
    for j in range(GROUP):
        pltpu.async_copy(
            table_hbm.at[idx_v.at[g * GROUP + j]],
            rows_buf.at[j],
            sem,
        )


def _drain(table_hbm, idx_v, rows_buf, sem):
    for j in range(GROUP):
        pltpu.make_async_copy(
            table_hbm.at[idx_v.at[j]],
            rows_buf.at[j],
            sem,
        ).wait()


def _emb_body(x_hbm, table_hbm, out_hbm, idx_v, rows0, rows1, sem0, sem1):
    wid = lax.axis_index("s") * NC + lax.axis_index("c")
    row_base = wid * ROWS_PER_W
    pltpu.sync_copy(x_hbm.at[pl.ds(row_base, ROWS_PER_W)], idx_v)

    def store(rows_buf, g):
        pltpu.sync_copy(rows_buf, out_hbm.at[pl.ds(row_base + g * GROUP, GROUP)])

    _fire(table_hbm, idx_v, rows0, sem0, 0)

    def pair_body(i, _):
        g = 2 * i
        _drain(table_hbm, idx_v, rows0, sem0)
        _fire(table_hbm, idx_v, rows1, sem1, g + 1)
        store(rows0, g)
        _drain(table_hbm, idx_v, rows1, sem1)
        _fire(table_hbm, idx_v, rows0, sem0, g + 2)
        store(rows1, g + 1)
        return ()

    lax.fori_loop(0, GROUPS // 2 - 1, pair_body, (), unroll=False)

    g = GROUPS - 2
    _drain(table_hbm, idx_v, rows0, sem0)
    _fire(table_hbm, idx_v, rows1, sem1, g + 1)
    store(rows0, g)
    _drain(table_hbm, idx_v, rows1, sem1)
    store(rows1, g + 1)


@jax.jit
def _emb_call(x, weight):
    mesh = plsc.VectorSubcoreMesh(core_axis_name="c", subcore_axis_name="s")
    return pl.kernel(
        _emb_body,
        out_type=jax.ShapeDtypeStruct((ROWS, COLS, D), jnp.float32),
        mesh=mesh,
        scratch_types=[
            pltpu.VMEM((ROWS_PER_W, COLS), jnp.int32),
            pltpu.VMEM((GROUP, COLS, D), jnp.float32),
            pltpu.VMEM((GROUP, COLS, D), jnp.float32),
            pltpu.SemaphoreType.DMA,
            pltpu.SemaphoreType.DMA,
        ],
        compiler_params=pltpu.CompilerParams(use_tc_tiling_on_sc=False),
    )(x, weight)


def kernel(x, weight):
    return _emb_call(x.astype(jnp.int32), weight)

# --- scband reference (transcript-rebuilt; emitter-appended) ---
"""Pipeline reference for scband-embedding-13365938225158 (READ-ONLY COPY).

The authoritative reference and input builder live on the scoring server;
editing this copy changes nothing except your own understanding.
"""

import jax, jax.numpy as jnp
import numpy as np

VOCAB = 1000000
D_MODEL = 64

def setup_inputs(seed: int = 0) -> dict:
    key = jax.random.key(seed)
    k1, k2 = jax.random.split(key)
    x = jax.random.randint(k1, (16384, 50), 0, VOCAB, dtype=jnp.int64 if jax.config.jax_enable_x64 else jnp.int32)
    weight = jax.random.uniform(k2, (VOCAB, D_MODEL), dtype=jnp.float32)
    return {"x": x, "weight": weight}

def reference(x, weight):
    # Faithful translation of: self.weight[x]
    return jnp.take(weight, x, axis=0)

if __name__ == "__main__":
    import jax
    _d = setup_inputs()
    print(jax.jit(kernel)(*tuple(_d.values())))

</pallas_src>

<mosaic_0001>
#map = affine_map<(d0, d1) -> (0, 0)>
#map1 = affine_map<(d0, d1) -> (0, 0, 0)>
module attributes {stable_mosaic.version = 14 : i64} {
  func.func @_emb_body(%arg0: i32, %arg1: i32, %arg2: memref<16384x50xi32, #tpu.memory_space<hbm>>, %arg3: memref<1000000x64xf32, #tpu.memory_space<hbm>>, %arg4: memref<16384x50x64xf32, #tpu.memory_space<hbm>>, %arg5: memref<512x50xi32, #tpu.memory_space<vmem>>, %arg6: memref<16x50x64xf32, #tpu.memory_space<vmem>>, %arg7: memref<16x50x64xf32, #tpu.memory_space<vmem>>, %arg8: memref<!tpu.dma_semaphore, #tpu.memory_space<semaphore_mem>>, %arg9: memref<!tpu.dma_semaphore, #tpu.memory_space<semaphore_mem>>) attributes {dimension_semantics = [#tpu.dimension_semantics<core_parallel>, #tpu.dimension_semantics<subcore_parallel>], iteration_bounds = array<i64: 2, 16>, scalar_prefetch = 0 : i64, scratch_operands = 5 : i64, tpu.core_type = #tpu.core_type<sc_vector_subcore>, window_params = [{transform_indices = #map}, {transform_indices = #map}, {transform_indices = #map1}]} {
    %mul3A = arith.constant 2 : i32
    %mul3A_0 = arith.muli %arg1, %mul3A : i32
    %add3A = arith.addi %mul3A_0, %arg0 : i32
    %mul3A_1 = arith.constant 512 : i32
    %mul3A_2 = arith.muli %add3A, %mul3A_1 : i32
    "tpu.region"() ({
      %run_scoped3A = tpu.sem_alloc : memref<!tpu.dma_semaphore, #tpu.memory_space<semaphore_mem>>
      %dma_start3A_777 = arith.constant 0 : i32
      %dma_start3A_778 = tpu.memref_slice %arg2[%mul3A_2, %dma_start3A_777] : memref<16384x50xi32, #tpu.memory_space<hbm>> -> memref<512x50xi32, #tpu.memory_space<hbm>>
      %dma_start3A_779 = arith.constant 0 : i32
      %dma_start3A_780 = tpu.memref_slice %arg2[%mul3A_2, %dma_start3A_779] : memref<16384x50xi32, #tpu.memory_space<hbm>> -> memref<512x50xi32, #tpu.memory_space<hbm>>
      tpu.enqueue_dma source(%dma_start3A_780 : memref<512x50xi32, #tpu.memory_space<hbm>>) target(%arg5 : memref<512x50xi32, #tpu.memory_space<vmem>>) target_semaphore(%run_scoped3A : memref<!tpu.dma_semaphore, #tpu.memory_space<semaphore_mem>>)
      %dma_wait3A_781 = arith.constant 0 : i32
      %dma_wait3A_782 = tpu.memref_slice %arg2[%mul3A_2, %dma_wait3A_781] : memref<16384x50xi32, #tpu.memory_space<hbm>> -> memref<512x50xi32, #tpu.memory_space<hbm>>
      %dma_wait3A_783 = arith.constant 0 : i32
      %dma_wait3A_784 = tpu.memref_slice %arg2[%mul3A_2, %dma_wait3A_783] : memref<16384x50xi32, #tpu.memory_space<hbm>> -> memref<512x50xi32, #tpu.memory_space<hbm>>
      tpu.wait_dma2 semaphore(%run_scoped3A : memref<!tpu.dma_semaphore, #tpu.memory_space<semaphore_mem>>) src(%dma_wait3A_784 : memref<512x50xi32, #tpu.memory_space<hbm>>) dst(%arg5 : memref<512x50xi32, #tpu.memory_space<vmem>>)
      tpu.yield
    }) : () -> ()
    %dma_start3A = arith.constant 0 : i32
    %dma_start3A_3 = arith.constant 0 : i32
    %dma_start3A_4 = arith.constant 0 : i32
    %dma_start3A_5 = arith.constant 0 : i32
    %dma_start3A_6 = tpu.memref_slice %arg6[%dma_start3A_3, %dma_start3A_4, %dma_start3A_5] : memref<16x50x64xf32, #tpu.memory_space<vmem>> -> memref<1x50x64xf32, #tpu.memory_space<vmem>>
    %dma_start3A_7 = tpu.memref_squeeze %dma_start3A_6 : memref<1x50x64xf32, #tpu.memory_space<vmem>> -> memref<50x64xf32, #tpu.memory_space<vmem>>
    %dma_start3A_8 = arith.constant 0 : i32
    %dma_start3A_9 = tpu.memref_slice %arg5[%dma_start3A, %dma_start3A_8] : memref<512x50xi32, #tpu.memory_space<vmem>> -> memref<1x50xi32, #tpu.memory_space<vmem>>
    %dma_start3A_10 = tpu.memref_squeeze %dma_start3A_9 : memref<1x50xi32, #tpu.memory_space<vmem>> -> memref<50xi32, #tpu.memory_space<vmem>>
    %dma_start3A_11 = arith.constant 0 : i32
    %dma_start3A_12 = arith.constant 0 : i32
    %dma_start3A_13 = tpu.memref_slice %arg3[%dma_start3A_11, %dma_start3A_12] : memref<1000000x64xf32, #tpu.memory_space<hbm>> -> memref<1000000x64xf32, #tpu.memory_space<hbm>>
    tpu.enqueue_indirect_dma source(%dma_start3A_13 : memref<1000000x64xf32, #tpu.memory_space<hbm>>) target(%dma_start3A_7 : memref<50x64xf32, #tpu.memory_space<vmem>>) offsets(%dma_start3A_10 : memref<50xi32, #tpu.memory_space<vmem>>) semaphore(%arg8 : memref<!tpu.dma_semaphore, #tpu.memory_space<semaphore_mem>>)
    %dma_start3A_14 = arith.constant 1 : i32
    %dma_start3A_15 = arith.constant 1 : i32
    %dma_start3A_16 = arith.constant 0 : i32
    %dma_start3A_17 = arith.constant 0 : i32
    %dma_start3A_18 = tpu.memref_slice %arg6[%dma_start3A_15, %dma_start3A_16, %dma_start3A_17] : memref<16x50x64xf32, #tpu.memory_space<vmem>> -> memref<1x50x64xf32, #tpu.memory_space<vmem>>
    %dma_start3A_19 = tpu.memref_squeeze %dma_start3A_18 : memref<1x50x64xf32, #tpu.memory_space<vmem>> -> memref<50x64xf32, #tpu.memory_space<vmem>>
    %dma_start3A_20 = arith.constant 0 : i32
    %dma_start3A_21 = tpu.memref_slice %arg5[%dma_start3A_14, %dma_start3A_20] : memref<512x50xi32, #tpu.memory_space<vmem>> -> memref<1x50xi32, #tpu.memory_space<vmem>>
    %dma_start3A_22 = tpu.memref_squeeze %dma_start3A_21 : memref<1x50xi32, #tpu.memory_space<vmem>> -> memref<50xi32, #tpu.memory_space<vmem>>
    %dma_start3A_23 = arith.constant 0 : i32
    %dma_start3A_24 = arith.constant 0 : i32
    %dma_start3A_25 = tpu.memref_slice %arg3[%dma_start3A_23, %dma_start3A_24] : memref<1000000x64xf32, #tpu.memory_space<hbm>> -> memref<1000000x64xf32, #tpu.memory_space<hbm>>
    tpu.enqueue_indirect_dma source(%dma_start3A_25 : memref<1000000x64xf32, #tpu.memory_space<hbm>>) target(%dma_start3A_19 : memref<50x64xf32, #tpu.memory_space<vmem>>) offsets(%dma_start3A_22 : memref<50xi32, #tpu.memory_space<vmem>>) semaphore(%arg8 : memref<!tpu.dma_semaphore, #tpu.memory_space<semaphore_mem>>)
    %dma_start3A_26 = arith.constant 2 : i32
    %dma_start3A_27 = arith.constant 2 : i32
    %dma_start3A_28 = arith.constant 0 : i32
    %dma_start3A_29 = arith.constant 0 : i32
    %dma_start3A_30 = tpu.memref_slice %arg6[%dma_start3A_27, %dma_start3A_28, %dma_start3A_29] : memref<16x50x64xf32, #tpu.memory_space<vmem>> -> memref<1x50x64xf32, #tpu.memory_space<vmem>>
    %dma_start3A_31 = tpu.memref_squeeze %dma_start3A_30 : memref<1x50x64xf32, #tpu.memory_space<vmem>> -> memref<50x64xf32, #tpu.memory_space<vmem>>
    %dma_start3A_32 = arith.constant 0 : i32
    %dma_start3A_33 = tpu.memref_slice %arg5[%dma_start3A_26, %dma_start3A_32] : memref<512x50xi32, #tpu.memory_space<vmem>> -> memref<1x50xi32, #tpu.memory_space<vmem>>
    %dma_start3A_34 = tpu.memref_squeeze %dma_start3A_33 : memref<1x50xi32, #tpu.memory_space<vmem>> -> memref<50xi32, #tpu.memory_space<vmem>>
    %dma_start3A_35 = arith.constant 0 : i32
    %dma_start3A_36 = arith.constant 0 : i32
    %dma_start3A_37 = tpu.memref_slice %arg3[%dma_start3A_35, %dma_start3A_36] : memref<1000000x64xf32, #tpu.memory_space<hbm>> -> memref<1000000x64xf32, #tpu.memory_space<hbm>>
    tpu.enqueue_indirect_dma source(%dma_start3A_37 : memref<1000000x64xf32, #tpu.memory_space<hbm>>) target(%dma_start3A_31 : memref<50x64xf32, #tpu.memory_space<vmem>>) offsets(%dma_start3A_34 : memref<50xi32, #tpu.memory_space<vmem>>) semaphore(%arg8 : memref<!tpu.dma_semaphore, #tpu.memory_space<semaphore_mem>>)
    %dma_start3A_38 = arith.constant 3 : i32
    %dma_start3A_39 = arith.constant 3 : i32
    %dma_start3A_40 = arith.constant 0 : i32
    %dma_start3A_41 = arith.constant 0 : i32
    %dma_start3A_42 = tpu.memref_slice %arg6[%dma_start3A_39, %dma_start3A_40, %dma_start3A_41] : memref<16x50x64xf32, #tpu.memory_space<vmem>> -> memref<1x50x64xf32, #tpu.memory_space<vmem>>
    %dma_start3A_43 = tpu.memref_squeeze %dma_start3A_42 : memref<1x50x64xf32, #tpu.memory_space<vmem>> -> memref<50x64xf32, #tpu.memory_space<vmem>>
    %dma_start3A_44 = arith.constant 0 : i32
    %dma_start3A_45 = tpu.memref_slice %arg5[%dma_start3A_38, %dma_start3A_44] : memref<512x50xi32, #tpu.memory_space<vmem>> -> memref<1x50xi32, #tpu.memory_space<vmem>>
    %dma_start3A_46 = tpu.memref_squeeze %dma_start3A_45 : memref<1x50xi32, #tpu.memory_space<vmem>> -> memref<50xi32, #tpu.memory_space<vmem>>
    %dma_start3A_47 = arith.constant 0 : i32
    %dma_start3A_48 = arith.constant 0 : i32
    %dma_start3A_49 = tpu.memref_slice %arg3[%dma_start3A_47, %dma_start3A_48] : memref<1000000x64xf32, #tpu.memory_space<hbm>> -> memref<1000000x64xf32, #tpu.memory_space<hbm>>
    tpu.enqueue_indirect_dma source(%dma_start3A_49 : memref<1000000x64xf32, #tpu.memory_space<hbm>>) target(%dma_start3A_43 : memref<50x64xf32, #tpu.memory_space<vmem>>) offsets(%dma_start3A_46 : memref<50xi32, #tpu.memory_space<vmem>>) semaphore(%arg8 : memref<!tpu.dma_semaphore, #tpu.memory_space<semaphore_mem>>)
    %dma_start3A_50 = arith.constant 4 : i32
    %dma_start3A_51 = arith.constant 4 : i32
    %dma_start3A_52 = arith.constant 0 : i32
    %dma_start3A_53 = arith.constant 0 : i32
    %dma_start3A_54 = tpu.memref_slice %arg6[%dma_start3A_51, %dma_start3A_52, %dma_start3A_53] : memref<16x50x64xf32, #tpu.memory_space<vmem>> -> memref<1x50x64xf32, #tpu.memory_space<vmem>>
    %dma_start3A_55 = tpu.memref_squeeze %dma_start3A_54 : memref<1x50x64xf32, #tpu.memory_space<vmem>> -> memref<50x64xf32, #tpu.memory_space<vmem>>
    %dma_start3A_56 = arith.constant 0 : i32
    %dma_start3A_57 = tpu.memref_slice %arg5[%dma_start3A_50, %dma_start3A_56] : memref<512x50xi32, #tpu.memory_space<vmem>> -> memref<1x50xi32, #tpu.memory_space<vmem>>
    %dma_start3A_58 = tpu.memref_squeeze %dma_start3A_57 : memref<1x50xi32, #tpu.memory_space<vmem>> -> memref<50xi32, #tpu.memory_space<vmem>>
    %dma_start3A_59 = arith.constant 0 : i32
    %dma_start3A_60 = arith.constant 0 : i32
    %dma_start3A_61 = tpu.memref_slice %arg3[%dma_start3A_59, %dma_start3A_60] : memref<1000000x64xf32, #tpu.memory_space<hbm>> -> memref<1000000x64xf32, #tpu.memory_space<hbm>>
    tpu.enqueue_indirect_dma source(%dma_start3A_61 : memref<1000000x64xf32, #tpu.memory_space<hbm>>) target(%dma_start3A_55 : memref<50x64xf32, #tpu.memory_space<vmem>>) offsets(%dma_start3A_58 : memref<50xi32, #tpu.memory_space<vmem>>) semaphore(%arg8 : memref<!tpu.dma_semaphore, #tpu.memory_space<semaphore_mem>>)
    %dma_start3A_62 = arith.constant 5 : i32
    %dma_start3A_63 = arith.constant 5 : i32
    %dma_start3A_64 = arith.constant 0 : i32
    %dma_start3A_65 = arith.constant 0 : i32
    %dma_start3A_66 = tpu.memref_slice %arg6[%dma_start3A_63, %dma_start3A_64, %dma_start3A_65] : memref<16x50x64xf32, #tpu.memory_space<vmem>> -> memref<1x50x64xf32, #tpu.memory_space<vmem>>
    %dma_start3A_67 = tpu.memref_squeeze %dma_start3A_66 : memref<1x50x64xf32, #tpu.memory_space<vmem>> -> memref<50x64xf32, #tpu.memory_space<vmem>>
    %dma_start3A_68 = arith.constant 0 : i32
    %dma_start3A_69 = tpu.memref_slice %arg5[%dma_start3A_62, %dma_start3A_68] : memref<512x50xi32, #tpu.memory_space<vmem>> -> memref<1x50xi32, #tpu.memory_space<vmem>>
    %dma_start3A_70 = tpu.memref_squeeze %dma_start3A_69 : memref<1x50xi32, #tpu.memory_space<vmem>> -> memref<50xi32, #tpu.memory_space<vmem>>
    %dma_start3A_71 = arith.constant 0 : i32
    %dma_start3A_72 = arith.constant 0 : i32
    %dma_start3A_73 = tpu.memref_slice %arg3[%dma_start3A_71, %dma_start3A_72] : memref<1000000x64xf32, #tpu.memory_space<hbm>> -> memref<1000000x64xf32, #tpu.memory_space<hbm>>
    tpu.enqueue_indirect_dma source(%dma_start3A_73 : memref<1000000x64xf32, #tpu.memory_space<hbm>>) target(%dma_start3A_67 : memref<50x64xf32, #tpu.memory_space<vmem>>) offsets(%dma_start3A_70 : memref<50xi32, #tpu.memory_space<vmem>>) semaphore(%arg8 : memref<!tpu.dma_semaphore, #tpu.memory_space<semaphore_mem>>)
    %dma_start3A_74 = arith.constant 6 : i32
    %dma_start3A_75 = arith.constant 6 : i32
    %dma_start3A_76 = arith.constant 0 : i32
    %dma_start3A_77 = arith.constant 0 : i32
    %dma_start3A_78 = tpu.memref_slice %arg6[%dma_start3A_75, %dma_start3A_76, %dma_start3A_77] : memref<16x50x64xf32, #tpu.memory_space<vmem>> -> memref<1x50x64xf32, #tpu.memory_space<vmem>>
    %dma_start3A_79 = tpu.memref_squeeze %dma_start3A_78 : memref<1x50x64xf32, #tpu.memory_space<vmem>> -> memref<50x64xf32, #tpu.memory_space<vmem>>
    %dma_start3A_80 = arith.constant 0 : i32
    %dma_start3A_81 = tpu.memref_slice %arg5[%dma_start3A_74, %dma_start3A_80] : memref<512x50xi32, #tpu.memory_space<vmem>> -> memref<1x50xi32, #tpu.memory_space<vmem>>
    %dma_start3A_82 = tpu.memref_squeeze %dma_start3A_81 : memref<1x50xi32, #tpu.memory_space<vmem>> -> memref<50xi32, #tpu.memory_space<vmem>>
    %dma_start3A_83 = arith.constant 0 : i32
    %dma_start3A_84 = arith.constant 0 : i32
    %dma_start3A_85 = tpu.memref_slice %arg3[%dma_start3A_83, %dma_start3A_84] : memref<1000000x64xf32, #tpu.memory_space<hbm>> -> memref<1000000x64xf32, #tpu.memory_space<hbm>>
    tpu.enqueue_indirect_dma source(%dma_start3A_85 : memref<1000000x64xf32, #tpu.memory_space<hbm>>) target(%dma_start3A_79 : memref<50x64xf32, #tpu.memory_space<vmem>>) offsets(%dma_start3A_82 : memref<50xi32, #tpu.memory_space<vmem>>) semaphore(%arg8 : memref<!tpu.dma_semaphore, #tpu.memory_space<semaphore_mem>>)
    %dma_start3A_86 = arith.constant 7 : i32
    %dma_start3A_87 = arith.constant 7 : i32
    %dma_start3A_88 = arith.constant 0 : i32
    %dma_start3A_89 = arith.constant 0 : i32
    %dma_start3A_90 = tpu.memref_slice %arg6[%dma_start3A_87, %dma_start3A_88, %dma_start3A_89] : memref<16x50x64xf32, #tpu.memory_space<vmem>> -> memref<1x50x64xf32, #tpu.memory_space<vmem>>
    %dma_start3A_91 = tpu.memref_squeeze %dma_start3A_90 : memref<1x50x64xf32, #tpu.memory_space<vmem>> -> memref<50x64xf32, #tpu.memory_space<vmem>>
    %dma_start3A_92 = arith.constant 0 : i32
    %dma_start3A_93 = tpu.memref_slice %arg5[%dma_start3A_86, %dma_start3A_92] : memref<512x50xi32, #tpu.memory_space<vmem>> -> memref<1x50xi32, #tpu.memory_space<vmem>>
    %dma_start3A_94 = tpu.memref_squeeze %dma_start3A_93 : memref<1x50xi32, #tpu.memory_space<vmem>> -> memref<50xi32, #tpu.memory_space<vmem>>
    %dma_start3A_95 = arith.constant 0 : i32
    %dma_start3A_96 = arith.constant 0 : i32
    %dma_start3A_97 = tpu.memref_slice %arg3[%dma_start3A_95, %dma_start3A_96] : memref<1000000x64xf32, #tpu.memory_space<hbm>> -> memref<1000000x64xf32, #tpu.memory_space<hbm>>
    tpu.enqueue_indirect_dma source(%dma_start3A_97 : memref<1000000x64xf32, #tpu.memory_space<hbm>>) target(%dma_start3A_91 : memref<50x64xf32, #tpu.memory_space<vmem>>) offsets(%dma_start3A_94 : memref<50xi32, #tpu.memory_space<vmem>>) semaphore(%arg8 : memref<!tpu.dma_semaphore, #tpu.memory_space<semaphore_mem>>)
    %dma_start3A_98 = arith.constant 8 : i32
    %dma_start3A_99 = arith.constant 8 : i32
    %dma_start3A_100 = arith.constant 0 : i32
    %dma_start3A_101 = arith.constant 0 : i32
    %dma_start3A_102 = tpu.memref_slice %arg6[%dma_start3A_99, %dma_start3A_100, %dma_start3A_101] : memref<16x50x64xf32, #tpu.memory_space<vmem>> -> memref<1x50x64xf32, #tpu.memory_space<vmem>>
    %dma_start3A_103 = tpu.memref_squeeze %dma_start3A_102 : memref<1x50x64xf32, #tpu.memory_space<vmem>> -> memref<50x64xf32, #tpu.memory_space<vmem>>
    %dma_start3A_104 = arith.constant 0 : i32
    %dma_start3A_105 = tpu.memref_slice %arg5[%dma_start3A_98, %dma_start3A_104] : memref<512x50xi32, #tpu.memory_space<vmem>> -> memref<1x50xi32, #tpu.memory_space<vmem>>
    %dma_start3A_106 = tpu.memref_squeeze %dma_start3A_105 : memref<1x50xi32, #tpu.memory_space<vmem>> -> memref<50xi32, #tpu.memory_space<vmem>>
    %dma_start3A_107 = arith.constant 0 : i32
    %dma_start3A_108 = arith.constant 0 : i32
    %dma_start3A_109 = tpu.memref_slice %arg3[%dma_start3A_107, %dma_start3A_108] : memref<1000000x64xf32, #tpu.memory_space<hbm>> -> memref<1000000x64xf32, #tpu.memory_space<hbm>>
    tpu.enqueue_indirect_dma source(%dma_start3A_109 : memref<1000000x64xf32, #tpu.memory_space<hbm>>) target(%dma_start3A_103 : memref<50x64xf32, #tpu.memory_space<vmem>>) offsets(%dma_start3A_106 : memref<50xi32, #tpu.memory_space<vmem>>) semaphore(%arg8 : memref<!tpu.dma_semaphore, #tpu.memory_space<semaphore_mem>>)
    %dma_start3A_110 = arith.constant 9 : i32
    %dma_start3A_111 = arith.constant 9 : i32
    %dma_start3A_112 = arith.constant 0 : i32
    %dma_start3A_113 = arith.constant 0 : i32
    %dma_start3A_114 = tpu.memref_slice %arg6[%dma_start3A_111, %dma_start3A_112, %dma_start3A_113] : memref<16x50x64xf32, #tpu.memory_space<vmem>> -> memref<1x50x64xf32, #tpu.memory_space<vmem>>
    %dma_start3A_115 = tpu.memref_squeeze %dma_start3A_114 : memref<1x50x64xf32, #tpu.memory_space<vmem>> -> memref<50x64xf32, #tpu.memory_space<vmem>>
    %dma_start3A_116 = arith.constant 0 : i32
    %dma_start3A_117 = tpu.memref_slice %arg5[%dma_start3A_110, %dma_start3A_116] : memref<512x50xi32, #tpu.memory_space<vmem>> -> memref<1x50xi32, #tpu.memory_space<vmem>>
    %dma_start3A_118 = tpu.memref_squeeze %dma_start3A_117 : memref<1x50xi32, #tpu.memory_space<vmem>> -> memref<50xi32, #tpu.memory_space<vmem>>
    %dma_start3A_119 = arith.constant 0 : i32
    %dma_start3A_120 = arith.constant 0 : i32
    %dma_start3A_121 = tpu.memref_slice %arg3[%dma_start3A_119, %dma_start3A_120] : memref<1000000x64xf32, #tpu.memory_space<hbm>> -> memref<1000000x64xf32, #tpu.memory_space<hbm>>
    tpu.enqueue_indirect_dma source(%dma_start3A_121 : memref<1000000x64xf32, #tpu.memory_space<hbm>>) target(%dma_start3A_115 : memref<50x64xf32, #tpu.memory_space<vmem>>) offsets(%dma_start3A_118 : memref<50xi32, #tpu.memory_space<vmem>>) semaphore(%arg8 : memref<!tpu.dma_semaphore, #tpu.memory_space<semaphore_mem>>)
    %dma_start3A_122 = arith.constant 10 : i32
    %dma_start3A_123 = arith.constant 10 : i32
    %dma_start3A_124 = arith.constant 0 : i32
    %dma_start3A_125 = arith.constant 0 : i32
    %dma_start3A_126 = tpu.memref_slice %arg6[%dma_start3A_123, %dma_start3A_124, %dma_start3A_125] : memref<16x50x64xf32, #tpu.memory_space<vmem>> -> memref<1x50x64xf32, #tpu.memory_space<vmem>>
    %dma_start3A_127 = tpu.memref_squeeze %dma_start3A_126 : memref<1x50x64xf32, #tpu.memory_space<vmem>> -> memref<50x64xf32, #tpu.memory_space<vmem>>
    %dma_start3A_128 = arith.constant 0 : i32
    %dma_start3A_129 = tpu.memref_slice %arg5[%dma_start3A_122, %dma_start3A_128] : memref<512x50xi32, #tpu.memory_space<vmem>> -> memref<1x50xi32, #tpu.memory_space<vmem>>
    %dma_start3A_130 = tpu.memref_squeeze %dma_start3A_129 : memref<1x50xi32, #tpu.memory_space<vmem>> -> memref<50xi32, #tpu.memory_space<vmem>>
    %dma_start3A_131 = arith.constant 0 : i32
    %dma_start3A_132 = arith.constant 0 : i32
    %dma_start3A_133 = tpu.memref_slice %arg3[%dma_start3A_131, %dma_start3A_132] : memref<1000000x64xf32, #tpu.memory_space<hbm>> -> memref<1000000x64xf32, #tpu.memory_space<hbm>>
    tpu.enqueue_indirect_dma source(%dma_start3A_133 : memref<1000000x64xf32, #tpu.memory_space<hbm>>) target(%dma_start3A_127 : memref<50x64xf32, #tpu.memory_space<vmem>>) offsets(%dma_start3A_130 : memref<50xi32, #tpu.memory_space<vmem>>) semaphore(%arg8 : memref<!tpu.dma_semaphore, #tpu.memory_space<semaphore_mem>>)
    %dma_start3A_134 = arith.constant 11 : i32
    %dma_start3A_135 = arith.constant 11 : i32
    %dma_start3A_136 = arith.constant 0 : i32
    %dma_start3A_137 = arith.constant 0 : i32
    %dma_start3A_138 = tpu.memref_slice %arg6[%dma_start3A_135, %dma_start3A_136, %dma_start3A_137] : memref<16x50x64xf32, #tpu.memory_space<vmem>> -> memref<1x50x64xf32, #tpu.memory_space<vmem>>
    %dma_start3A_139 = tpu.memref_squeeze %dma_start3A_138 : memref<1x50x64xf32, #tpu.memory_space<vmem>> -> memref<50x64xf32, #tpu.memory_space<vmem>>
    %dma_start3A_140 = arith.constant 0 : i32
    %dma_start3A_141 = tpu.memref_slice %arg5[%dma_start3A_134, %dma_start3A_140] : memref<512x50xi32, #tpu.memory_space<vmem>> -> memref<1x50xi32, #tpu.memory_space<vmem>>
    %dma_start3A_142 = tpu.memref_squeeze %dma_start3A_141 : memref<1x50xi32, #tpu.memory_space<vmem>> -> memref<50xi32, #tpu.memory_space<vmem>>
    %dma_start3A_143 = arith.constant 0 : i32
    %dma_start3A_144 = arith.constant 0 : i32
    %dma_start3A_145 = tpu.memref_slice %arg3[%dma_start3A_143, %dma_start3A_144] : memref<1000000x64xf32, #tpu.memory_space<hbm>> -> memref<1000000x64xf32, #tpu.memory_space<hbm>>
    tpu.enqueue_indirect_dma source(%dma_start3A_145 : memref<1000000x64xf32, #tpu.memory_space<hbm>>) target(%dma_start3A_139 : memref<50x64xf32, #tpu.memory_space<vmem>>) offsets(%dma_start3A_142 : memref<50xi32, #tpu.memory_space<vmem>>) semaphore(%arg8 : memref<!tpu.dma_semaphore, #tpu.memory_space<semaphore_mem>>)
    %dma_start3A_146 = arith.constant 12 : i32
    %dma_start3A_147 = arith.constant 12 : i32
    %dma_start3A_148 = arith.constant 0 : i32
    %dma_start3A_149 = arith.constant 0 : i32
    %dma_start3A_150 = tpu.memref_slice %arg6[%dma_start3A_147, %dma_start3A_148, %dma_start3A_149] : memref<16x50x64xf32, #tpu.memory_space<vmem>> -> memref<1x50x64xf32, #tpu.memory_space<vmem>>
    %dma_start3A_151 = tpu.memref_squeeze %dma_start3A_150 : memref<1x50x64xf32, #tpu.memory_space<vmem>> -> memref<50x64xf32, #tpu.memory_space<vmem>>
    %dma_start3A_152 = arith.constant 0 : i32
    %dma_start3A_153 = tpu.memref_slice %arg5[%dma_start3A_146, %dma_start3A_152] : memref<512x50xi32, #tpu.memory_space<vmem>> -> memref<1x50xi32, #tpu.memory_space<vmem>>
    %dma_start3A_154 = tpu.memref_squeeze %dma_start3A_153 : memref<1x50xi32, #tpu.memory_space<vmem>> -> memref<50xi32, #tpu.memory_space<vmem>>
    %dma_start3A_155 = arith.constant 0 : i32
    %dma_start3A_156 = arith.constant 0 : i32
    %dma_start3A_157 = tpu.memref_slice %arg3[%dma_start3A_155, %dma_start3A_156] : memref<1000000x64xf32, #tpu.memory_space<hbm>> -> memref<1000000x64xf32, #tpu.memory_space<hbm>>
    tpu.enqueue_indirect_dma source(%dma_start3A_157 : memref<1000000x64xf32, #tpu.memory_space<hbm>>) target(%dma_start3A_151 : memref<50x64xf32, #tpu.memory_space<vmem>>) offsets(%dma_start3A_154 : memref<50xi32, #tpu.memory_space<vmem>>) semaphore(%arg8 : memref<!tpu.dma_semaphore, #tpu.memory_space<semaphore_mem>>)
    %dma_start3A_158 = arith.constant 13 : i32
    %dma_start3A_159 = arith.constant 13 : i32
    %dma_start3A_160 = arith.constant 0 : i32
    %dma_start3A_161 = arith.constant 0 : i32
    %dma_start3A_162 = tpu.memref_slice %arg6[%dma_start3A_159, %dma_start3A_160, %dma_start3A_161] : memref<16x50x64xf32, #tpu.memory_space<vmem>> -> memref<1x50x64xf32, #tpu.memory_space<vmem>>
    %dma_start3A_163 = tpu.memref_squeeze %dma_start3A_162 : memref<1x50x64xf32, #tpu.memory_space<vmem>> -> memref<50x64xf32, #tpu.memory_space<vmem>>
    %dma_start3A_164 = arith.constant 0 : i32
    %dma_start3A_165 = tpu.memref_slice %arg5[%dma_start3A_158, %dma_start3A_164] : memref<512x50xi32, #tpu.memory_space<vmem>> -> memref<1x50xi32, #tpu.memory_space<vmem>>
    %dma_start3A_166 = tpu.memref_squeeze %dma_start3A_165 : memref<1x50xi32, #tpu.memory_space<vmem>> -> memref<50xi32, #tpu.memory_space<vmem>>
    %dma_start3A_167 = arith.constant 0 : i32
    %dma_start3A_168 = arith.constant 0 : i32
    %dma_start3A_169 = tpu.memref_slice %arg3[%dma_start3A_167, %dma_start3A_168] : memref<1000000x64xf32, #tpu.memory_space<hbm>> -> memref<1000000x64xf32, #tpu.memory_space<hbm>>
    tpu.enqueue_indirect_dma source(%dma_start3A_169 : memref<1000000x64xf32, #tpu.memory_space<hbm>>) target(%dma_start3A_163 : memref<50x64xf32, #tpu.memory_space<vmem>>) offsets(%dma_start3A_166 : memref<50xi32, #tpu.memory_space<vmem>>) semaphore(%arg8 : memref<!tpu.dma_semaphore, #tpu.memory_space<semaphore_mem>>)
    %dma_start3A_170 = arith.constant 14 : i32
    %dma_start3A_171 = arith.constant 14 : i32
    %dma_start3A_172 = arith.constant 0 : i32
    %dma_start3A_173 = arith.constant 0 : i32
    %dma_start3A_174 = tpu.memref_slice %arg6[%dma_start3A_171, %dma_start3A_172, %dma_start3A_173] : memref<16x50x64xf32, #tpu.memory_space<vmem>> -> memref<1x50x64xf32, #tpu.memory_space<vmem>>
    %dma_start3A_175 = tpu.memref_squeeze %dma_start3A_174 : memref<1x50x64xf32, #tpu.memory_space<vmem>> -> memref<50x64xf32, #tpu.memory_space<vmem>>
    %dma_start3A_176 = arith.constant 0 : i32
    %dma_start3A_177 = tpu.memref_slice %arg5[%dma_start3A_170, %dma_start3A_176] : memref<512x50xi32, #tpu.memory_space<vmem>> -> memref<1x50xi32, #tpu.memory_space<vmem>>
    %dma_start3A_178 = tpu.memref_squeeze %dma_start3A_177 : memref<1x50xi32, #tpu.memory_space<vmem>> -> memref<50xi32, #tpu.memory_space<vmem>>
    %dma_start3A_179 = arith.constant 0 : i32
    %dma_start3A_180 = arith.constant 0 : i32
    %dma_start3A_181 = tpu.memref_slice %arg3[%dma_start3A_179, %dma_start3A_180] : memref<1000000x64xf32, #tpu.memory_space<hbm>> -> memref<1000000x64xf32, #tpu.memory_space<hbm>>
    tpu.enqueue_indirect_dma source(%dma_start3A_181 : memref<1000000x64xf32, #tpu.memory_space<hbm>>) target(%dma_start3A_175 : memref<50x64xf32, #tpu.memory_space<vmem>>) offsets(%dma_start3A_178 : memref<50xi32, #tpu.memory_space<vmem>>) semaphore(%arg8 : memref<!tpu.dma_semaphore, #tpu.memory_space<semaphore_mem>>)
    %dma_start3A_182 = arith.constant 15 : i32
    %dma_start3A_183 = arith.constant 15 : i32
    %dma_start3A_184 = arith.constant 0 : i32
    %dma_start3A_185 = arith.constant 0 : i32
    %dma_start3A_186 = tpu.memref_slice %arg6[%dma_start3A_183, %dma_start3A_184, %dma_start3A_185] : memref<16x50x64xf32, #tpu.memory_space<vmem>> -> memref<1x50x64xf32, #tpu.memory_space<vmem>>
    %dma_start3A_187 = tpu.memref_squeeze %dma_start3A_186 : memref<1x50x64xf32, #tpu.memory_space<vmem>> -> memref<50x64xf32, #tpu.memory_space<vmem>>
    %dma_start3A_188 = arith.constant 0 : i32
    %dma_start3A_189 = tpu.memref_slice %arg5[%dma_start3A_182, %dma_start3A_188] : memref<512x50xi32, #tpu.memory_space<vmem>> -> memref<1x50xi32, #tpu.memory_space<vmem>>
    %dma_start3A_190 = tpu.memref_squeeze %dma_start3A_189 : memref<1x50xi32, #tpu.memory_space<vmem>> -> memref<50xi32, #tpu.memory_space<vmem>>
    %dma_start3A_191 = arith.constant 0 : i32
    %dma_start3A_192 = arith.constant 0 : i32
    %dma_start3A_193 = tpu.memref_slice %arg3[%dma_start3A_191, %dma_start3A_192] : memref<1000000x64xf32, #tpu.memory_space<hbm>> -> memref<1000000x64xf32, #tpu.memory_space<hbm>>
    tpu.enqueue_indirect_dma source(%dma_start3A_193 : memref<1000000x64xf32, #tpu.memory_space<hbm>>) target(%dma_start3A_187 : memref<50x64xf32, #tpu.memory_space<vmem>>) offsets(%dma_start3A_190 : memref<50xi32, #tpu.memory_space<vmem>>) semaphore(%arg8 : memref<!tpu.dma_semaphore, #tpu.memory_space<semaphore_mem>>)
    %scan3A = arith.constant 0 : i32
    %scan3A_194 = arith.constant 15 : i32
    %scan3A_195 = arith.addi %scan3A, %scan3A_194 : i32
    %scan3A_196 = arith.constant 1 : i32
    scf.for %scan3A_777 = %scan3A to %scan3A_195 step %scan3A_196  : i32 {
      %mul3A_778 = arith.constant 2 : i32
      %mul3A_779 = arith.muli %mul3A_778, %scan3A_777 : i32
      %dma_wait3A_780 = arith.constant 0 : i32
      %dma_wait3A_781 = arith.constant 0 : i32
      %dma_wait3A_782 = arith.constant 0 : i32
      %dma_wait3A_783 = arith.constant 0 : i32
      %dma_wait3A_784 = tpu.memref_slice %arg6[%dma_wait3A_781, %dma_wait3A_782, %dma_wait3A_783] : memref<16x50x64xf32, #tpu.memory_space<vmem>> -> memref<1x50x64xf32, #tpu.memory_space<vmem>>
      %dma_wait3A_785 = tpu.memref_squeeze %dma_wait3A_784 : memref<1x50x64xf32, #tpu.memory_space<vmem>> -> memref<50x64xf32, #tpu.memory_space<vmem>>
      %dma_wait3A_786 = arith.constant 0 : i32
      %dma_wait3A_787 = tpu.memref_slice %arg5[%dma_wait3A_780, %dma_wait3A_786] : memref<512x50xi32, #tpu.memory_space<vmem>> -> memref<1x50xi32, #tpu.memory_space<vmem>>
      %dma_wait3A_788 = tpu.memref_squeeze %dma_wait3A_787 : memref<1x50xi32, #tpu.memory_space<vmem>> -> memref<50xi32, #tpu.memory_space<vmem>>
      %dma_wait3A_789 = arith.constant 0 : i32
      %dma_wait3A_790 = arith.constant 0 : i32
      %dma_wait3A_791 = tpu.memref_slice %arg3[%dma_wait3A_789, %dma_wait3A_790] : memref<1000000x64xf32, #tpu.memory_space<hbm>> -> memref<1000000x64xf32, #tpu.memory_space<hbm>>
      tpu.wait_indirect_dma semaphore(%arg8 : memref<!tpu.dma_semaphore, #tpu.memory_space<semaphore_mem>>) src(%dma_wait3A_791 : memref<1000000x64xf32, #tpu.memory_space<hbm>>) dst(%dma_wait3A_785 : memref<50x64xf32, #tpu.memory_space<vmem>>)
      %dma_wait3A_792 = arith.constant 1 : i32
      %dma_wait3A_793 = arith.constant 1 : i32
      %dma_wait3A_794 = arith.constant 0 : i32
      %dma_wait3A_795 = arith.constant 0 : i32
      %dma_wait3A_796 = tpu.memref_slice %arg6[%dma_wait3A_793, %dma_wait3A_794, %dma_wait3A_795] : memref<16x50x64xf32, #tpu.memory_space<vmem>> -> memref<1x50x64xf32, #tpu.memory_space<vmem>>
      %dma_wait3A_797 = tpu.memref_squeeze %dma_wait3A_796 : memref<1x50x64xf32, #tpu.memory_space<vmem>> -> memref<50x64xf32, #tpu.memory_space<vmem>>
      %dma_wait3A_798 = arith.constant 0 : i32
      %dma_wait3A_799 = tpu.memref_slice %arg5[%dma_wait3A_792, %dma_wait3A_798] : memref<512x50xi32, #tpu.memory_space<vmem>> -> memref<1x50xi32, #tpu.memory_space<vmem>>
      %dma_wait3A_800 = tpu.memref_squeeze %dma_wait3A_799 : memref<1x50xi32, #tpu.memory_space<vmem>> -> memref<50xi32, #tpu.memory_space<vmem>>
      %dma_wait3A_801 = arith.constant 0 : i32
      %dma_wait3A_802 = arith.constant 0 : i32
      %dma_wait3A_803 = tpu.memref_slice %arg3[%dma_wait3A_801, %dma_wait3A_802] : memref<1000000x64xf32, #tpu.memory_space<hbm>> -> memref<1000000x64xf32, #tpu.memory_space<hbm>>
      tpu.wait_indirect_dma semaphore(%arg8 : memref<!tpu.dma_semaphore, #tpu.memory_space<semaphore_mem>>) src(%dma_wait3A_803 : memref<1000000x64xf32, #tpu.memory_space<hbm>>) dst(%dma_wait3A_797 : memref<50x64xf32, #tpu.memory_space<vmem>>)
      %dma_wait3A_804 = arith.constant 2 : i32
      %dma_wait3A_805 = arith.constant 2 : i32
      %dma_wait3A_806 = arith.constant 0 : i32
      %dma_wait3A_807 = arith.constant 0 : i32
      %dma_wait3A_808 = tpu.memref_slice %arg6[%dma_wait3A_805, %dma_wait3A_806, %dma_wait3A_807] : memref<16x50x64xf32, #tpu.memory_space<vmem>> -> memref<1x50x64xf32, #tpu.memory_space<vmem>>
      %dma_wait3A_809 = tpu.memref_squeeze %dma_wait3A_808 : memref<1x50x64xf32, #tpu.memory_space<vmem>> -> memref<50x64xf32, #tpu.memory_space<vmem>>
      %dma_wait3A_810 = arith.constant 0 : i32
      %dma_wait3A_811 = tpu.memref_slice %arg5[%dma_wait3A_804, %dma_wait3A_810] : memref<512x50xi32, #tpu.memory_space<vmem>> -> memref<1x50xi32, #tpu.memory_space<vmem>>
      %dma_wait3A_812 = tpu.memref_squeeze %dma_wait3A_811 : memref<1x50xi32, #tpu.memory_space<vmem>> -> memref<50xi32, #tpu.memory_space<vmem>>
      %dma_wait3A_813 = arith.constant 0 : i32
      %dma_wait3A_814 = arith.constant 0 : i32
      %dma_wait3A_815 = tpu.memref_slice %arg3[%dma_wait3A_813, %dma_wait3A_814] : memref<1000000x64xf32, #tpu.memory_space<hbm>> -> memref<1000000x64xf32, #tpu.memory_space<hbm>>
      tpu.wait_indirect_dma semaphore(%arg8 : memref<!tpu.dma_semaphore, #tpu.memory_space<semaphore_mem>>) src(%dma_wait3A_815 : memref<1000000x64xf32, #tpu.memory_space<hbm>>) dst(%dma_wait3A_809 : memref<50x64xf32, #tpu.memory_space<vmem>>)
      %dma_wait3A_816 = arith.constant 3 : i32
      %dma_wait3A_817 = arith.constant 3 : i32
      %dma_wait3A_818 = arith.constant 0 : i32
      %dma_wait3A_819 = arith.constant 0 : i32
      %dma_wait3A_820 = tpu.memref_slice %arg6[%dma_wait3A_817, %dma_wait3A_818, %dma_wait3A_819] : memref<16x50x64xf32, #tpu.memory_space<vmem>> -> memref<1x50x64xf32, #tpu.memory_space<vmem>>
      %dma_wait3A_821 = tpu.memref_squeeze %dma_wait3A_820 : memref<1x50x64xf32, #tpu.memory_space<vmem>> -> memref<50x64xf32, #tpu.memory_space<vmem>>
      %dma_wait3A_822 = arith.constant 0 : i32
      %dma_wait3A_823 = tpu.memref_slice %arg5[%dma_wait3A_816, %dma_wait3A_822] : memref<512x50xi32, #tpu.memory_space<vmem>> -> memref<1x50xi32, #tpu.memory_space<vmem>>
      %dma_wait3A_824 = tpu.memref_squeeze %dma_wait3A_823 : memref<1x50xi32, #tpu.memory_space<vmem>> -> memref<50xi32, #tpu.memory_space<vmem>>
      %dma_wait3A_825 = arith.constant 0 : i32
      %dma_wait3A_826 = arith.constant 0 : i32
      %dma_wait3A_827 = tpu.memref_slice %arg3[%dma_wait3A_825, %dma_wait3A_826] : memref<1000000x64xf32, #tpu.memory_space<hbm>> -> memref<1000000x64xf32, #tpu.memory_space<hbm>>
      tpu.wait_indirect_dma semaphore(%arg8 : memref<!tpu.dma_semaphore, #tpu.memory_space<semaphore_mem>>) src(%dma_wait3A_827 : memref<1000000x64xf32, #tpu.memory_space<hbm>>) dst(%dma_wait3A_821 : memref<50x64xf32, #tpu.memory_space<vmem>>)
      %dma_wait3A_828 = arith.constant 4 : i32
      %dma_wait3A_829 = arith.constant 4 : i32
      %dma_wait3A_830 = arith.constant 0 : i32
      %dma_wait3A_831 = arith.constant 0 : i32
      %dma_wait3A_832 = tpu.memref_slice %arg6[%dma_wait3A_829, %dma_wait3A_830, %dma_wait3A_831] : memref<16x50x64xf32, #tpu.memory_space<vmem>> -> memref<1x50x64xf32, #tpu.memory_space<vmem>>
      %dma_wait3A_833 = tpu.memref_squeeze %dma_wait3A_832 : memref<1x50x64xf32, #tpu.memory_space<vmem>> -> memref<50x64xf32, #tpu.memory_space<vmem>>
      %dma_wait3A_834 = arith.constant 0 : i32
      %dma_wait3A_835 = tpu.memref_slice %arg5[%dma_wait3A_828, %dma_wait3A_834] : memref<512x50xi32, #tpu.memory_space<vmem>> -> memref<1x50xi32, #tpu.memory_space<vmem>>
      %dma_wait3A_836 = tpu.memref_squeeze %dma_wait3A_835 : memref<1x50xi32, #tpu.memory_space<vmem>> -> memref<50xi32, #tpu.memory_space<vmem>>
      %dma_wait3A_837 = arith.constant 0 : i32
      %dma_wait3A_838 = arith.constant 0 : i32
      %dma_wait3A_839 = tpu.memref_slice %arg3[%dma_wait3A_837, %dma_wait3A_838] : memref<1000000x64xf32, #tpu.memory_space<hbm>> -> memref<1000000x64xf32, #tpu.memory_space<hbm>>
      tpu.wait_indirect_dma semaphore(%arg8 : memref<!tpu.dma_semaphore, #tpu.memory_space<semaphore_mem>>) src(%dma_wait3A_839 : memref<1000000x64xf32, #tpu.memory_space<hbm>>) dst(%dma_wait3A_833 : memref<50x64xf32, #tpu.memory_space<vmem>>)
      %dma_wait3A_840 = arith.constant 5 : i32
      %dma_wait3A_841 = arith.constant 5 : i32
      %dma_wait3A_842 = arith.constant 0 : i32
      %dma_wait3A_843 = arith.constant 0 : i32
      %dma_wait3A_844 = tpu.memref_slice %arg6[%dma_wait3A_841, %dma_wait3A_842, %dma_wait3A_843] : memref<16x50x64xf32, #tpu.memory_space<vmem>> -> memref<1x50x64xf32, #tpu.memory_space<vmem>>
      %dma_wait3A_845 = tpu.memref_squeeze %dma_wait3A_844 : memref<1x50x64xf32, #tpu.memory_space<vmem>> -> memref<50x64xf32, #tpu.memory_space<vmem>>
      %dma_wait3A_846 = arith.constant 0 : i32
      %dma_wait3A_847 = tpu.memref_slice %arg5[%dma_wait3A_840, %dma_wait3A_846] : memref<512x50xi32, #tpu.memory_space<vmem>> -> memref<1x50xi32, #tpu.memory_space<vmem>>
      %dma_wait3A_848 = tpu.memref_squeeze %dma_wait3A_847 : memref<1x50xi32, #tpu.memory_space<vmem>> -> memref<50xi32, #tpu.memory_space<vmem>>
      %dma_wait3A_849 = arith.constant 0 : i32
      %dma_wait3A_850 = arith.constant 0 : i32
      %dma_wait3A_851 = tpu.memref_slice %arg3[%dma_wait3A_849, %dma_wait3A_850] : memref<1000000x64xf32, #tpu.memory_space<hbm>> -> memref<1000000x64xf32, #tpu.memory_space<hbm>>
      tpu.wait_indirect_dma semaphore(%arg8 : memref<!tpu.dma_semaphore, #tpu.memory_space<semaphore_mem>>) src(%dma_wait3A_851 : memref<1000000x64xf32, #tpu.memory_space<hbm>>) dst(%dma_wait3A_845 : memref<50x64xf32, #tpu.memory_space<vmem>>)
      %dma_wait3A_852 = arith.constant 6 : i32
      %dma_wait3A_853 = arith.constant 6 : i32
      %dma_wait3A_854 = arith.constant 0 : i32
      %dma_wait3A_855 = arith.constant 0 : i32
      %dma_wait3A_856 = tpu.memref_slice %arg6[%dma_wait3A_853, %dma_wait3A_854, %dma_wait3A_855] : memref<16x50x64xf32, #tpu.memory_space<vmem>> -> memref<1x50x64xf32, #tpu.memory_space<vmem>>
      %dma_wait3A_857 = tpu.memref_squeeze %dma_wait3A_856 : memref<1x50x64xf32, #tpu.memory_space<vmem>> -> memref<50x64xf32, #tpu.memory_space<vmem>>
      %dma_wait3A_858 = arith.constant 0 : i32
      %dma_wait3A_859 = tpu.memref_slice %arg5[%dma_wait3A_852, %dma_wait3A_858] : memref<512x50xi32, #tpu.memory_space<vmem>> -> memref<1x50xi32, #tpu.memory_space<vmem>>
      %dma_wait3A_860 = tpu.memref_squeeze %dma_wait3A_859 : memref<1x50xi32, #tpu.memory_space<vmem>> -> memref<50xi32, #tpu.memory_space<vmem>>
      %dma_wait3A_861 = arith.constant 0 : i32
      %dma_wait3A_862 = arith.constant 0 : i32
      %dma_wait3A_863 = tpu.memref_slice %arg3[%dma_wait3A_861, %dma_wait3A_862] : memref<1000000x64xf32, #tpu.memory_space<hbm>> -> memref<1000000x64xf32, #tpu.memory_space<hbm>>
      tpu.wait_indirect_dma semaphore(%arg8 : memref<!tpu.dma_semaphore, #tpu.memory_space<semaphore_mem>>) src(%dma_wait3A_863 : memref<1000000x64xf32, #tpu.memory_space<hbm>>) dst(%dma_wait3A_857 : memref<50x64xf32, #tpu.memory_space<vmem>>)
      %dma_wait3A_864 = arith.constant 7 : i32
      %dma_wait3A_865 = arith.constant 7 : i32
      %dma_wait3A_866 = arith.constant 0 : i32
      %dma_wait3A_867 = arith.constant 0 : i32
      %dma_wait3A_868 = tpu.memref_slice %arg6[%dma_wait3A_865, %dma_wait3A_866, %dma_wait3A_867] : memref<16x50x64xf32, #tpu.memory_space<vmem>> -> memref<1x50x64xf32, #tpu.memory_space<vmem>>
      %dma_wait3A_869 = tpu.memref_squeeze %dma_wait3A_868 : memref<1x50x64xf32, #tpu.memory_space<vmem>> -> memref<50x64xf32, #tpu.memory_space<vmem>>
      %dma_wait3A_870 = arith.constant 0 : i32
      %dma_wait3A_871 = tpu.memref_slice %arg5[%dma_wait3A_864, %dma_wait3A_870] : memref<512x50xi32, #tpu.memory_space<vmem>> -> memref<1x50xi32, #tpu.memory_space<vmem>>
      %dma_wait3A_872 = tpu.memref_squeeze %dma_wait3A_871 : memref<1x50xi32, #tpu.memory_space<vmem>> -> memref<50xi32, #tpu.memory_space<vmem>>
      %dma_wait3A_873 = arith.constant 0 : i32
      %dma_wait3A_874 = arith.constant 0 : i32
      %dma_wait3A_875 = tpu.memref_slice %arg3[%dma_wait3A_873, %dma_wait3A_874] : memref<1000000x64xf32, #tpu.memory_space<hbm>> -> memref<1000000x64xf32, #tpu.memory_space<hbm>>
      tpu.wait_indirect_dma semaphore(%arg8 : memref<!tpu.dma_semaphore, #tpu.memory_space<semaphore_mem>>) src(%dma_wait3A_875 : memref<1000000x64xf32, #tpu.memory_space<hbm>>) dst(%dma_wait3A_869 : memref<50x64xf32, #tpu.memory_space<vmem>>)
      %dma_wait3A_876 = arith.constant 8 : i32
      %dma_wait3A_877 = arith.constant 8 : i32
      %dma_wait3A_878 = arith.constant 0 : i32
      %dma_wait3A_879 = arith.constant 0 : i32
      %dma_wait3A_880 = tpu.memref_slice %arg6[%dma_wait3A_877, %dma_wait3A_878, %dma_wait3A_879] : memref<16x50x64xf32, #tpu.memory_space<vmem>> -> memref<1x50x64xf32, #tpu.memory_space<vmem>>
      %dma_wait3A_881 = tpu.memref_squeeze %dma_wait3A_880 : memref<1x50x64xf32, #tpu.memory_space<vmem>> -> memref<50x64xf32, #tpu.memory_space<vmem>>
      %dma_wait3A_882 = arith.constant 0 : i32
      %dma_wait3A_883 = tpu.memref_slice %arg5[%dma_wait3A_876, %dma_wait3A_882] : memref<512x50xi32, #tpu.memory_space<vmem>> -> memref<1x50xi32, #tpu.memory_space<vmem>>
      %dma_wait3A_884 = tpu.memref_squeeze %dma_wait3A_883 : memref<1x50xi32, #tpu.memory_space<vmem>> -> memref<50xi32, #tpu.memory_space<vmem>>
      %dma_wait3A_885 = arith.constant 0 : i32
      %dma_wait3A_886 = arith.constant 0 : i32
      %dma_wait3A_887 = tpu.memref_slice %arg3[%dma_wait3A_885, %dma_wait3A_886] : memref<1000000x64xf32, #tpu.memory_space<hbm>> -> memref<1000000x64xf32, #tpu.memory_space<hbm>>
      tpu.wait_indirect_dma semaphore(%arg8 : memref<!tpu.dma_semaphore, #tpu.memory_space<semaphore_mem>>) src(%dma_wait3A_887 : memref<1000000x64xf32, #tpu.memory_space<hbm>>) dst(%dma_wait3A_881 : memref<50x64xf32, #tpu.memory_space<vmem>>)
      %dma_wait3A_888 = arith.constant 9 : i32
      %dma_wait3A_889 = arith.constant 9 : i32
      %dma_wait3A_890 = arith.constant 0 : i32
      %dma_wait3A_891 = arith.constant 0 : i32
      %dma_wait3A_892 = tpu.memref_slice %arg6[%dma_wait3A_889, %dma_wait3A_890, %dma_wait3A_891] : memref<16x50x64xf32, #tpu.memory_space<vmem>> -> memref<1x50x64xf32, #tpu.memory_space<vmem>>
      %dma_wait3A_893 = tpu.memref_squeeze %dma_wait3A_892 : memref<1x50x64xf32, #tpu.memory_space<vmem>> -> memref<50x64xf32, #tpu.memory_space<vmem>>
      %dma_wait3A_894 = arith.constant 0 : i32
      %dma_wait3A_895 = tpu.memref_slice %arg5[%dma_wait3A_888, %dma_wait3A_894] : memref<512x50xi32, #tpu.memory_space<vmem>> -> memref<1x50xi32, #tpu.memory_space<vmem>>
      %dma_wait3A_896 = tpu.memref_squeeze %dma_wait3A_895 : memref<1x50xi32, #tpu.memory_space<vmem>> -> memref<50xi32, #tpu.memory_space<vmem>>
      %dma_wait3A_897 = arith.constant 0 : i32
      %dma_wait3A_898 = arith.constant 0 : i32
      %dma_wait3A_899 = tpu.memref_slice %arg3[%dma_wait3A_897, %dma_wait3A_898] : memref<1000000x64xf32, #tpu.memory_space<hbm>> -> memref<1000000x64xf32, #tpu.memory_space<hbm>>
      tpu.wait_indirect_dma semaphore(%arg8 : memref<!tpu.dma_semaphore, #tpu.memory_space<semaphore_mem>>) src(%dma_wait3A_899 : memref<1000000x64xf32, #tpu.memory_space<hbm>>) dst(%dma_wait3A_893 : memref<50x64xf32, #tpu.memory_space<vmem>>)
      %dma_wait3A_900 = arith.constant 10 : i32
      %dma_wait3A_901 = arith.constant 10 : i32
      %dma_wait3A_902 = arith.constant 0 : i32
      %dma_wait3A_903 = arith.constant 0 : i32
      %dma_wait3A_904 = tpu.memref_slice %arg6[%dma_wait3A_901, %dma_wait3A_902, %dma_wait3A_903] : memref<16x50x64xf32, #tpu.memory_space<vmem>> -> memref<1x50x64xf32, #tpu.memory_space<vmem>>
      %dma_wait3A_905 = tpu.memref_squeeze %dma_wait3A_904 : memref<1x50x64xf32, #tpu.memory_space<vmem>> -> memref<50x64xf32, #tpu.memory_space<vmem>>
      %dma_wait3A_906 = arith.constant 0 : i32
      %dma_wait3A_907 = tpu.memref_slice %arg5[%dma_wait3A_900, %dma_wait3A_906] : memref<512x50xi32, #tpu.memory_space<vmem>> -> memref<1x50xi32, #tpu.memory_space<vmem>>
      %dma_wait3A_908 = tpu.memref_squeeze %dma_wait3A_907 : memref<1x50xi32, #tpu.memory_space<vmem>> -> memref<50xi32, #tpu.memory_space<vmem>>
      %dma_wait3A_909 = arith.constant 0 : i32
      %dma_wait3A_910 = arith.constant 0 : i32
      %dma_wait3A_911 = tpu.memref_slice %arg3[%dma_wait3A_909, %dma_wait3A_910] : memref<1000000x64xf32, #tpu.memory_space<hbm>> -> memref<1000000x64xf32, #tpu.memory_space<hbm>>
      tpu.wait_indirect_dma semaphore(%arg8 : memref<!tpu.dma_semaphore, #tpu.memory_space<semaphore_mem>>) src(%dma_wait3A_911 : memref<1000000x64xf32, #tpu.memory_space<hbm>>) dst(%dma_wait3A_905 : memref<50x64xf32, #tpu.memory_space<vmem>>)
      %dma_wait3A_912 = arith.constant 11 : i32
      %dma_wait3A_913 = arith.constant 11 : i32
      %dma_wait3A_914 = arith.constant 0 : i32
      %dma_wait3A_915 = arith.constant 0 : i32
      %dma_wait3A_916 = tpu.memref_slice %arg6[%dma_wait3A_913, %dma_wait3A_914, %dma_wait3A_915] : memref<16x50x64xf32, #tpu.memory_space<vmem>> -> memref<1x50x64xf32, #tpu.memory_space<vmem>>
      %dma_wait3A_917 = tpu.memref_squeeze %dma_wait3A_916 : memref<1x50x64xf32, #tpu.memory_space<vmem>> -> memref<50x64xf32, #tpu.memory_space<vmem>>
      %dma_wait3A_918 = arith.constant 0 : i32
      %dma_wait3A_919 = tpu.memref_slice %arg5[%dma_wait3A_912, %dma_wait3A_918] : memref<512x50xi32, #tpu.memory_space<vmem>> -> memref<1x50xi32, #tpu.memory_space<vmem>>
      %dma_wait3A_920 = tpu.memref_squeeze %dma_wait3A_919 : memref<1x50xi32, #tpu.memory_space<vmem>> -> memref<50xi32, #tpu.memory_space<vmem>>
      %dma_wait3A_921 = arith.constant 0 : i32
      %dma_wait3A_922 = arith.constant 0 : i32
      %dma_wait3A_923 = tpu.memref_slice %arg3[%dma_wait3A_921, %dma_wait3A_922] : memref<1000000x64xf32, #tpu.memory_space<hbm>> -> memref<1000000x64xf32, #tpu.memory_space<hbm>>
      tpu.wait_indirect_dma semaphore(%arg8 : memref<!tpu.dma_semaphore, #tpu.memory_space<semaphore_mem>>) src(%dma_wait3A_923 : memref<1000000x64xf32, #tpu.memory_space<hbm>>) dst(%dma_wait3A_917 : memref<50x64xf32, #tpu.memory_space<vmem>>)
      %dma_wait3A_924 = arith.constant 12 : i32
      %dma_wait3A_925 = arith.constant 12 : i32
      %dma_wait3A_926 = arith.constant 0 : i32
      %dma_wait3A_927 = arith.constant 0 : i32
      %dma_wait3A_928 = tpu.memref_slice %arg6[%dma_wait3A_925, %dma_wait3A_926, %dma_wait3A_927] : memref<16x50x64xf32, #tpu.memory_space<vmem>> -> memref<1x50x64xf32, #tpu.memory_space<vmem>>
      %dma_wait3A_929 = tpu.memref_squeeze %dma_wait3A_928 : memref<1x50x64xf32, #tpu.memory_space<vmem>> -> memref<50x64xf32, #tpu.memory_space<vmem>>
      %dma_wait3A_930 = arith.constant 0 : i32
      %dma_wait3A_931 = tpu.memref_slice %arg5[%dma_wait3A_924, %dma_wait3A_930] : memref<512x50xi32, #tpu.memory_space<vmem>> -> memref<1x50xi32, #tpu.memory_space<vmem>>
      %dma_wait3A_932 = tpu.memref_squeeze %dma_wait3A_931 : memref<1x50xi32, #tpu.memory_space<vmem>> -> memref<50xi32, #tpu.memory_space<vmem>>
      %dma_wait3A_933 = arith.constant 0 : i32
      %dma_wait3A_934 = arith.constant 0 : i32
      %dma_wait3A_935 = tpu.memref_slice %arg3[%dma_wait3A_933, %dma_wait3A_934] : memref<1000000x64xf32, #tpu.memory_space<hbm>> -> memref<1000000x64xf32, #tpu.memory_space<hbm>>
      tpu.wait_indirect_dma semaphore(%arg8 : memref<!tpu.dma_semaphore, #tpu.memory_space<semaphore_mem>>) src(%dma_wait3A_935 : memref<1000000x64xf32, #tpu.memory_space<hbm>>) dst(%dma_wait3A_929 : memref<50x64xf32, #tpu.memory_space<vmem>>)
      %dma_wait3A_936 = arith.constant 13 : i32
      %dma_wait3A_937 = arith.constant 13 : i32
      %dma_wait3A_938 = arith.constant 0 : i32
      %dma_wait3A_939 = arith.constant 0 : i32
      %dma_wait3A_940 = tpu.memref_slice %arg6[%dma_wait3A_937, %dma_wait3A_938, %dma_wait3A_939] : memref<16x50x64xf32, #tpu.memory_space<vmem>> -> memref<1x50x64xf32, #tpu.memory_space<vmem>>
      %dma_wait3A_941 = tpu.memref_squeeze %dma_wait3A_940 : memref<1x50x64xf32, #tpu.memory_space<vmem>> -> memref<50x64xf32, #tpu.memory_space<vmem>>
      %dma_wait3A_942 = arith.constant 0 : i32
      %dma_wait3A_943 = tpu.memref_slice %arg5[%dma_wait3A_936, %dma_wait3A_942] : memref<512x50xi32, #tpu.memory_space<vmem>> -> memref<1x50xi32, #tpu.memory_space<vmem>>
      %dma_wait3A_944 = tpu.memref_squeeze %dma_wait3A_943 : memref<1x50xi32, #tpu.memory_space<vmem>> -> memref<50xi32, #tpu.memory_space<vmem>>
      %dma_wait3A_945 = arith.constant 0 : i32
      %dma_wait3A_946 = arith.constant 0 : i32
      %dma_wait3A_947 = tpu.memref_slice %arg3[%dma_wait3A_945, %dma_wait3A_946] : memref<1000000x64xf32, #tpu.memory_space<hbm>> -> memref<1000000x64xf32, #tpu.memory_space<hbm>>
      tpu.wait_indirect_dma semaphore(%arg8 : memref<!tpu.dma_semaphore, #tpu.memory_space<semaphore_mem>>) src(%dma_wait3A_947 : memref<1000000x64xf32, #tpu.memory_space<hbm>>) dst(%dma_wait3A_941 : memref<50x64xf32, #tpu.memory_space<vmem>>)
      %dma_wait3A_948 = arith.constant 14 : i32
      %dma_wait3A_949 = arith.constant 14 : i32
      %dma_wait3A_950 = arith.constant 0 : i32
      %dma_wait3A_951 = arith.constant 0 : i32
      %dma_wait3A_952 = tpu.memref_slice %arg6[%dma_wait3A_949, %dma_wait3A_950, %dma_wait3A_951] : memref<16x50x64xf32, #tpu.memory_space<vmem>> -> memref<1x50x64xf32, #tpu.memory_space<vmem>>
      %dma_wait3A_953 = tpu.memref_squeeze %dma_wait3A_952 : memref<1x50x64xf32, #tpu.memory_space<vmem>> -> memref<50x64xf32, #tpu.memory_space<vmem>>
      %dma_wait3A_954 = arith.constant 0 : i32
      %dma_wait3A_955 = tpu.memref_slice %arg5[%dma_wait3A_948, %dma_wait3A_954] : memref<512x50xi32, #tpu.memory_space<vmem>> -> memref<1x50xi32, #tpu.memory_space<vmem>>
      %dma_wait3A_956 = tpu.memref_squeeze %dma_wait3A_955 : memref<1x50xi32, #tpu.memory_space<vmem>> -> memref<50xi32, #tpu.memory_space<vmem>>
      %dma_wait3A_957 = arith.constant 0 : i32
      %dma_wait3A_958 = arith.constant 0 : i32
      %dma_wait3A_959 = tpu.memref_slice %arg3[%dma_wait3A_957, %dma_wait3A_958] : memref<1000000x64xf32, #tpu.memory_space<hbm>> -> memref<1000000x64xf32, #tpu.memory_space<hbm>>
      tpu.wait_indirect_dma semaphore(%arg8 : memref<!tpu.dma_semaphore, #tpu.memory_space<semaphore_mem>>) src(%dma_wait3A_959 : memref<1000000x64xf32, #tpu.memory_space<hbm>>) dst(%dma_wait3A_953 : memref<50x64xf32, #tpu.memory_space<vmem>>)
      %dma_wait3A_960 = arith.constant 15 : i32
      %dma_wait3A_961 = arith.constant 15 : i32
      %dma_wait3A_962 = arith.constant 0 : i32
      %dma_wait3A_963 = arith.constant 0 : i32
      %dma_wait3A_964 = tpu.memref_slice %arg6[%dma_wait3A_961, %dma_wait3A_962, %dma_wait3A_963] : memref<16x50x64xf32, #tpu.memory_space<vmem>> -> memref<1x50x64xf32, #tpu.memory_space<vmem>>
      %dma_wait3A_965 = tpu.memref_squeeze %dma_wait3A_964 : memref<1x50x64xf32, #tpu.memory_space<vmem>> -> memref<50x64xf32, #tpu.memory_space<vmem>>
      %dma_wait3A_966 = arith.constant 0 : i32
      %dma_wait3A_967 = tpu.memref_slice %arg5[%dma_wait3A_960, %dma_wait3A_966] : memref<512x50xi32, #tpu.memory_space<vmem>> -> memref<1x50xi32, #tpu.memory_space<vmem>>
      %dma_wait3A_968 = tpu.memref_squeeze %dma_wait3A_967 : memref<1x50xi32, #tpu.memory_space<vmem>> -> memref<50xi32, #tpu.memory_space<vmem>>
      %dma_wait3A_969 = arith.constant 0 : i32
      %dma_wait3A_970 = arith.constant 0 : i32
      %dma_wait3A_971 = tpu.memref_slice %arg3[%dma_wait3A_969, %dma_wait3A_970] : memref<1000000x64xf32, #tpu.memory_space<hbm>> -> memref<1000000x64xf32, #tpu.memory_space<hbm>>
      tpu.wait_indirect_dma semaphore(%arg8 : memref<!tpu.dma_semaphore, #tpu.memory_space<semaphore_mem>>) src(%dma_wait3A_971 : memref<1000000x64xf32, #tpu.memory_space<hbm>>) dst(%dma_wait3A_965 : memref<50x64xf32, #tpu.memory_space<vmem>>)
      %add3A_972 = arith.constant 1 : i32
      %add3A_973 = arith.addi %mul3A_779, %add3A_972 : i32
      %mul3A_974 = arith.constant 16 : i32
      %mul3A_975 = arith.muli %add3A_973, %mul3A_974 : i32
      %add3A_976 = arith.constant 0 : i32
      %add3A_977 = arith.addi %mul3A_975, %add3A_976 : i32
      %dma_start3A_978 = arith.constant 0 : i32
      %dma_start3A_979 = arith.constant 0 : i32
      %dma_start3A_980 = arith.constant 0 : i32
      %dma_start3A_981 = tpu.memref_slice %arg7[%dma_start3A_978, %dma_start3A_979, %dma_start3A_980] : memref<16x50x64xf32, #tpu.memory_space<vmem>> -> memref<1x50x64xf32, #tpu.memory_space<vmem>>
      %dma_start3A_982 = tpu.memref_squeeze %dma_start3A_981 : memref<1x50x64xf32, #tpu.memory_space<vmem>> -> memref<50x64xf32, #tpu.memory_space<vmem>>
      %dma_start3A_983 = arith.constant 0 : i32
      %dma_start3A_984 = tpu.memref_slice %arg5[%add3A_977, %dma_start3A_983] : memref<512x50xi32, #tpu.memory_space<vmem>> -> memref<1x50xi32, #tpu.memory_space<vmem>>
      %dma_start3A_985 = tpu.memref_squeeze %dma_start3A_984 : memref<1x50xi32, #tpu.memory_space<vmem>> -> memref<50xi32, #tpu.memory_space<vmem>>
      %dma_start3A_986 = arith.constant 0 : i32
      %dma_start3A_987 = arith.constant 0 : i32
      %dma_start3A_988 = tpu.memref_slice %arg3[%dma_start3A_986, %dma_start3A_987] : memref<1000000x64xf32, #tpu.memory_space<hbm>> -> memref<1000000x64xf32, #tpu.memory_space<hbm>>
      tpu.enqueue_indirect_dma source(%dma_start3A_988 : memref<1000000x64xf32, #tpu.memory_space<hbm>>) target(%dma_start3A_982 : memref<50x64xf32, #tpu.memory_space<vmem>>) offsets(%dma_start3A_985 : memref<50xi32, #tpu.memory_space<vmem>>) semaphore(%arg9 : memref<!tpu.dma_semaphore, #tpu.memory_space<semaphore_mem>>)
      %mul3A_989 = arith.constant 16 : i32
      %mul3A_990 = arith.muli %add3A_973, %mul3A_989 : i32
      %add3A_991 = arith.constant 1 : i32
      %add3A_992 = arith.addi %mul3A_990, %add3A_991 : i32
      %dma_start3A_993 = arith.constant 1 : i32
      %dma_start3A_994 = arith.constant 0 : i32
      %dma_start3A_995 = arith.constant 0 : i32
      %dma_start3A_996 = tpu.memref_slice %arg7[%dma_start3A_993, %dma_start3A_994, %dma_start3A_995] : memref<16x50x64xf32, #tpu.memory_space<vmem>> -> memref<1x50x64xf32, #tpu.memory_space<vmem>>
      %dma_start3A_997 = tpu.memref_squeeze %dma_start3A_996 : memref<1x50x64xf32, #tpu.memory_space<vmem>> -> memref<50x64xf32, #tpu.memory_space<vmem>>
      %dma_start3A_998 = arith.constant 0 : i32
      %dma_start3A_999 = tpu.memref_slice %arg5[%add3A_992, %dma_start3A_998] : memref<512x50xi32, #tpu.memory_space<vmem>> -> memref<1x50xi32, #tpu.memory_space<vmem>>
      %dma_start3A_1000 = tpu.memref_squeeze %dma_start3A_999 : memref<1x50xi32, #tpu.memory_space<vmem>> -> memref<50xi32, #tpu.memory_space<vmem>>
      %dma_start3A_1001 = arith.constant 0 : i32
      %dma_start3A_1002 = arith.constant 0 : i32
      %dma_start3A_1003 = tpu.memref_slice %arg3[%dma_start3A_1001, %dma_start3A_1002] : memref<1000000x64xf32, #tpu.memory_space<hbm>> -> memref<1000000x64xf32, #tpu.memory_space<hbm>>
      tpu.enqueue_indirect_dma source(%dma_start3A_1003 : memref<1000000x64xf32, #tpu.memory_space<hbm>>) target(%dma_start3A_997 : memref<50x64xf32, #tpu.memory_space<vmem>>) offsets(%dma_start3A_1000 : memref<50xi32, #tpu.memory_space<vmem>>) semaphore(%arg9 : memref<!tpu.dma_semaphore, #tpu.memory_space<semaphore_mem>>)
      %mul3A_1004 = arith.constant 16 : i32
      %mul3A_1005 = arith.muli %add3A_973, %mul3A_1004 : i32
      %add3A_1006 = arith.constant 2 : i32
      %add3A_1007 = arith.addi %mul3A_1005, %add3A_1006 : i32
      %dma_start3A_1008 = arith.constant 2 : i32
      %dma_start3A_1009 = arith.constant 0 : i32
      %dma_start3A_1010 = arith.constant 0 : i32
      %dma_start3A_1011 = tpu.memref_slice %arg7[%dma_start3A_1008, %dma_start3A_1009, %dma_start3A_1010] : memref<16x50x64xf32, #tpu.memory_space<vmem>> -> memref<1x50x64xf32, #tpu.memory_space<vmem>>
      %dma_start3A_1012 = tpu.memref_squeeze %dma_start3A_1011 : memref<1x50x64xf32, #tpu.memory_space<vmem>> -> memref<50x64xf32, #tpu.memory_space<vmem>>
      %dma_start3A_1013 = arith.constant 0 : i32
      %dma_start3A_1014 = tpu.memref_slice %arg5[%add3A_1007, %dma_start3A_1013] : memref<512x50xi32, #tpu.memory_space<vmem>> -> memref<1x50xi32, #tpu.memory_space<vmem>>
      %dma_start3A_1015 = tpu.memref_squeeze %dma_start3A_1014 : memref<1x50xi32, #tpu.memory_space<vmem>> -> memref<50xi32, #tpu.memory_space<vmem>>
      %dma_start3A_1016 = arith.constant 0 : i32
      %dma_start3A_1017 = arith.constant 0 : i32
      %dma_start3A_1018 = tpu.memref_slice %arg3[%dma_start3A_1016, %dma_start3A_1017] : memref<1000000x64xf32, #tpu.memory_space<hbm>> -> memref<1000000x64xf32, #tpu.memory_space<hbm>>
      tpu.enqueue_indirect_dma source(%dma_start3A_1018 : memref<1000000x64xf32, #tpu.memory_space<hbm>>) target(%dma_start3A_1012 : memref<50x64xf32, #tpu.memory_space<vmem>>) offsets(%dma_start3A_1015 : memref<50xi32, #tpu.memory_space<vmem>>) semaphore(%arg9 : memref<!tpu.dma_semaphore, #tpu.memory_space<semaphore_mem>>)
      %mul3A_1019 = arith.constant 16 : i32
      %mul3A_1020 = arith.muli %add3A_973, %mul3A_1019 : i32
      %add3A_1021 = arith.constant 3 : i32
      %add3A_1022 = arith.addi %mul3A_1020, %add3A_1021 : i32
      %dma_start3A_1023 = arith.constant 3 : i32
      %dma_start3A_1024 = arith.constant 0 : i32
      %dma_start3A_1025 = arith.constant 0 : i32
      %dma_start3A_1026 = tpu.memref_slice %arg7[%dma_start3A_1023, %dma_start3A_1024, %dma_start3A_1025] : memref<16x50x64xf32, #tpu.memory_space<vmem>> -> memref<1x50x64xf32, #tpu.memory_space<vmem>>
      %dma_start3A_1027 = tpu.memref_squeeze %dma_start3A_1026 : memref<1x50x64xf32, #tpu.memory_space<vmem>> -> memref<50x64xf32, #tpu.memory_space<vmem>>
      %dma_start3A_1028 = arith.constant 0 : i32
      %dma_start3A_1029 = tpu.memref_slice %arg5[%add3A_1022, %dma_start3A_1028] : memref<512x50xi32, #tpu.memory_space<vmem>> -> memref<1x50xi32, #tpu.memory_space<vmem>>
      %dma_start3A_1030 = tpu.memref_squeeze %dma_start3A_1029 : memref<1x50xi32, #tpu.memory_space<vmem>> -> memref<50xi32, #tpu.memory_space<vmem>>
      %dma_start3A_1031 = arith.constant 0 : i32
      %dma_start3A_1032 = arith.constant 0 : i32
      %dma_start3A_1033 = tpu.memref_slice %arg3[%dma_start3A_1031, %dma_start3A_1032] : memref<1000000x64xf32, #tpu.memory_space<hbm>> -> memref<1000000x64xf32, #tpu.memory_space<hbm>>
      tpu.enqueue_indirect_dma source(%dma_start3A_1033 : memref<1000000x64xf32, #tpu.memory_space<hbm>>) target(%dma_start3A_1027 : memref<50x64xf32, #tpu.memory_space<vmem>>) offsets(%dma_start3A_1030 : memref<50xi32, #tpu.memory_space<vmem>>) semaphore(%arg9 : memref<!tpu.dma_semaphore, #tpu.memory_space<semaphore_mem>>)
      %mul3A_1034 = arith.constant 16 : i32
      %mul3A_1035 = arith.muli %add3A_973, %mul3A_1034 : i32
      %add3A_1036 = arith.constant 4 : i32
      %add3A_1037 = arith.addi %mul3A_1035, %add3A_1036 : i32
      %dma_start3A_1038 = arith.constant 4 : i32
      %dma_start3A_1039 = arith.constant 0 : i32
      %dma_start3A_1040 = arith.constant 0 : i32
      %dma_start3A_1041 = tpu.memref_slice %arg7[%dma_start3A_1038, %dma_start3A_1039, %dma_start3A_1040] : memref<16x50x64xf32, #tpu.memory_space<vmem>> -> memref<1x50x64xf32, #tpu.memory_space<vmem>>
      %dma_start3A_1042 = tpu.memref_squeeze %dma_start3A_1041 : memref<1x50x64xf32, #tpu.memory_space<vmem>> -> memref<50x64xf32, #tpu.memory_space<vmem>>
      %dma_start3A_1043 = arith.constant 0 : i32
      %dma_start3A_1044 = tpu.memref_slice %arg5[%add3A_1037, %dma_start3A_1043] : memref<512x50xi32, #tpu.memory_space<vmem>> -> memref<1x50xi32, #tpu.memory_space<vmem>>
      %dma_start3A_1045 = tpu.memref_squeeze %dma_start3A_1044 : memref<1x50xi32, #tpu.memory_space<vmem>> -> memref<50xi32, #tpu.memory_space<vmem>>
      %dma_start3A_1046 = arith.constant 0 : i32
      %dma_start3A_1047 = arith.constant 0 : i32
      %dma_start3A_1048 = tpu.memref_slice %arg3[%dma_start3A_1046, %dma_start3A_1047] : memref<1000000x64xf32, #tpu.memory_space<hbm>> -> memref<1000000x64xf32, #tpu.memory_space<hbm>>
      tpu.enqueue_indirect_dma source(%dma_start3A_1048 : memref<1000000x64xf32, #tpu.memory_space<hbm>>) target(%dma_start3A_1042 : memref<50x64xf32, #tpu.memory_space<vmem>>) offsets(%dma_start3A_1045 : memref<50xi32, #tpu.memory_space<vmem>>) semaphore(%arg9 : memref<!tpu.dma_semaphore, #tpu.memory_space<semaphore_mem>>)
      %mul3A_1049 = arith.constant 16 : i32
      %mul3A_1050 = arith.muli %add3A_973, %mul3A_1049 : i32
      %add3A_1051 = arith.constant 5 : i32
      %add3A_1052 = arith.addi %mul3A_1050, %add3A_1051 : i32
      %dma_start3A_1053 = arith.constant 5 : i32
      %dma_start3A_1054 = arith.constant 0 : i32
      %dma_start3A_1055 = arith.constant 0 : i32
      %dma_start3A_1056 = tpu.memref_slice %arg7[%dma_start3A_1053, %dma_start3A_1054, %dma_start3A_1055] : memref<16x50x64xf32, #tpu.memory_space<vmem>> -> memref<1x50x64xf32, #tpu.memory_space<vmem>>
      %dma_start3A_1057 = tpu.memref_squeeze %dma_start3A_1056 : memref<1x50x64xf32, #tpu.memory_space<vmem>> -> memref<50x64xf32, #tpu.memory_space<vmem>>
      %dma_start3A_1058 = arith.constant 0 : i32
      %dma_start3A_1059 = tpu.memref_slice %arg5[%add3A_1052, %dma_start3A_1058] : memref<512x50xi32, #tpu.memory_space<vmem>> -> memref<1x50xi32, #tpu.memory_space<vmem>>
      %dma_start3A_1060 = tpu.memref_squeeze %dma_start3A_1059 : memref<1x50xi32, #tpu.memory_space<vmem>> -> memref<50xi32, #tpu.memory_space<vmem>>
      %dma_start3A_1061 = arith.constant 0 : i32
      %dma_start3A_1062 = arith.constant 0 : i32
      %dma_start3A_1063 = tpu.memref_slice %arg3[%dma_start3A_1061, %dma_start3A_1062] : memref<1000000x64xf32, #tpu.memory_space<hbm>> -> memref<1000000x64xf32, #tpu.memory_space<hbm>>
      tpu.enqueue_indirect_dma source(%dma_start3A_1063 : memref<1000000x64xf32, #tpu.memory_space<hbm>>) target(%dma_start3A_1057 : memref<50x64xf32, #tpu.memory_space<vmem>>) offsets(%dma_start3A_1060 : memref<50xi32, #tpu.memory_space<vmem>>) semaphore(%arg9 : memref<!tpu.dma_semaphore, #tpu.memory_space<semaphore_mem>>)
      %mul3A_1064 = arith.constant 16 : i32
      %mul3A_1065 = arith.muli %add3A_973, %mul3A_1064 : i32
      %add3A_1066 = arith.constant 6 : i32
      %add3A_1067 = arith.addi %mul3A_1065, %add3A_1066 : i32
      %dma_start3A_1068 = arith.constant 6 : i32
      %dma_start3A_1069 = arith.constant 0 : i32
      %dma_start3A_1070 = arith.constant 0 : i32
      %dma_start3A_1071 = tpu.memref_slice %arg7[%dma_start3A_1068, %dma_start3A_1069, %dma_start3A_1070] : memref<16x50x64xf32, #tpu.memory_space<vmem>> -> memref<1x50x64xf32, #tpu.memory_space<vmem>>
      %dma_start3A_1072 = tpu.memref_squeeze %dma_start3A_1071 : memref<1x50x64xf32, #tpu.memory_space<vmem>> -> memref<50x64xf32, #tpu.memory_space<vmem>>
      %dma_start3A_1073 = arith.constant 0 : i32
      %dma_start3A_1074 = tpu.memref_slice %arg5[%add3A_1067, %dma_start3A_1073] : memref<512x50xi32, #tpu.memory_space<vmem>> -> memref<1x50xi32, #tpu.memory_space<vmem>>
      %dma_start3A_1075 = tpu.memref_squeeze %dma_start3A_1074 : memref<1x50xi32, #tpu.memory_space<vmem>> -> memref<50xi32, #tpu.memory_space<vmem>>
      %dma_start3A_1076 = arith.constant 0 : i32
      %dma_start3A_1077 = arith.constant 0 : i32
      %dma_start3A_1078 = tpu.memref_slice %arg3[%dma_start3A_1076, %dma_start3A_1077] : memref<1000000x64xf32, #tpu.memory_space<hbm>> -> memref<1000000x64xf32, #tpu.memory_space<hbm>>
      tpu.enqueue_indirect_dma source(%dma_start3A_1078 : memref<1000000x64xf32, #tpu.memory_space<hbm>>) target(%dma_start3A_1072 : memref<50x64xf32, #tpu.memory_space<vmem>>) offsets(%dma_start3A_1075 : memref<50xi32, #tpu.memory_space<vmem>>) semaphore(%arg9 : memref<!tpu.dma_semaphore, #tpu.memory_space<semaphore_mem>>)
      %mul3A_1079 = arith.constant 16 : i32
      %mul3A_1080 = arith.muli %add3A_973, %mul3A_1079 : i32
      %add3A_1081 = arith.constant 7 : i32
      %add3A_1082 = arith.addi %mul3A_1080, %add3A_1081 : i32
      %dma_start3A_1083 = arith.constant 7 : i32
      %dma_start3A_1084 = arith.constant 0 : i32
      %dma_start3A_1085 = arith.constant 0 : i32
      %dma_start3A_1086 = tpu.memref_slice %arg7[%dma_start3A_1083, %dma_start3A_1084, %dma_start3A_1085] : memref<16x50x64xf32, #tpu.memory_space<vmem>> -> memref<1x50x64xf32, #tpu.memory_space<vmem>>
      %dma_start3A_1087 = tpu.memref_squeeze %dma_start3A_1086 : memref<1x50x64xf32, #tpu.memory_space<vmem>> -> memref<50x64xf32, #tpu.memory_space<vmem>>
      %dma_start3A_1088 = arith.constant 0 : i32
      %dma_start3A_1089 = tpu.memref_slice %arg5[%add3A_1082, %dma_start3A_1088] : memref<512x50xi32, #tpu.memory_space<vmem>> -> memref<1x50xi32, #tpu.memory_space<vmem>>
      %dma_start3A_1090 = tpu.memref_squeeze %dma_start3A_1089 : memref<1x50xi32, #tpu.memory_space<vmem>> -> memref<50xi32, #tpu.memory_space<vmem>>
      %dma_start3A_1091 = arith.constant 0 : i32
      %dma_start3A_1092 = arith.constant 0 : i32
      %dma_start3A_1093 = tpu.memref_slice %arg3[%dma_start3A_1091, %dma_start3A_1092] : memref<1000000x64xf32, #tpu.memory_space<hbm>> -> memref<1000000x64xf32, #tpu.memory_space<hbm>>
      tpu.enqueue_indirect_dma source(%dma_start3A_1093 : memref<1000000x64xf32, #tpu.memory_space<hbm>>) target(%dma_start3A_1087 : memref<50x64xf32, #tpu.memory_space<vmem>>) offsets(%dma_start3A_1090 : memref<50xi32, #tpu.memory_space<vmem>>) semaphore(%arg9 : memref<!tpu.dma_semaphore, #tpu.memory_space<semaphore_mem>>)
      %mul3A_1094 = arith.constant 16 : i32
      %mul3A_1095 = arith.muli %add3A_973, %mul3A_1094 : i32
      %add3A_1096 = arith.constant 8 : i32
      %add3A_1097 = arith.addi %mul3A_1095, %add3A_1096 : i32
      %dma_start3A_1098 = arith.constant 8 : i32
      %dma_start3A_1099 = arith.constant 0 : i32
      %dma_start3A_1100 = arith.constant 0 : i32
      %dma_start3A_1101 = tpu.memref_slice %arg7[%dma_start3A_1098, %dma_start3A_1099, %dma_start3A_1100] : memref<16x50x64xf32, #tpu.memory_space<vmem>> -> memref<1x50x64xf32, #tpu.memory_space<vmem>>
      %dma_start3A_1102 = tpu.memref_squeeze %dma_start3A_1101 : memref<1x50x64xf32, #tpu.memory_space<vmem>> -> memref<50x64xf32, #tpu.memory_space<vmem>>
      %dma_start3A_1103 = arith.constant 0 : i32
      %dma_start3A_1104 = tpu.memref_slice %arg5[%add3A_1097, %dma_start3A_1103] : memref<512x50xi32, #tpu.memory_space<vmem>> -> memref<1x50xi32, #tpu.memory_space<vmem>>
      %dma_start3A_1105 = tpu.memref_squeeze %dma_start3A_1104 : memref<1x50xi32, #tpu.memory_space<vmem>> -> memref<50xi32, #tpu.memory_space<vmem>>
      %dma_start3A_1106 = arith.constant 0 : i32
      %dma_start3A_1107 = arith.constant 0 : i32
      %dma_start3A_1108 = tpu.memref_slice %arg3[%dma_start3A_1106, %dma_start3A_1107] : memref<1000000x64xf32, #tpu.memory_space<hbm>> -> memref<1000000x64xf32, #tpu.memory_space<hbm>>
      tpu.enqueue_indirect_dma source(%dma_start3A_1108 : memref<1000000x64xf32, #tpu.memory_space<hbm>>) target(%dma_start3A_1102 : memref<50x64xf32, #tpu.memory_space<vmem>>) offsets(%dma_start3A_1105 : memref<50xi32, #tpu.memory_space<vmem>>) semaphore(%arg9 : memref<!tpu.dma_semaphore, #tpu.memory_space<semaphore_mem>>)
      %mul3A_1109 = arith.constant 16 : i32
      %mul3A_1110 = arith.muli %add3A_973, %mul3A_1109 : i32
      %add3A_1111 = arith.constant 9 : i32
      %add3A_1112 = arith.addi %mul3A_1110, %add3A_1111 : i32
      %dma_start3A_1113 = arith.constant 9 : i32
      %dma_start3A_1114 = arith.constant 0 : i32
      %dma_start3A_1115 = arith.constant 0 : i32
      %dma_start3A_1116 = tpu.memref_slice %arg7[%dma_start3A_1113, %dma_start3A_1114, %dma_start3A_1115] : memref<16x50x64xf32, #tpu.memory_space<vmem>> -> memref<1x50x64xf32, #tpu.memory_space<vmem>>
      %dma_start3A_1117 = tpu.memref_squeeze %dma_start3A_1116 : memref<1x50x64xf32, #tpu.memory_space<vmem>> -> memref<50x64xf32, #tpu.memory_space<vmem>>
      %dma_start3A_1118 = arith.constant 0 : i32
      %dma_start3A_1119 = tpu.memref_slice %arg5[%add3A_1112, %dma_start3A_1118] : memref<512x50xi32, #tpu.memory_space<vmem>> -> memref<1x50xi32, #tpu.memory_space<vmem>>
      %dma_start3A_1120 = tpu.memref_squeeze %dma_start3A_1119 : memref<1x50xi32, #tpu.memory_space<vmem>> -> memref<50xi32, #tpu.memory_space<vmem>>
      %dma_start3A_1121 = arith.constant 0 : i32
      %dma_start3A_1122 = arith.constant 0 : i32
      %dma_start3A_1123 = tpu.memref_slice %arg3[%dma_start3A_1121, %dma_start3A_1122] : memref<1000000x64xf32, #tpu.memory_space<hbm>> -> memref<1000000x64xf32, #tpu.memory_space<hbm>>
      tpu.enqueue_indirect_dma source(%dma_start3A_1123 : memref<1000000x64xf32, #tpu.memory_space<hbm>>) target(%dma_start3A_1117 : memref<50x64xf32, #tpu.memory_space<vmem>>) offsets(%dma_start3A_1120 : memref<50xi32, #tpu.memory_space<vmem>>) semaphore(%arg9 : memref<!tpu.dma_semaphore, #tpu.memory_space<semaphore_mem>>)
      %mul3A_1124 = arith.constant 16 : i32
      %mul3A_1125 = arith.muli %add3A_973, %mul3A_1124 : i32
      %add3A_1126 = arith.constant 10 : i32
      %add3A_1127 = arith.addi %mul3A_1125, %add3A_1126 : i32
      %dma_start3A_1128 = arith.constant 10 : i32
      %dma_start3A_1129 = arith.constant 0 : i32
      %dma_start3A_1130 = arith.constant 0 : i32
      %dma_start3A_1131 = tpu.memref_slice %arg7[%dma_start3A_1128, %dma_start3A_1129, %dma_start3A_1130] : memref<16x50x64xf32, #tpu.memory_space<vmem>> -> memref<1x50x64xf32, #tpu.memory_space<vmem>>
      %dma_start3A_1132 = tpu.memref_squeeze %dma_start3A_1131 : memref<1x50x64xf32, #tpu.memory_space<vmem>> -> memref<50x64xf32, #tpu.memory_space<vmem>>
      %dma_start3A_1133 = arith.constant 0 : i32
      %dma_start3A_1134 = tpu.memref_slice %arg5[%add3A_1127, %dma_start3A_1133] : memref<512x50xi32, #tpu.memory_space<vmem>> -> memref<1x50xi32, #tpu.memory_space<vmem>>
      %dma_start3A_1135 = tpu.memref_squeeze %dma_start3A_1134 : memref<1x50xi32, #tpu.memory_space<vmem>> -> memref<50xi32, #tpu.memory_space<vmem>>
      %dma_start3A_1136 = arith.constant 0 : i32
      %dma_start3A_1137 = arith.constant 0 : i32
      %dma_start3A_1138 = tpu.memref_slice %arg3[%dma_start3A_1136, %dma_start3A_1137] : memref<1000000x64xf32, #tpu.memory_space<hbm>> -> memref<1000000x64xf32, #tpu.memory_space<hbm>>
      tpu.enqueue_indirect_dma source(%dma_start3A_1138 : memref<1000000x64xf32, #tpu.memory_space<hbm>>) target(%dma_start3A_1132 : memref<50x64xf32, #tpu.memory_space<vmem>>) offsets(%dma_start3A_1135 : memref<50xi32, #tpu.memory_space<vmem>>) semaphore(%arg9 : memref<!tpu.dma_semaphore, #tpu.memory_space<semaphore_mem>>)
      %mul3A_1139 = arith.constant 16 : i32
      %mul3A_1140 = arith.muli %add3A_973, %mul3A_1139 : i32
      %add3A_1141 = arith.constant 11 : i32
      %add3A_1142 = arith.addi %mul3A_1140, %add3A_1141 : i32
      %dma_start3A_1143 = arith.constant 11 : i32
      %dma_start3A_1144 = arith.constant 0 : i32
      %dma_start3A_1145 = arith.constant 0 : i32
      %dma_start3A_1146 = tpu.memref_slice %arg7[%dma_start3A_1143, %dma_start3A_1144, %dma_start3A_1145] : memref<16x50x64xf32, #tpu.memory_space<vmem>> -> memref<1x50x64xf32, #tpu.memory_space<vmem>>
      %dma_start3A_1147 = tpu.memref_squeeze %dma_start3A_1146 : memref<1x50x64xf32, #tpu.memory_space<vmem>> -> memref<50x64xf32, #tpu.memory_space<vmem>>
      %dma_start3A_1148 = arith.constant 0 : i32
      %dma_start3A_1149 = tpu.memref_slice %arg5[%add3A_1142, %dma_start3A_1148] : memref<512x50xi32, #tpu.memory_space<vmem>> -> memref<1x50xi32, #tpu.memory_space<vmem>>
      %dma_start3A_1150 = tpu.memref_squeeze %dma_start3A_1149 : memref<1x50xi32, #tpu.memory_space<vmem>> -> memref<50xi32, #tpu.memory_space<vmem>>
      %dma_start3A_1151 = arith.constant 0 : i32
      %dma_start3A_1152 = arith.constant 0 : i32
      %dma_start3A_1153 = tpu.memref_slice %arg3[%dma_start3A_1151, %dma_start3A_1152] : memref<1000000x64xf32, #tpu.memory_space<hbm>> -> memref<1000000x64xf32, #tpu.memory_space<hbm>>
      tpu.enqueue_indirect_dma source(%dma_start3A_1153 : memref<1000000x64xf32, #tpu.memory_space<hbm>>) target(%dma_start3A_1147 : memref<50x64xf32, #tpu.memory_space<vmem>>) offsets(%dma_start3A_1150 : memref<50xi32, #tpu.memory_space<vmem>>) semaphore(%arg9 : memref<!tpu.dma_semaphore, #tpu.memory_space<semaphore_mem>>)
      %mul3A_1154 = arith.constant 16 : i32
      %mul3A_1155 = arith.muli %add3A_973, %mul3A_1154 : i32
      %add3A_1156 = arith.constant 12 : i32
      %add3A_1157 = arith.addi %mul3A_1155, %add3A_1156 : i32
      %dma_start3A_1158 = arith.constant 12 : i32
      %dma_start3A_1159 = arith.constant 0 : i32
      %dma_start3A_1160 = arith.constant 0 : i32
      %dma_start3A_1161 = tpu.memref_slice %arg7[%dma_start3A_1158, %dma_start3A_1159, %dma_start3A_1160] : memref<16x50x64xf32, #tpu.memory_space<vmem>> -> memref<1x50x64xf32, #tpu.memory_space<vmem>>
      %dma_start3A_1162 = tpu.memref_squeeze %dma_start3A_1161 : memref<1x50x64xf32, #tpu.memory_space<vmem>> -> memref<50x64xf32, #tpu.memory_space<vmem>>
      %dma_start3A_1163 = arith.constant 0 : i32
      %dma_start3A_1164 = tpu.memref_slice %arg5[%add3A_1157, %dma_start3A_1163] : memref<512x50xi32, #tpu.memory_space<vmem>> -> memref<1x50xi32, #tpu.memory_space<vmem>>
      %dma_start3A_1165 = tpu.memref_squeeze %dma_start3A_1164 : memref<1x50xi32, #tpu.memory_space<vmem>> -> memref<50xi32, #tpu.memory_space<vmem>>
      %dma_start3A_1166 = arith.constant 0 : i32
      %dma_start3A_1167 = arith.constant 0 : i32
      %dma_start3A_1168 = tpu.memref_slice %arg3[%dma_start3A_1166, %dma_start3A_1167] : memref<1000000x64xf32, #tpu.memory_space<hbm>> -> memref<1000000x64xf32, #tpu.memory_space<hbm>>
      tpu.enqueue_indirect_dma source(%dma_start3A_1168 : memref<1000000x64xf32, #tpu.memory_space<hbm>>) target(%dma_start3A_1162 : memref<50x64xf32, #tpu.memory_space<vmem>>) offsets(%dma_start3A_1165 : memref<50xi32, #tpu.memory_space<vmem>>) semaphore(%arg9 : memref<!tpu.dma_semaphore, #tpu.memory_space<semaphore_mem>>)
      %mul3A_1169 = arith.constant 16 : i32
      %mul3A_1170 = arith.muli %add3A_973, %mul3A_1169 : i32
      %add3A_1171 = arith.constant 13 : i32
      %add3A_1172 = arith.addi %mul3A_1170, %add3A_1171 : i32
      %dma_start3A_1173 = arith.constant 13 : i32
      %dma_start3A_1174 = arith.constant 0 : i32
      %dma_start3A_1175 = arith.constant 0 : i32
      %dma_start3A_1176 = tpu.memref_slice %arg7[%dma_start3A_1173, %dma_start3A_1174, %dma_start3A_1175] : memref<16x50x64xf32, #tpu.memory_space<vmem>> -> memref<1x50x64xf32, #tpu.memory_space<vmem>>
      %dma_start3A_1177 = tpu.memref_squeeze %dma_start3A_1176 : memref<1x50x64xf32, #tpu.memory_space<vmem>> -> memref<50x64xf32, #tpu.memory_space<vmem>>
      %dma_start3A_1178 = arith.constant 0 : i32
      %dma_start3A_1179 = tpu.memref_slice %arg5[%add3A_1172, %dma_start3A_1178] : memref<512x50xi32, #tpu.memory_space<vmem>> -> memref<1x50xi32, #tpu.memory_space<vmem>>
      %dma_start3A_1180 = tpu.memref_squeeze %dma_start3A_1179 : memref<1x50xi32, #tpu.memory_space<vmem>> -> memref<50xi32, #tpu.memory_space<vmem>>
      %dma_start3A_1181 = arith.constant 0 : i32
      %dma_start3A_1182 = arith.constant 0 : i32
      %dma_start3A_1183 = tpu.memref_slice %arg3[%dma_start3A_1181, %dma_start3A_1182] : memref<1000000x64xf32, #tpu.memory_space<hbm>> -> memref<1000000x64xf32, #tpu.memory_space<hbm>>
      tpu.enqueue_indirect_dma source(%dma_start3A_1183 : memref<1000000x64xf32, #tpu.memory_space<hbm>>) target(%dma_start3A_1177 : memref<50x64xf32, #tpu.memory_space<vmem>>) offsets(%dma_start3A_1180 : memref<50xi32, #tpu.memory_space<vmem>>) semaphore(%arg9 : memref<!tpu.dma_semaphore, #tpu.memory_space<semaphore_mem>>)
      %mul3A_1184 = arith.constant 16 : i32
      %mul3A_1185 = arith.muli %add3A_973, %mul3A_1184 : i32
      %add3A_1186 = arith.constant 14 : i32
      %add3A_1187 = arith.addi %mul3A_1185, %add3A_1186 : i32
      %dma_start3A_1188 = arith.constant 14 : i32
      %dma_start3A_1189 = arith.constant 0 : i32
      %dma_start3A_1190 = arith.constant 0 : i32
      %dma_start3A_1191 = tpu.memref_slice %arg7[%dma_start3A_1188, %dma_start3A_1189, %dma_start3A_1190] : memref<16x50x64xf32, #tpu.memory_space<vmem>> -> memref<1x50x64xf32, #tpu.memory_space<vmem>>
      %dma_start3A_1192 = tpu.memref_squeeze %dma_start3A_1191 : memref<1x50x64xf32, #tpu.memory_space<vmem>> -> memref<50x64xf32, #tpu.memory_space<vmem>>
      %dma_start3A_1193 = arith.constant 0 : i32
      %dma_start3A_1194 = tpu.memref_slice %arg5[%add3A_1187, %dma_start3A_1193] : memref<512x50xi32, #tpu.memory_space<vmem>> -> memref<1x50xi32, #tpu.memory_space<vmem>>
      %dma_start3A_1195 = tpu.memref_squeeze %dma_start3A_1194 : memref<1x50xi32, #tpu.memory_space<vmem>> -> memref<50xi32, #tpu.memory_space<vmem>>
      %dma_start3A_1196 = arith.constant 0 : i32
      %dma_start3A_1197 = arith.constant 0 : i32
      %dma_start3A_1198 = tpu.memref_slice %arg3[%dma_start3A_1196, %dma_start3A_1197] : memref<1000000x64xf32, #tpu.memory_space<hbm>> -> memref<1000000x64xf32, #tpu.memory_space<hbm>>
      tpu.enqueue_indirect_dma source(%dma_start3A_1198 : memref<1000000x64xf32, #tpu.memory_space<hbm>>) target(%dma_start3A_1192 : memref<50x64xf32, #tpu.memory_space<vmem>>) offsets(%dma_start3A_1195 : memref<50xi32, #tpu.memory_space<vmem>>) semaphore(%arg9 : memref<!tpu.dma_semaphore, #tpu.memory_space<semaphore_mem>>)
      %mul3A_1199 = arith.constant 16 : i32
      %mul3A_1200 = arith.muli %add3A_973, %mul3A_1199 : i32
      %add3A_1201 = arith.constant 15 : i32
      %add3A_1202 = arith.addi %mul3A_1200, %add3A_1201 : i32
      %dma_start3A_1203 = arith.constant 15 : i32
      %dma_start3A_1204 = arith.constant 0 : i32
      %dma_start3A_1205 = arith.constant 0 : i32
      %dma_start3A_1206 = tpu.memref_slice %arg7[%dma_start3A_1203, %dma_start3A_1204, %dma_start3A_1205] : memref<16x50x64xf32, #tpu.memory_space<vmem>> -> memref<1x50x64xf32, #tpu.memory_space<vmem>>
      %dma_start3A_1207 = tpu.memref_squeeze %dma_start3A_1206 : memref<1x50x64xf32, #tpu.memory_space<vmem>> -> memref<50x64xf32, #tpu.memory_space<vmem>>
      %dma_start3A_1208 = arith.constant 0 : i32
      %dma_start3A_1209 = tpu.memref_slice %arg5[%add3A_1202, %dma_start3A_1208] : memref<512x50xi32, #tpu.memory_space<vmem>> -> memref<1x50xi32, #tpu.memory_space<vmem>>
      %dma_start3A_1210 = tpu.memref_squeeze %dma_start3A_1209 : memref<1x50xi32, #tpu.memory_space<vmem>> -> memref<50xi32, #tpu.memory_space<vmem>>
      %dma_start3A_1211 = arith.constant 0 : i32
      %dma_start3A_1212 = arith.constant 0 : i32
      %dma_start3A_1213 = tpu.memref_slice %arg3[%dma_start3A_1211, %dma_start3A_1212] : memref<1000000x64xf32, #tpu.memory_space<hbm>> -> memref<1000000x64xf32, #tpu.memory_space<hbm>>
      tpu.enqueue_indirect_dma source(%dma_start3A_1213 : memref<1000000x64xf32, #tpu.memory_space<hbm>>) target(%dma_start3A_1207 : memref<50x64xf32, #tpu.memory_space<vmem>>) offsets(%dma_start3A_1210 : memref<50xi32, #tpu.memory_space<vmem>>) semaphore(%arg9 : memref<!tpu.dma_semaphore, #tpu.memory_space<semaphore_mem>>)
      %mul3A_1214 = arith.constant 16 : i32
      %mul3A_1215 = arith.muli %mul3A_779, %mul3A_1214 : i32
      %add3A_1216 = arith.addi %mul3A_2, %mul3A_1215 : i32
      "tpu.region"() ({
        %run_scoped3A = tpu.sem_alloc : memref<!tpu.dma_semaphore, #tpu.memory_space<semaphore_mem>>
        %dma_start3A_1656 = arith.constant 0 : i32
        %dma_start3A_1657 = arith.constant 0 : i32
        %dma_start3A_1658 = tpu.memref_slice %arg4[%add3A_1216, %dma_start3A_1656, %dma_start3A_1657] : memref<16384x50x64xf32, #tpu.memory_space<hbm>> -> memref<16x50x64xf32, #tpu.memory_space<hbm>>
        %dma_start3A_1659 = arith.constant 0 : i32
        %dma_start3A_1660 = arith.constant 0 : i32
        %dma_start3A_1661 = tpu.memref_slice %arg4[%add3A_1216, %dma_start3A_1659, %dma_start3A_1660] : memref<16384x50x64xf32, #tpu.memory_space<hbm>> -> memref<16x50x64xf32, #tpu.memory_space<hbm>>
        tpu.enqueue_dma source(%arg6 : memref<16x50x64xf32, #tpu.memory_space<vmem>>) target(%dma_start3A_1661 : memref<16x50x64xf32, #tpu.memory_space<hbm>>) target_semaphore(%run_scoped3A : memref<!tpu.dma_semaphore, #tpu.memory_space<semaphore_mem>>)
        %dma_wait3A_1662 = arith.constant 0 : i32
        %dma_wait3A_1663 = arith.constant 0 : i32
        %dma_wait3A_1664 = tpu.memref_slice %arg4[%add3A_1216, %dma_wait3A_1662, %dma_wait3A_1663] : memref<16384x50x64xf32, #tpu.memory_space<hbm>> -> memref<16x50x64xf32, #tpu.memory_space<hbm>>
        %dma_wait3A_1665 = arith.constant 0 : i32
        %dma_wait3A_1666 = arith.constant 0 : i32
        %dma_wait3A_1667 = tpu.memref_slice %arg4[%add3A_1216, %dma_wait3A_1665, %dma_wait3A_1666] : memref<16384x50x64xf32, #tpu.memory_space<hbm>> -> memref<16x50x64xf32, #tpu.memory_space<hbm>>
        tpu.wait_dma2 semaphore(%run_scoped3A : memref<!tpu.dma_semaphore, #tpu.memory_space<semaphore_mem>>) src(%arg6 : memref<16x50x64xf32, #tpu.memory_space<vmem>>) dst(%dma_wait3A_1667 : memref<16x50x64xf32, #tpu.memory_space<hbm>>)
        tpu.yield
      }) : () -> ()
      %dma_wait3A_1217 = arith.constant 0 : i32
      %dma_wait3A_1218 = arith.constant 0 : i32
      %dma_wait3A_1219 = arith.constant 0 : i32
      %dma_wait3A_1220 = arith.constant 0 : i32
      %dma_wait3A_1221 = tpu.memref_slice %arg7[%dma_wait3A_1218, %dma_wait3A_1219, %dma_wait3A_1220] : memref<16x50x64xf32, #tpu.memory_space<vmem>> -> memref<1x50x64xf32, #tpu.memory_space<vmem>>
      %dma_wait3A_1222 = tpu.memref_squeeze %dma_wait3A_1221 : memref<1x50x64xf32, #tpu.memory_space<vmem>> -> memref<50x64xf32, #tpu.memory_space<vmem>>
      %dma_wait3A_1223 = arith.constant 0 : i32
      %dma_wait3A_1224 = tpu.memref_slice %arg5[%dma_wait3A_1217, %dma_wait3A_1223] : memref<512x50xi32, #tpu.memory_space<vmem>> -> memref<1x50xi32, #tpu.memory_space<vmem>>
      %dma_wait3A_1225 = tpu.memref_squeeze %dma_wait3A_1224 : memref<1x50xi32, #tpu.memory_space<vmem>> -> memref<50xi32, #tpu.memory_space<vmem>>
      %dma_wait3A_1226 = arith.constant 0 : i32
      %dma_wait3A_1227 = arith.constant 0 : i32
      %dma_wait3A_1228 = tpu.memref_slice %arg3[%dma_wait3A_1226, %dma_wait3A_1227] : memref<1000000x64xf32, #tpu.memory_space<hbm>> -> memref<1000000x64xf32, #tpu.memory_space<hbm>>
      tpu.wait_indirect_dma semaphore(%arg9 : memref<!tpu.dma_semaphore, #tpu.memory_space<semaphore_mem>>) src(%dma_wait3A_1228 : memref<1000000x64xf32, #tpu.memory_space<hbm>>) dst(%dma_wait3A_1222 : memref<50x64xf32, #tpu.memory_space<vmem>>)
      %dma_wait3A_1229 = arith.constant 1 : i32
      %dma_wait3A_1230 = arith.constant 1 : i32
      %dma_wait3A_1231 = arith.constant 0 : i32
      %dma_wait3A_1232 = arith.constant 0 : i32
      %dma_wait3A_1233 = tpu.memref_slice %arg7[%dma_wait3A_1230, %dma_wait3A_1231, %dma_wait3A_1232] : memref<16x50x64xf32, #tpu.memory_space<vmem>> -> memref<1x50x64xf32, #tpu.memory_space<vmem>>
      %dma_wait3A_1234 = tpu.memref_squeeze %dma_wait3A_1233 : memref<1x50x64xf32, #tpu.memory_space<vmem>> -> memref<50x64xf32, #tpu.memory_space<vmem>>
      %dma_wait3A_1235 = arith.constant 0 : i32
      %dma_wait3A_1236 = tpu.memref_slice %arg5[%dma_wait3A_1229, %dma_wait3A_1235] : memref<512x50xi32, #tpu.memory_space<vmem>> -> memref<1x50xi32, #tpu.memory_space<vmem>>
      %dma_wait3A_1237 = tpu.memref_squeeze %dma_wait3A_1236 : memref<1x50xi32, #tpu.memory_space<vmem>> -> memref<50xi32, #tpu.memory_space<vmem>>
      %dma_wait3A_1238 = arith.constant 0 : i32
      %dma_wait3A_1239 = arith.constant 0 : i32
      %dma_wait3A_1240 = tpu.memref_slice %arg3[%dma_wait3A_1238, %dma_wait3A_1239] : memref<1000000x64xf32, #tpu.memory_space<hbm>> -> memref<1000000x64xf32, #tpu.memory_space<hbm>>
      tpu.wait_indirect_dma semaphore(%arg9 : memref<!tpu.dma_semaphore, #tpu.memory_space<semaphore_mem>>) src(%dma_wait3A_1240 : memref<1000000x64xf32, #tpu.memory_space<hbm>>) dst(%dma_wait3A_1234 : memref<50x64xf32, #tpu.memory_space<vmem>>)
      %dma_wait3A_1241 = arith.constant 2 : i32
      %dma_wait3A_1242 = arith.constant 2 : i32
      %dma_wait3A_1243 = arith.constant 0 : i32
      %dma_wait3A_1244 = arith.constant 0 : i32
      %dma_wait3A_1245 = tpu.memref_slice %arg7[%dma_wait3A_1242, %dma_wait3A_1243, %dma_wait3A_1244] : memref<16x50x64xf32, #tpu.memory_space<vmem>> -> memref<1x50x64xf32, #tpu.memory_space<vmem>>
      %dma_wait3A_1246 = tpu.memref_squeeze %dma_wait3A_1245 : memref<1x50x64xf32, #tpu.memory_space<vmem>> -> memref<50x64xf32, #tpu.memory_space<vmem>>
      %dma_wait3A_1247 = arith.constant 0 : i32
      %dma_wait3A_1248 = tpu.memref_slice %arg5[%dma_wait3A_1241, %dma_wait3A_1247] : memref<512x50xi32, #tpu.memory_space<vmem>> -> memref<1x50xi32, #tpu.memory_space<vmem>>
      %dma_wait3A_1249 = tpu.memref_squeeze %dma_wait3A_1248 : memref<1x50xi32, #tpu.memory_space<vmem>> -> memref<50xi32, #tpu.memory_space<vmem>>
      %dma_wait3A_1250 = arith.constant 0 : i32
      %dma_wait3A_1251 = arith.constant 0 : i32
      %dma_wait3A_1252 = tpu.memref_slice %arg3[%dma_wait3A_1250, %dma_wait3A_1251] : memref<1000000x64xf32, #tpu.memory_space<hbm>> -> memref<1000000x64xf32, #tpu.memory_space<hbm>>
      tpu.wait_indirect_dma semaphore(%arg9 : memref<!tpu.dma_semaphore, #tpu.memory_space<semaphore_mem>>) src(%dma_wait3A_1252 : memref<1000000x64xf32, #tpu.memory_space<hbm>>) dst(%dma_wait3A_1246 : memref<50x64xf32, #tpu.memory_space<vmem>>)
      %dma_wait3A_1253 = arith.constant 3 : i32
      %dma_wait3A_1254 = arith.constant 3 : i32
      %dma_wait3A_1255 = arith.constant 0 : i32
      %dma_wait3A_1256 = arith.constant 0 : i32
      %dma_wait3A_1257 = tpu.memref_slice %arg7[%dma_wait3A_1254, %dma_wait3A_1255, %dma_wait3A_1256] : memref<16x50x64xf32, #tpu.memory_space<vmem>> -> memref<1x50x64xf32, #tpu.memory_space<vmem>>
      %dma_wait3A_1258 = tpu.memref_squeeze %dma_wait3A_1257 : memref<1x50x64xf32, #tpu.memory_space<vmem>> -> memref<50x64xf32, #tpu.memory_space<vmem>>
      %dma_wait3A_1259 = arith.constant 0 : i32
      %dma_wait3A_1260 = tpu.memref_slice %arg5[%dma_wait3A_1253, %dma_wait3A_1259] : memref<512x50xi32, #tpu.memory_space<vmem>> -> memref<1x50xi32, #tpu.memory_space<vmem>>
      %dma_wait3A_1261 = tpu.memref_squeeze %dma_wait3A_1260 : memref<1x50xi32, #tpu.memory_space<vmem>> -> memref<50xi32, #tpu.memory_space<vmem>>
      %dma_wait3A_1262 = arith.constant 0 : i32
      %dma_wait3A_1263 = arith.constant 0 : i32
      %dma_wait3A_1264 = tpu.memref_slice %arg3[%dma_wait3A_1262, %dma_wait3A_1263] : memref<1000000x64xf32, #tpu.memory_space<hbm>> -> memref<1000000x64xf32, #tpu.memory_space<hbm>>
      tpu.wait_indirect_dma semaphore(%arg9 : memref<!tpu.dma_semaphore, #tpu.memory_space<semaphore_mem>>) src(%dma_wait3A_1264 : memref<1000000x64xf32, #tpu.memory_space<hbm>>) dst(%dma_wait3A_1258 : memref<50x64xf32, #tpu.memory_space<vmem>>)
      %dma_wait3A_1265 = arith.constant 4 : i32
      %dma_wait3A_1266 = arith.constant 4 : i32
      %dma_wait3A_1267 = arith.constant 0 : i32
      %dma_wait3A_1268 = arith.constant 0 : i32
      %dma_wait3A_1269 = tpu.memref_slice %arg7[%dma_wait3A_1266, %dma_wait3A_1267, %dma_wait3A_1268] : memref<16x50x64xf32, #tpu.memory_space<vmem>> -> memref<1x50x64xf32, #tpu.memory_space<vmem>>
      %dma_wait3A_1270 = tpu.memref_squeeze %dma_wait3A_1269 : memref<1x50x64xf32, #tpu.memory_space<vmem>> -> memref<50x64xf32, #tpu.memory_space<vmem>>
      %dma_wait3A_1271 = arith.constant 0 : i32
      %dma_wait3A_1272 = tpu.memref_slice %arg5[%dma_wait3A_1265, %dma_wait3A_1271] : memref<512x50xi32, #tpu.memory_space<vmem>> -> memref<1x50xi32, #tpu.memory_space<vmem>>
      %dma_wait3A_1273 = tpu.memref_squeeze %dma_wait3A_1272 : memref<1x50xi32, #tpu.memory_space<vmem>> -> memref<50xi32, #tpu.memory_space<vmem>>
      %dma_wait3A_1274 = arith.constant 0 : i32
      %dma_wait3A_1275 = arith.constant 0 : i32
      %dma_wait3A_1276 = tpu.memref_slice %arg3[%dma_wait3A_1274, %dma_wait3A_1275] : memref<1000000x64xf32, #tpu.memory_space<hbm>> -> memref<1000000x64xf32, #tpu.memory_space<hbm>>
      tpu.wait_indirect_dma semaphore(%arg9 : memref<!tpu.dma_semaphore, #tpu.memory_space<semaphore_mem>>) src(%dma_wait3A_1276 : memref<1000000x64xf32, #tpu.memory_space<hbm>>) dst(%dma_wait3A_1270 : memref<50x64xf32, #tpu.memory_space<vmem>>)
      %dma_wait3A_1277 = arith.constant 5 : i32
      %dma_wait3A_1278 = arith.constant 5 : i32
      %dma_wait3A_1279 = arith.constant 0 : i32
      %dma_wait3A_1280 = arith.constant 0 : i32
      %dma_wait3A_1281 = tpu.memref_slice %arg7[%dma_wait3A_1278, %dma_wait3A_1279, %dma_wait3A_1280] : memref<16x50x64xf32, #tpu.memory_space<vmem>> -> memref<1x50x64xf32, #tpu.memory_space<vmem>>
      %dma_wait3A_1282 = tpu.memref_squeeze %dma_wait3A_1281 : memref<1x50x64xf32, #tpu.memory_space<vmem>> -> memref<50x64xf32, #tpu.memory_space<vmem>>
      %dma_wait3A_1283 = arith.constant 0 : i32
      %dma_wait3A_1284 = tpu.memref_slice %arg5[%dma_wait3A_1277, %dma_wait3A_1283] : memref<512x50xi32, #tpu.memory_space<vmem>> -> memref<1x50xi32, #tpu.memory_space<vmem>>
      %dma_wait3A_1285 = tpu.memref_squeeze %dma_wait3A_1284 : memref<1x50xi32, #tpu.memory_space<vmem>> -> memref<50xi32, #tpu.memory_space<vmem>>
      %dma_wait3A_1286 = arith.constant 0 : i32
      %dma_wait3A_1287 = arith.constant 0 : i32
      %dma_wait3A_1288 = tpu.memref_slice %arg3[%dma_wait3A_1286, %dma_wait3A_1287] : memref<1000000x64xf32, #tpu.memory_space<hbm>> -> memref<1000000x64xf32, #tpu.memory_space<hbm>>
      tpu.wait_indirect_dma semaphore(%arg9 : memref<!tpu.dma_semaphore, #tpu.memory_space<semaphore_mem>>) src(%dma_wait3A_1288 : memref<1000000x64xf32, #tpu.memory_space<hbm>>) dst(%dma_wait3A_1282 : memref<50x64xf32, #tpu.memory_space<vmem>>)
      %dma_wait3A_1289 = arith.constant 6 : i32
      %dma_wait3A_1290 = arith.constant 6 : i32
      %dma_wait3A_1291 = arith.constant 0 : i32
      %dma_wait3A_1292 = arith.constant 0 : i32
      %dma_wait3A_1293 = tpu.memref_slice %arg7[%dma_wait3A_1290, %dma_wait3A_1291, %dma_wait3A_1292] : memref<16x50x64xf32, #tpu.memory_space<vmem>> -> memref<1x50x64xf32, #tpu.memory_space<vmem>>
      %dma_wait3A_1294 = tpu.memref_squeeze %dma_wait3A_1293 : memref<1x50x64xf32, #tpu.memory_space<vmem>> -> memref<50x64xf32, #tpu.memory_space<vmem>>
      %dma_wait3A_1295 = arith.constant 0 : i32
      %dma_wait3A_1296 = tpu.memref_slice %arg5[%dma_wait3A_1289, %dma_wait3A_1295] : memref<512x50xi32, #tpu.memory_space<vmem>> -> memref<1x50xi32, #tpu.memory_space<vmem>>
      %dma_wait3A_1297 = tpu.memref_squeeze %dma_wait3A_1296 : memref<1x50xi32, #tpu.memory_space<vmem>> -> memref<50xi32, #tpu.memory_space<vmem>>
      %dma_wait3A_1298 = arith.constant 0 : i32
      %dma_wait3A_1299 = arith.constant 0 : i32
      %dma_wait3A_1300 = tpu.memref_slice %arg3[%dma_wait3A_1298, %dma_wait3A_1299] : memref<1000000x64xf32, #tpu.memory_space<hbm>> -> memref<1000000x64xf32, #tpu.memory_space<hbm>>
      tpu.wait_indirect_dma semaphore(%arg9 : memref<!tpu.dma_semaphore, #tpu.memory_space<semaphore_mem>>) src(%dma_wait3A_1300 : memref<1000000x64xf32, #tpu.memory_space<hbm>>) dst(%dma_wait3A_1294 : memref<50x64xf32, #tpu.memory_space<vmem>>)
      %dma_wait3A_1301 = arith.constant 7 : i32
      %dma_wait3A_1302 = arith.constant 7 : i32
      %dma_wait3A_1303 = arith.constant 0 : i32
      %dma_wait3A_1304 = arith.constant 0 : i32
      %dma_wait3A_1305 = tpu.memref_slice %arg7[%dma_wait3A_1302, %dma_wait3A_1303, %dma_wait3A_1304] : memref<16x50x64xf32, #tpu.memory_space<vmem>> -> memref<1x50x64xf32, #tpu.memory_space<vmem>>
      %dma_wait3A_1306 = tpu.memref_squeeze %dma_wait3A_1305 : memref<1x50x64xf32, #tpu.memory_space<vmem>> -> memref<50x64xf32, #tpu.memory_space<vmem>>
      %dma_wait3A_1307 = arith.constant 0 : i32
      %dma_wait3A_1308 = tpu.memref_slice %arg5[%dma_wait3A_1301, %dma_wait3A_1307] : memref<512x50xi32, #tpu.memory_space<vmem>> -> memref<1x50xi32, #tpu.memory_space<vmem>>
      %dma_wait3A_1309 = tpu.memref_squeeze %dma_wait3A_1308 : memref<1x50xi32, #tpu.memory_space<vmem>> -> memref<50xi32, #tpu.memory_space<vmem>>
      %dma_wait3A_1310 = arith.constant 0 : i32
      %dma_wait3A_1311 = arith.constant 0 : i32
      %dma_wait3A_1312 = tpu.memref_slice %arg3[%dma_wait3A_1310, %dma_wait3A_1311] : memref<1000000x64xf32, #tpu.memory_space<hbm>> -> memref<1000000x64xf32, #tpu.memory_space<hbm>>
      tpu.wait_indirect_dma semaphore(%arg9 : memref<!tpu.dma_semaphore, #tpu.memory_space<semaphore_mem>>) src(%dma_wait3A_1312 : memref<1000000x64xf32, #tpu.memory_space<hbm>>) dst(%dma_wait3A_1306 : memref<50x64xf32, #tpu.memory_space<vmem>>)
      %dma_wait3A_1313 = arith.constant 8 : i32
      %dma_wait3A_1314 = arith.constant 8 : i32
      %dma_wait3A_1315 = arith.constant 0 : i32
      %dma_wait3A_1316 = arith.constant 0 : i32
      %dma_wait3A_1317 = tpu.memref_slice %arg7[%dma_wait3A_1314, %dma_wait3A_1315, %dma_wait3A_1316] : memref<16x50x64xf32, #tpu.memory_space<vmem>> -> memref<1x50x64xf32, #tpu.memory_space<vmem>>
      %dma_wait3A_1318 = tpu.memref_squeeze %dma_wait3A_1317 : memref<1x50x64xf32, #tpu.memory_space<vmem>> -> memref<50x64xf32, #tpu.memory_space<vmem>>
      %dma_wait3A_1319 = arith.constant 0 : i32
      %dma_wait3A_1320 = tpu.memref_slice %arg5[%dma_wait3A_1313, %dma_wait3A_1319] : memref<512x50xi32, #tpu.memory_space<vmem>> -> memref<1x50xi32, #tpu.memory_space<vmem>>
      %dma_wait3A_1321 = tpu.memref_squeeze %dma_wait3A_1320 : memref<1x50xi32, #tpu.memory_space<vmem>> -> memref<50xi32, #tpu.memory_space<vmem>>
      %dma_wait3A_1322 = arith.constant 0 : i32
      %dma_wait3A_1323 = arith.constant 0 : i32
      %dma_wait3A_1324 = tpu.memref_slice %arg3[%dma_wait3A_1322, %dma_wait3A_1323] : memref<1000000x64xf32, #tpu.memory_space<hbm>> -> memref<1000000x64xf32, #tpu.memory_space<hbm>>
      tpu.wait_indirect_dma semaphore(%arg9 : memref<!tpu.dma_semaphore, #tpu.memory_space<semaphore_mem>>) src(%dma_wait3A_1324 : memref<1000000x64xf32, #tpu.memory_space<hbm>>) dst(%dma_wait3A_1318 : memref<50x64xf32, #tpu.memory_space<vmem>>)
      %dma_wait3A_1325 = arith.constant 9 : i32
      %dma_wait3A_1326 = arith.constant 9 : i32
      %dma_wait3A_1327 = arith.constant 0 : i32
      %dma_wait3A_1328 = arith.constant 0 : i32
      %dma_wait3A_1329 = tpu.memref_slice %arg7[%dma_wait3A_1326, %dma_wait3A_1327, %dma_wait3A_1328] : memref<16x50x64xf32, #tpu.memory_space<vmem>> -> memref<1x50x64xf32, #tpu.memory_space<vmem>>
      %dma_wait3A_1330 = tpu.memref_squeeze %dma_wait3A_1329 : memref<1x50x64xf32, #tpu.memory_space<vmem>> -> memref<50x64xf32, #tpu.memory_space<vmem>>
      %dma_wait3A_1331 = arith.constant 0 : i32
      %dma_wait3A_1332 = tpu.memref_slice %arg5[%dma_wait3A_1325, %dma_wait3A_1331] : memref<512x50xi32, #tpu.memory_space<vmem>> -> memref<1x50xi32, #tpu.memory_space<vmem>>
      %dma_wait3A_1333 = tpu.memref_squeeze %dma_wait3A_1332 : memref<1x50xi32, #tpu.memory_space<vmem>> -> memref<50xi32, #tpu.memory_space<vmem>>
      %dma_wait3A_1334 = arith.constant 0 : i32
      %dma_wait3A_1335 = arith.constant 0 : i32
      %dma_wait3A_1336 = tpu.memref_slice %arg3[%dma_wait3A_1334, %dma_wait3A_1335] : memref<1000000x64xf32, #tpu.memory_space<hbm>> -> memref<1000000x64xf32, #tpu.memory_space<hbm>>
      tpu.wait_indirect_dma semaphore(%arg9 : memref<!tpu.dma_semaphore, #tpu.memory_space<semaphore_mem>>) src(%dma_wait3A_1336 : memref<1000000x64xf32, #tpu.memory_space<hbm>>) dst(%dma_wait3A_1330 : memref<50x64xf32, #tpu.memory_space<vmem>>)
      %dma_wait3A_1337 = arith.constant 10 : i32
      %dma_wait3A_1338 = arith.constant 10 : i32
      %dma_wait3A_1339 = arith.constant 0 : i32
      %dma_wait3A_1340 = arith.constant 0 : i32
      %dma_wait3A_1341 = tpu.memref_slice %arg7[%dma_wait3A_1338, %dma_wait3A_1339, %dma_wait3A_1340] : memref<16x50x64xf32, #tpu.memory_space<vmem>> -> memref<1x50x64xf32, #tpu.memory_space<vmem>>
      %dma_wait3A_1342 = tpu.memref_squeeze %dma_wait3A_1341 : memref<1x50x64xf32, #tpu.memory_space<vmem>> -> memref<50x64xf32, #tpu.memory_space<vmem>>
      %dma_wait3A_1343 = arith.constant 0 : i32
      %dma_wait3A_1344 = tpu.memref_slice %arg5[%dma_wait3A_1337, %dma_wait3A_1343] : memref<512x50xi32, #tpu.memory_space<vmem>> -> memref<1x50xi32, #tpu.memory_space<vmem>>
      %dma_wait3A_1345 = tpu.memref_squeeze %dma_wait3A_1344 : memref<1x50xi32, #tpu.memory_space<vmem>> -> memref<50xi32, #tpu.memory_space<vmem>>
      %dma_wait3A_1346 = arith.constant 0 : i32
      %dma_wait3A_1347 = arith.constant 0 : i32
      %dma_wait3A_1348 = tpu.memref_slice %arg3[%dma_wait3A_1346, %dma_wait3A_1347] : memref<1000000x64xf32, #tpu.memory_space<hbm>> -> memref<1000000x64xf32, #tpu.memory_space<hbm>>
      tpu.wait_indirect_dma semaphore(%arg9 : memref<!tpu.dma_semaphore, #tpu.memory_space<semaphore_mem>>) src(%dma_wait3A_1348 : memref<1000000x64xf32, #tpu.memory_space<hbm>>) dst(%dma_wait3A_1342 : memref<50x64xf32, #tpu.memory_space<vmem>>)
      %dma_wait3A_1349 = arith.constant 11 : i32
      %dma_wait3A_1350 = arith.constant 11 : i32
      %dma_wait3A_1351 = arith.constant 0 : i32
      %dma_wait3A_1352 = arith.constant 0 : i32
      %dma_wait3A_1353 = tpu.memref_slice %arg7[%dma_wait3A_1350, %dma_wait3A_1351, %dma_wait3A_1352] : memref<16x50x64xf32, #tpu.memory_space<vmem>> -> memref<1x50x64xf32, #tpu.memory_space<vmem>>
      %dma_wait3A_1354 = tpu.memref_squeeze %dma_wait3A_1353 : memref<1x50x64xf32, #tpu.memory_space<vmem>> -> memref<50x64xf32, #tpu.memory_space<vmem>>
      %dma_wait3A_1355 = arith.constant 0 : i32
      %dma_wait3A_1356 = tpu.memref_slice %arg5[%dma_wait3A_1349, %dma_wait3A_1355] : memref<512x50xi32, #tpu.memory_space<vmem>> -> memref<1x50xi32, #tpu.memory_space<vmem>>
      %dma_wait3A_1357 = tpu.memref_squeeze %dma_wait3A_1356 : memref<1x50xi32, #tpu.memory_space<vmem>> -> memref<50xi32, #tpu.memory_space<vmem>>
      %dma_wait3A_1358 = arith.constant 0 : i32
      %dma_wait3A_1359 = arith.constant 0 : i32
      %dma_wait3A_1360 = tpu.memref_slice %arg3[%dma_wait3A_1358, %dma_wait3A_1359] : memref<1000000x64xf32, #tpu.memory_space<hbm>> -> memref<1000000x64xf32, #tpu.memory_space<hbm>>
      tpu.wait_indirect_dma semaphore(%arg9 : memref<!tpu.dma_semaphore, #tpu.memory_space<semaphore_mem>>) src(%dma_wait3A_1360 : memref<1000000x64xf32, #tpu.memory_space<hbm>>) dst(%dma_wait3A_1354 : memref<50x64xf32, #tpu.memory_space<vmem>>)
      %dma_wait3A_1361 = arith.constant 12 : i32
      %dma_wait3A_1362 = arith.constant 12 : i32
      %dma_wait3A_1363 = arith.constant 0 : i32
      %dma_wait3A_1364 = arith.constant 0 : i32
      %dma_wait3A_1365 = tpu.memref_slice %arg7[%dma_wait3A_1362, %dma_wait3A_1363, %dma_wait3A_1364] : memref<16x50x64xf32, #tpu.memory_space<vmem>> -> memref<1x50x64xf32, #tpu.memory_space<vmem>>
      %dma_wait3A_1366 = tpu.memref_squeeze %dma_wait3A_1365 : memref<1x50x64xf32, #tpu.memory_space<vmem>> -> memref<50x64xf32, #tpu.memory_space<vmem>>
      %dma_wait3A_1367 = arith.constant 0 : i32
      %dma_wait3A_1368 = tpu.memref_slice %arg5[%dma_wait3A_1361, %dma_wait3A_1367] : memref<512x50xi32, #tpu.memory_space<vmem>> -> memref<1x50xi32, #tpu.memory_space<vmem>>
      %dma_wait3A_1369 = tpu.memref_squeeze %dma_wait3A_1368 : memref<1x50xi32, #tpu.memory_space<vmem>> -> memref<50xi32, #tpu.memory_space<vmem>>
      %dma_wait3A_1370 = arith.constant 0 : i32
      %dma_wait3A_1371 = arith.constant 0 : i32
      %dma_wait3A_1372 = tpu.memref_slice %arg3[%dma_wait3A_1370, %dma_wait3A_1371] : memref<1000000x64xf32, #tpu.memory_space<hbm>> -> memref<1000000x64xf32, #tpu.memory_space<hbm>>
      tpu.wait_indirect_dma semaphore(%arg9 : memref<!tpu.dma_semaphore, #tpu.memory_space<semaphore_mem>>) src(%dma_wait3A_1372 : memref<1000000x64xf32, #tpu.memory_space<hbm>>) dst(%dma_wait3A_1366 : memref<50x64xf32, #tpu.memory_space<vmem>>)
      %dma_wait3A_1373 = arith.constant 13 : i32
      %dma_wait3A_1374 = arith.constant 13 : i32
      %dma_wait3A_1375 = arith.constant 0 : i32
      %dma_wait3A_1376 = arith.constant 0 : i32
      %dma_wait3A_1377 = tpu.memref_slice %arg7[%dma_wait3A_1374, %dma_wait3A_1375, %dma_wait3A_1376] : memref<16x50x64xf32, #tpu.memory_space<vmem>> -> memref<1x50x64xf32, #tpu.memory_space<vmem>>
      %dma_wait3A_1378 = tpu.memref_squeeze %dma_wait3A_1377 : memref<1x50x64xf32, #tpu.memory_space<vmem>> -> memref<50x64xf32, #tpu.memory_space<vmem>>
      %dma_wait3A_1379 = arith.constant 0 : i32
      %dma_wait3A_1380 = tpu.memref_slice %arg5[%dma_wait3A_1373, %dma_wait3A_1379] : memref<512x50xi32, #tpu.memory_space<vmem>> -> memref<1x50xi32, #tpu.memory_space<vmem>>
      %dma_wait3A_1381 = tpu.memref_squeeze %dma_wait3A_1380 : memref<1x50xi32, #tpu.memory_space<vmem>> -> memref<50xi32, #tpu.memory_space<vmem>>
      %dma_wait3A_1382 = arith.constant 0 : i32
      %dma_wait3A_1383 = arith.constant 0 : i32
      %dma_wait3A_1384 = tpu.memref_slice %arg3[%dma_wait3A_1382, %dma_wait3A_1383] : memref<1000000x64xf32, #tpu.memory_space<hbm>> -> memref<1000000x64xf32, #tpu.memory_space<hbm>>
      tpu.wait_indirect_dma semaphore(%arg9 : memref<!tpu.dma_semaphore, #tpu.memory_space<semaphore_mem>>) src(%dma_wait3A_1384 : memref<1000000x64xf32, #tpu.memory_space<hbm>>) dst(%dma_wait3A_1378 : memref<50x64xf32, #tpu.memory_space<vmem>>)
      %dma_wait3A_1385 = arith.constant 14 : i32
      %dma_wait3A_1386 = arith.constant 14 : i32
      %dma_wait3A_1387 = arith.constant 0 : i32
      %dma_wait3A_1388 = arith.constant 0 : i32
      %dma_wait3A_1389 = tpu.memref_slice %arg7[%dma_wait3A_1386, %dma_wait3A_1387, %dma_wait3A_1388] : memref<16x50x64xf32, #tpu.memory_space<vmem>> -> memref<1x50x64xf32, #tpu.memory_space<vmem>>
      %dma_wait3A_1390 = tpu.memref_squeeze %dma_wait3A_1389 : memref<1x50x64xf32, #tpu.memory_space<vmem>> -> memref<50x64xf32, #tpu.memory_space<vmem>>
      %dma_wait3A_1391 = arith.constant 0 : i32
      %dma_wait3A_1392 = tpu.memref_slice %arg5[%dma_wait3A_1385, %dma_wait3A_1391] : memref<512x50xi32, #tpu.memory_space<vmem>> -> memref<1x50xi32, #tpu.memory_space<vmem>>
      %dma_wait3A_1393 = tpu.memref_squeeze %dma_wait3A_1392 : memref<1x50xi32, #tpu.memory_space<vmem>> -> memref<50xi32, #tpu.memory_space<vmem>>
      %dma_wait3A_1394 = arith.constant 0 : i32
      %dma_wait3A_1395 = arith.constant 0 : i32
      %dma_wait3A_1396 = tpu.memref_slice %arg3[%dma_wait3A_1394, %dma_wait3A_1395] : memref<1000000x64xf32, #tpu.memory_space<hbm>> -> memref<1000000x64xf32, #tpu.memory_space<hbm>>
      tpu.wait_indirect_dma semaphore(%arg9 : memref<!tpu.dma_semaphore, #tpu.memory_space<semaphore_mem>>) src(%dma_wait3A_1396 : memref<1000000x64xf32, #tpu.memory_space<hbm>>) dst(%dma_wait3A_1390 : memref<50x64xf32, #tpu.memory_space<vmem>>)
      %dma_wait3A_1397 = arith.constant 15 : i32
      %dma_wait3A_1398 = arith.constant 15 : i32
      %dma_wait3A_1399 = arith.constant 0 : i32
      %dma_wait3A_1400 = arith.constant 0 : i32
      %dma_wait3A_1401 = tpu.memref_slice %arg7[%dma_wait3A_1398, %dma_wait3A_1399, %dma_wait3A_1400] : memref<16x50x64xf32, #tpu.memory_space<vmem>> -> memref<1x50x64xf32, #tpu.memory_space<vmem>>
      %dma_wait3A_1402 = tpu.memref_squeeze %dma_wait3A_1401 : memref<1x50x64xf32, #tpu.memory_space<vmem>> -> memref<50x64xf32, #tpu.memory_space<vmem>>
      %dma_wait3A_1403 = arith.constant 0 : i32
      %dma_wait3A_1404 = tpu.memref_slice %arg5[%dma_wait3A_1397, %dma_wait3A_1403] : memref<512x50xi32, #tpu.memory_space<vmem>> -> memref<1x50xi32, #tpu.memory_space<vmem>>
      %dma_wait3A_1405 = tpu.memref_squeeze %dma_wait3A_1404 : memref<1x50xi32, #tpu.memory_space<vmem>> -> memref<50xi32, #tpu.memory_space<vmem>>
      %dma_wait3A_1406 = arith.constant 0 : i32
      %dma_wait3A_1407 = arith.constant 0 : i32
      %dma_wait3A_1408 = tpu.memref_slice %arg3[%dma_wait3A_1406, %dma_wait3A_1407] : memref<1000000x64xf32, #tpu.memory_space<hbm>> -> memref<1000000x64xf32, #tpu.memory_space<hbm>>
      tpu.wait_indirect_dma semaphore(%arg9 : memref<!tpu.dma_semaphore, #tpu.memory_space<semaphore_mem>>) src(%dma_wait3A_1408 : memref<1000000x64xf32, #tpu.memory_space<hbm>>) dst(%dma_wait3A_1402 : memref<50x64xf32, #tpu.memory_space<vmem>>)
      %add3A_1409 = arith.constant 2 : i32
      %add3A_1410 = arith.addi %mul3A_779, %add3A_1409 : i32
      %mul3A_1411 = arith.constant 16 : i32
      %mul3A_1412 = arith.muli %add3A_1410, %mul3A_1411 : i32
      %add3A_1413 = arith.constant 0 : i32
      %add3A_1414 = arith.addi %mul3A_1412, %add3A_1413 : i32
      %dma_start3A_1415 = arith.constant 0 : i32
      %dma_start3A_1416 = arith.constant 0 : i32
      %dma_start3A_1417 = arith.constant 0 : i32
      %dma_start3A_1418 = tpu.memref_slice %arg6[%dma_start3A_1415, %dma_start3A_1416, %dma_start3A_1417] : memref<16x50x64xf32, #tpu.memory_space<vmem>> -> memref<1x50x64xf32, #tpu.memory_space<vmem>>
      %dma_start3A_1419 = tpu.memref_squeeze %dma_start3A_1418 : memref<1x50x64xf32, #tpu.memory_space<vmem>> -> memref<50x64xf32, #tpu.memory_space<vmem>>
      %dma_start3A_1420 = arith.constant 0 : i32
      %dma_start3A_1421 = tpu.memref_slice %arg5[%add3A_1414, %dma_start3A_1420] : memref<512x50xi32, #tpu.memory_space<vmem>> -> memref<1x50xi32, #tpu.memory_space<vmem>>
      %dma_start3A_1422 = tpu.memref_squeeze %dma_start3A_1421 : memref<1x50xi32, #tpu.memory_space<vmem>> -> memref<50xi32, #tpu.memory_space<vmem>>
      %dma_start3A_1423 = arith.constant 0 : i32
      %dma_start3A_1424 = arith.constant 0 : i32
      %dma_start3A_1425 = tpu.memref_slice %arg3[%dma_start3A_1423, %dma_start3A_1424] : memref<1000000x64xf32, #tpu.memory_space<hbm>> -> memref<1000000x64xf32, #tpu.memory_space<hbm>>
      tpu.enqueue_indirect_dma source(%dma_start3A_1425 : memref<1000000x64xf32, #tpu.memory_space<hbm>>) target(%dma_start3A_1419 : memref<50x64xf32, #tpu.memory_space<vmem>>) offsets(%dma_start3A_1422 : memref<50xi32, #tpu.memory_space<vmem>>) semaphore(%arg8 : memref<!tpu.dma_semaphore, #tpu.memory_space<semaphore_mem>>)
      %mul3A_1426 = arith.constant 16 : i32
      %mul3A_1427 = arith.muli %add3A_1410, %mul3A_1426 : i32
      %add3A_1428 = arith.constant 1 : i32
      %add3A_1429 = arith.addi %mul3A_1427, %add3A_1428 : i32
      %dma_start3A_1430 = arith.constant 1 : i32
      %dma_start3A_1431 = arith.constant 0 : i32
      %dma_start3A_1432 = arith.constant 0 : i32
      %dma_start3A_1433 = tpu.memref_slice %arg6[%dma_start3A_1430, %dma_start3A_1431, %dma_start3A_1432] : memref<16x50x64xf32, #tpu.memory_space<vmem>> -> memref<1x50x64xf32, #tpu.memory_space<vmem>>
      %dma_start3A_1434 = tpu.memref_squeeze %dma_start3A_1433 : memref<1x50x64xf32, #tpu.memory_space<vmem>> -> memref<50x64xf32, #tpu.memory_space<vmem>>
      %dma_start3A_1435 = arith.constant 0 : i32
      %dma_start3A_1436 = tpu.memref_slice %arg5[%add3A_1429, %dma_start3A_1435] : memref<512x50xi32, #tpu.memory_space<vmem>> -> memref<1x50xi32, #tpu.memory_space<vmem>>
      %dma_start3A_1437 = tpu.memref_squeeze %dma_start3A_1436 : memref<1x50xi32, #tpu.memory_space<vmem>> -> memref<50xi32, #tpu.memory_space<vmem>>
      %dma_start3A_1438 = arith.constant 0 : i32
      %dma_start3A_1439 = arith.constant 0 : i32
      %dma_start3A_1440 = tpu.memref_slice %arg3[%dma_start3A_1438, %dma_start3A_1439] : memref<1000000x64xf32, #tpu.memory_space<hbm>> -> memref<1000000x64xf32, #tpu.memory_space<hbm>>
      tpu.enqueue_indirect_dma source(%dma_start3A_1440 : memref<1000000x64xf32, #tpu.memory_space<hbm>>) target(%dma_start3A_1434 : memref<50x64xf32, #tpu.memory_space<vmem>>) offsets(%dma_start3A_1437 : memref<50xi32, #tpu.memory_space<vmem>>) semaphore(%arg8 : memref<!tpu.dma_semaphore, #tpu.memory_space<semaphore_mem>>)
      %mul3A_1441 = arith.constant 16 : i32
      %mul3A_1442 = arith.muli %add3A_1410, %mul3A_1441 : i32
      %add3A_1443 = arith.constant 2 : i32
      %add3A_1444 = arith.addi %mul3A_1442, %add3A_1443 : i32
      %dma_start3A_1445 = arith.constant 2 : i32
      %dma_start3A_1446 = arith.constant 0 : i32
      %dma_start3A_1447 = arith.constant 0 : i32
      %dma_start3A_1448 = tpu.memref_slice %arg6[%dma_start3A_1445, %dma_start3A_1446, %dma_start3A_1447] : memref<16x50x64xf32, #tpu.memory_space<vmem>> -> memref<1x50x64xf32, #tpu.memory_space<vmem>>
      %dma_start3A_1449 = tpu.memref_squeeze %dma_start3A_1448 : memref<1x50x64xf32, #tpu.memory_space<vmem>> -> memref<50x64xf32, #tpu.memory_space<vmem>>
      %dma_start3A_1450 = arith.constant 0 : i32
      %dma_start3A_1451 = tpu.memref_slice %arg5[%add3A_1444, %dma_start3A_1450] : memref<512x50xi32, #tpu.memory_space<vmem>> -> memref<1x50xi32, #tpu.memory_space<vmem>>
      %dma_start3A_1452 = tpu.memref_squeeze %dma_start3A_1451 : memref<1x50xi32, #tpu.memory_space<vmem>> -> memref<50xi32, #tpu.memory_space<vmem>>
      %dma_start3A_1453 = arith.constant 0 : i32
      %dma_start3A_1454 = arith.constant 0 : i32
      %dma_start3A_1455 = tpu.memref_slice %arg3[%dma_start3A_1453, %dma_start3A_1454] : memref<1000000x64xf32, #tpu.memory_space<hbm>> -> memref<1000000x64xf32, #tpu.memory_space<hbm>>
      tpu.enqueue_indirect_dma source(%dma_start3A_1455 : memref<1000000x64xf32, #tpu.memory_space<hbm>>) target(%dma_start3A_1449 : memref<50x64xf32, #tpu.memory_space<vmem>>) offsets(%dma_start3A_1452 : memref<50xi32, #tpu.memory_space<vmem>>) semaphore(%arg8 : memref<!tpu.dma_semaphore, #tpu.memory_space<semaphore_mem>>)
      %mul3A_1456 = arith.constant 16 : i32
      %mul3A_1457 = arith.muli %add3A_1410, %mul3A_1456 : i32
      %add3A_1458 = arith.constant 3 : i32
      %add3A_1459 = arith.addi %mul3A_1457, %add3A_1458 : i32
      %dma_start3A_1460 = arith.constant 3 : i32
      %dma_start3A_1461 = arith.constant 0 : i32
      %dma_start3A_1462 = arith.constant 0 : i32
      %dma_start3A_1463 = tpu.memref_slice %arg6[%dma_start3A_1460, %dma_start3A_1461, %dma_start3A_1462] : memref<16x50x64xf32, #tpu.memory_space<vmem>> -> memref<1x50x64xf32, #tpu.memory_space<vmem>>
      %dma_start3A_1464 = tpu.memref_squeeze %dma_start3A_1463 : memref<1x50x64xf32, #tpu.memory_space<vmem>> -> memref<50x64xf32, #tpu.memory_space<vmem>>
      %dma_start3A_1465 = arith.constant 0 : i32
      %dma_start3A_1466 = tpu.memref_slice %arg5[%add3A_1459, %dma_start3A_1465] : memref<512x50xi32, #tpu.memory_space<vmem>> -> memref<1x50xi32, #tpu.memory_space<vmem>>
      %dma_start3A_1467 = tpu.memref_squeeze %dma_start3A_1466 : memref<1x50xi32, #tpu.memory_space<vmem>> -> memref<50xi32, #tpu.memory_space<vmem>>
      %dma_start3A_1468 = arith.constant 0 : i32
      %dma_start3A_1469 = arith.constant 0 : i32
      %dma_start3A_1470 = tpu.memref_slice %arg3[%dma_start3A_1468, %dma_start3A_1469] : memref<1000000x64xf32, #tpu.memory_space<hbm>> -> memref<1000000x64xf32, #tpu.memory_space<hbm>>
      tpu.enqueue_indirect_dma source(%dma_start3A_1470 : memref<1000000x64xf32, #tpu.memory_space<hbm>>) target(%dma_start3A_1464 : memref<50x64xf32, #tpu.memory_space<vmem>>) offsets(%dma_start3A_1467 : memref<50xi32, #tpu.memory_space<vmem>>) semaphore(%arg8 : memref<!tpu.dma_semaphore, #tpu.memory_space<semaphore_mem>>)
      %mul3A_1471 = arith.constant 16 : i32
      %mul3A_1472 = arith.muli %add3A_1410, %mul3A_1471 : i32
      %add3A_1473 = arith.constant 4 : i32
      %add3A_1474 = arith.addi %mul3A_1472, %add3A_1473 : i32
      %dma_start3A_1475 = arith.constant 4 : i32
      %dma_start3A_1476 = arith.constant 0 : i32
      %dma_start3A_1477 = arith.constant 0 : i32
      %dma_start3A_1478 = tpu.memref_slice %arg6[%dma_start3A_1475, %dma_start3A_1476, %dma_start3A_1477] : memref<16x50x64xf32, #tpu.memory_space<vmem>> -> memref<1x50x64xf32, #tpu.memory_space<vmem>>
      %dma_start3A_1479 = tpu.memref_squeeze %dma_start3A_1478 : memref<1x50x64xf32, #tpu.memory_space<vmem>> -> memref<50x64xf32, #tpu.memory_space<vmem>>
      %dma_start3A_1480 = arith.constant 0 : i32
      %dma_start3A_1481 = tpu.memref_slice %arg5[%add3A_1474, %dma_start3A_1480] : memref<512x50xi32, #tpu.memory_space<vmem>> -> memref<1x50xi32, #tpu.memory_space<vmem>>
      %dma_start3A_1482 = tpu.memref_squeeze %dma_start3A_1481 : memref<1x50xi32, #tpu.memory_space<vmem>> -> memref<50xi32, #tpu.memory_space<vmem>>
      %dma_start3A_1483 = arith.constant 0 : i32
      %dma_start3A_1484 = arith.constant 0 : i32
      %dma_start3A_1485 = tpu.memref_slice %arg3[%dma_start3A_1483, %dma_start3A_1484] : memref<1000000x64xf32, #tpu.memory_space<hbm>> -> memref<1000000x64xf32, #tpu.memory_space<hbm>>
      tpu.enqueue_indirect_dma source(%dma_start3A_1485 : memref<1000000x64xf32, #tpu.memory_space<hbm>>) target(%dma_start3A_1479 : memref<50x64xf32, #tpu.memory_space<vmem>>) offsets(%dma_start3A_1482 : memref<50xi32, #tpu.memory_space<vmem>>) semaphore(%arg8 : memref<!tpu.dma_semaphore, #tpu.memory_space<semaphore_mem>>)
      %mul3A_1486 = arith.constant 16 : i32
      %mul3A_1487 = arith.muli %add3A_1410, %mul3A_1486 : i32
      %add3A_1488 = arith.constant 5 : i32
      %add3A_1489 = arith.addi %mul3A_1487, %add3A_1488 : i32
      %dma_start3A_1490 = arith.constant 5 : i32
      %dma_start3A_1491 = arith.constant 0 : i32
      %dma_start3A_1492 = arith.constant 0 : i32
      %dma_start3A_1493 = tpu.memref_slice %arg6[%dma_start3A_1490, %dma_start3A_1491, %dma_start3A_1492] : memref<16x50x64xf32, #tpu.memory_space<vmem>> -> memref<1x50x64xf32, #tpu.memory_space<vmem>>
      %dma_start3A_1494 = tpu.memref_squeeze %dma_start3A_1493 : memref<1x50x64xf32, #tpu.memory_space<vmem>> -> memref<50x64xf32, #tpu.memory_space<vmem>>
      %dma_start3A_1495 = arith.constant 0 : i32
      %dma_start3A_1496 = tpu.memref_slice %arg5[%add3A_1489, %dma_start3A_1495] : memref<512x50xi32, #tpu.memory_space<vmem>> -> memref<1x50xi32, #tpu.memory_space<vmem>>
      %dma_start3A_1497 = tpu.memref_squeeze %dma_start3A_1496 : memref<1x50xi32, #tpu.memory_space<vmem>> -> memref<50xi32, #tpu.memory_space<vmem>>
      %dma_start3A_1498 = arith.constant 0 : i32
      %dma_start3A_1499 = arith.constant 0 : i32
      %dma_start3A_1500 = tpu.memref_slice %arg3[%dma_start3A_1498, %dma_start3A_1499] : memref<1000000x64xf32, #tpu.memory_space<hbm>> -> memref<1000000x64xf32, #tpu.memory_space<hbm>>
      tpu.enqueue_indirect_dma source(%dma_start3A_1500 : memref<1000000x64xf32, #tpu.memory_space<hbm>>) target(%dma_start3A_1494 : memref<50x64xf32, #tpu.memory_space<vmem>>) offsets(%dma_start3A_1497 : memref<50xi32, #tpu.memory_space<vmem>>) semaphore(%arg8 : memref<!tpu.dma_semaphore, #tpu.memory_space<semaphore_mem>>)
      %mul3A_1501 = arith.constant 16 : i32
      %mul3A_1502 = arith.muli %add3A_1410, %mul3A_1501 : i32
      %add3A_1503 = arith.constant 6 : i32
      %add3A_1504 = arith.addi %mul3A_1502, %add3A_1503 : i32
      %dma_start3A_1505 = arith.constant 6 : i32
      %dma_start3A_1506 = arith.constant 0 : i32
      %dma_start3A_1507 = arith.constant 0 : i32
      %dma_start3A_1508 = tpu.memref_slice %arg6[%dma_start3A_1505, %dma_start3A_1506, %dma_start3A_1507] : memref<16x50x64xf32, #tpu.memory_space<vmem>> -> memref<1x50x64xf32, #tpu.memory_space<vmem>>
      %dma_start3A_1509 = tpu.memref_squeeze %dma_start3A_1508 : memref<1x50x64xf32, #tpu.memory_space<vmem>> -> memref<50x64xf32, #tpu.memory_space<vmem>>
      %dma_start3A_1510 = arith.constant 0 : i32
      %dma_start3A_1511 = tpu.memref_slice %arg5[%add3A_1504, %dma_start3A_1510] : memref<512x50xi32, #tpu.memory_space<vmem>> -> memref<1x50xi32, #tpu.memory_space<vmem>>
      %dma_start3A_1512 = tpu.memref_squeeze %dma_start3A_1511 : memref<1x50xi32, #tpu.memory_space<vmem>> -> memref<50xi32, #tpu.memory_space<vmem>>
      %dma_start3A_1513 = arith.constant 0 : i32
      %dma_start3A_1514 = arith.constant 0 : i32
      %dma_start3A_1515 = tpu.memref_slice %arg3[%dma_start3A_1513, %dma_start3A_1514] : memref<1000000x64xf32, #tpu.memory_space<hbm>> -> memref<1000000x64xf32, #tpu.memory_space<hbm>>
      tpu.enqueue_indirect_dma source(%dma_start3A_1515 : memref<1000000x64xf32, #tpu.memory_space<hbm>>) target(%dma_start3A_1509 : memref<50x64xf32, #tpu.memory_space<vmem>>) offsets(%dma_start3A_1512 : memref<50xi32, #tpu.memory_space<vmem>>) semaphore(%arg8 : memref<!tpu.dma_semaphore, #tpu.memory_space<semaphore_mem>>)
      %mul3A_1516 = arith.constant 16 : i32
      %mul3A_1517 = arith.muli %add3A_1410, %mul3A_1516 : i32
      %add3A_1518 = arith.constant 7 : i32
      %add3A_1519 = arith.addi %mul3A_1517, %add3A_1518 : i32
      %dma_start3A_1520 = arith.constant 7 : i32
      %dma_start3A_1521 = arith.constant 0 : i32
      %dma_start3A_1522 = arith.constant 0 : i32
      %dma_start3A_1523 = tpu.memref_slice %arg6[%dma_start3A_1520, %dma_start3A_1521, %dma_start3A_1522] : memref<16x50x64xf32, #tpu.memory_space<vmem>> -> memref<1x50x64xf32, #tpu.memory_space<vmem>>
      %dma_start3A_1524 = tpu.memref_squeeze %dma_start3A_1523 : memref<1x50x64xf32, #tpu.memory_space<vmem>> -> memref<50x64xf32, #tpu.memory_space<vmem>>
      %dma_start3A_1525 = arith.constant 0 : i32
      %dma_start3A_1526 = tpu.memref_slice %arg5[%add3A_1519, %dma_start3A_1525] : memref<512x50xi32, #tpu.memory_space<vmem>> -> memref<1x50xi32, #tpu.memory_space<vmem>>
      %dma_start3A_1527 = tpu.memref_squeeze %dma_start3A_1526 : memref<1x50xi32, #tpu.memory_space<vmem>> -> memref<50xi32, #tpu.memory_space<vmem>>
      %dma_start3A_1528 = arith.constant 0 : i32
      %dma_start3A_1529 = arith.constant 0 : i32
      %dma_start3A_1530 = tpu.memref_slice %arg3[%dma_start3A_1528, %dma_start3A_1529] : memref<1000000x64xf32, #tpu.memory_space<hbm>> -> memref<1000000x64xf32, #tpu.memory_space<hbm>>
      tpu.enqueue_indirect_dma source(%dma_start3A_1530 : memref<1000000x64xf32, #tpu.memory_space<hbm>>) target(%dma_start3A_1524 : memref<50x64xf32, #tpu.memory_space<vmem>>) offsets(%dma_start3A_1527 : memref<50xi32, #tpu.memory_space<vmem>>) semaphore(%arg8 : memref<!tpu.dma_semaphore, #tpu.memory_space<semaphore_mem>>)
      %mul3A_1531 = arith.constant 16 : i32
      %mul3A_1532 = arith.muli %add3A_1410, %mul3A_1531 : i32
      %add3A_1533 = arith.constant 8 : i32
      %add3A_1534 = arith.addi %mul3A_1532, %add3A_1533 : i32
      %dma_start3A_1535 = arith.constant 8 : i32
      %dma_start3A_1536 = arith.constant 0 : i32
      %dma_start3A_1537 = arith.constant 0 : i32
      %dma_start3A_1538 = tpu.memref_slice %arg6[%dma_start3A_1535, %dma_start3A_1536, %dma_start3A_1537] : memref<16x50x64xf32, #tpu.memory_space<vmem>> -> memref<1x50x64xf32, #tpu.memory_space<vmem>>
      %dma_start3A_1539 = tpu.memref_squeeze %dma_start3A_1538 : memref<1x50x64xf32, #tpu.memory_space<vmem>> -> memref<50x64xf32, #tpu.memory_space<vmem>>
      %dma_start3A_1540 = arith.constant 0 : i32
      %dma_start3A_1541 = tpu.memref_slice %arg5[%add3A_1534, %dma_start3A_1540] : memref<512x50xi32, #tpu.memory_space<vmem>> -> memref<1x50xi32, #tpu.memory_space<vmem>>
      %dma_start3A_1542 = tpu.memref_squeeze %dma_start3A_1541 : memref<1x50xi32, #tpu.memory_space<vmem>> -> memref<50xi32, #tpu.memory_space<vmem>>
      %dma_start3A_1543 = arith.constant 0 : i32
      %dma_start3A_1544 = arith.constant 0 : i32
      %dma_start3A_1545 = tpu.memref_slice %arg3[%dma_start3A_1543, %dma_start3A_1544] : memref<1000000x64xf32, #tpu.memory_space<hbm>> -> memref<1000000x64xf32, #tpu.memory_space<hbm>>
      tpu.enqueue_indirect_dma source(%dma_start3A_1545 : memref<1000000x64xf32, #tpu.memory_space<hbm>>) target(%dma_start3A_1539 : memref<50x64xf32, #tpu.memory_space<vmem>>) offsets(%dma_start3A_1542 : memref<50xi32, #tpu.memory_space<vmem>>) semaphore(%arg8 : memref<!tpu.dma_semaphore, #tpu.memory_space<semaphore_mem>>)
      %mul3A_1546 = arith.constant 16 : i32
      %mul3A_1547 = arith.muli %add3A_1410, %mul3A_1546 : i32
      %add3A_1548 = arith.constant 9 : i32
      %add3A_1549 = arith.addi %mul3A_1547, %add3A_1548 : i32
      %dma_start3A_1550 = arith.constant 9 : i32
      %dma_start3A_1551 = arith.constant 0 : i32
      %dma_start3A_1552 = arith.constant 0 : i32
      %dma_start3A_1553 = tpu.memref_slice %arg6[%dma_start3A_1550, %dma_start3A_1551, %dma_start3A_1552] : memref<16x50x64xf32, #tpu.memory_space<vmem>> -> memref<1x50x64xf32, #tpu.memory_space<vmem>>
      %dma_start3A_1554 = tpu.memref_squeeze %dma_start3A_1553 : memref<1x50x64xf32, #tpu.memory_space<vmem>> -> memref<50x64xf32, #tpu.memory_space<vmem>>
      %dma_start3A_1555 = arith.constant 0 : i32
      %dma_start3A_1556 = tpu.memref_slice %arg5[%add3A_1549, %dma_start3A_1555] : memref<512x50xi32, #tpu.memory_space<vmem>> -> memref<1x50xi32, #tpu.memory_space<vmem>>
      %dma_start3A_1557 = tpu.memref_squeeze %dma_start3A_1556 : memref<1x50xi32, #tpu.memory_space<vmem>> -> memref<50xi32, #tpu.memory_space<vmem>>
      %dma_start3A_1558 = arith.constant 0 : i32
      %dma_start3A_1559 = arith.constant 0 : i32
      %dma_start3A_1560 = tpu.memref_slice %arg3[%dma_start3A_1558, %dma_start3A_1559] : memref<1000000x64xf32, #tpu.memory_space<hbm>> -> memref<1000000x64xf32, #tpu.memory_space<hbm>>
      tpu.enqueue_indirect_dma source(%dma_start3A_1560 : memref<1000000x64xf32, #tpu.memory_space<hbm>>) target(%dma_start3A_1554 : memref<50x64xf32, #tpu.memory_space<vmem>>) offsets(%dma_start3A_1557 : memref<50xi32, #tpu.memory_space<vmem>>) semaphore(%arg8 : memref<!tpu.dma_semaphore, #tpu.memory_space<semaphore_mem>>)
      %mul3A_1561 = arith.constant 16 : i32
      %mul3A_1562 = arith.muli %add3A_1410, %mul3A_1561 : i32
      %add3A_1563 = arith.constant 10 : i32
      %add3A_1564 = arith.addi %mul3A_1562, %add3A_1563 : i32
      %dma_start3A_1565 = arith.constant 10 : i32
      %dma_start3A_1566 = arith.constant 0 : i32
      %dma_start3A_1567 = arith.constant 0 : i32
      %dma_start3A_1568 = tpu.memref_slice %arg6[%dma_start3A_1565, %dma_start3A_1566, %dma_start3A_1567] : memref<16x50x64xf32, #tpu.memory_space<vmem>> -> memref<1x50x64xf32, #tpu.memory_space<vmem>>
      %dma_start3A_1569 = tpu.memref_squeeze %dma_start3A_1568 : memref<1x50x64xf32, #tpu.memory_space<vmem>> -> memref<50x64xf32, #tpu.memory_space<vmem>>
      %dma_start3A_1570 = arith.constant 0 : i32
      %dma_start3A_1571 = tpu.memref_slice %arg5[%add3A_1564, %dma_start3A_1570] : memref<512x50xi32, #tpu.memory_space<vmem>> -> memref<1x50xi32, #tpu.memory_space<vmem>>
      %dma_start3A_1572 = tpu.memref_squeeze %dma_start3A_1571 : memref<1x50xi32, #tpu.memory_space<vmem>> -> memref<50xi32, #tpu.memory_space<vmem>>
      %dma_start3A_1573 = arith.constant 0 : i32
      %dma_start3A_1574 = arith.constant 0 : i32
      %dma_start3A_1575 = tpu.memref_slice %arg3[%dma_start3A_1573, %dma_start3A_1574] : memref<1000000x64xf32, #tpu.memory_space<hbm>> -> memref<1000000x64xf32, #tpu.memory_space<hbm>>
      tpu.enqueue_indirect_dma source(%dma_start3A_1575 : memref<1000000x64xf32, #tpu.memory_space<hbm>>) target(%dma_start3A_1569 : memref<50x64xf32, #tpu.memory_space<vmem>>) offsets(%dma_start3A_1572 : memref<50xi32, #tpu.memory_space<vmem>>) semaphore(%arg8 : memref<!tpu.dma_semaphore, #tpu.memory_space<semaphore_mem>>)
      %mul3A_1576 = arith.constant 16 : i32
      %mul3A_1577 = arith.muli %add3A_1410, %mul3A_1576 : i32
      %add3A_1578 = arith.constant 11 : i32
      %add3A_1579 = arith.addi %mul3A_1577, %add3A_1578 : i32
      %dma_start3A_1580 = arith.constant 11 : i32
      %dma_start3A_1581 = arith.constant 0 : i32
      %dma_start3A_1582 = arith.constant 0 : i32
      %dma_start3A_1583 = tpu.memref_slice %arg6[%dma_start3A_1580, %dma_start3A_1581, %dma_start3A_1582] : memref<16x50x64xf32, #tpu.memory_space<vmem>> -> memref<1x50x64xf32, #tpu.memory_space<vmem>>
      %dma_start3A_1584 = tpu.memref_squeeze %dma_start3A_1583 : memref<1x50x64xf32, #tpu.memory_space<vmem>> -> memref<50x64xf32, #tpu.memory_space<vmem>>
      %dma_start3A_1585 = arith.constant 0 : i32
      %dma_start3A_1586 = tpu.memref_slice %arg5[%add3A_1579, %dma_start3A_1585] : memref<512x50xi32, #tpu.memory_space<vmem>> -> memref<1x50xi32, #tpu.memory_space<vmem>>
      %dma_start3A_1587 = tpu.memref_squeeze %dma_start3A_1586 : memref<1x50xi32, #tpu.memory_space<vmem>> -> memref<50xi32, #tpu.memory_space<vmem>>
      %dma_start3A_1588 = arith.constant 0 : i32
      %dma_start3A_1589 = arith.constant 0 : i32
      %dma_start3A_1590 = tpu.memref_slice %arg3[%dma_start3A_1588, %dma_start3A_1589] : memref<1000000x64xf32, #tpu.memory_space<hbm>> -> memref<1000000x64xf32, #tpu.memory_space<hbm>>
      tpu.enqueue_indirect_dma source(%dma_start3A_1590 : memref<1000000x64xf32, #tpu.memory_space<hbm>>) target(%dma_start3A_1584 : memref<50x64xf32, #tpu.memory_space<vmem>>) offsets(%dma_start3A_1587 : memref<50xi32, #tpu.memory_space<vmem>>) semaphore(%arg8 : memref<!tpu.dma_semaphore, #tpu.memory_space<semaphore_mem>>)
      %mul3A_1591 = arith.constant 16 : i32
      %mul3A_1592 = arith.muli %add3A_1410, %mul3A_1591 : i32
      %add3A_1593 = arith.constant 12 : i32
      %add3A_1594 = arith.addi %mul3A_1592, %add3A_1593 : i32
      %dma_start3A_1595 = arith.constant 12 : i32
      %dma_start3A_1596 = arith.constant 0 : i32
      %dma_start3A_1597 = arith.constant 0 : i32
      %dma_start3A_1598 = tpu.memref_slice %arg6[%dma_start3A_1595, %dma_start3A_1596, %dma_start3A_1597] : memref<16x50x64xf32, #tpu.memory_space<vmem>> -> memref<1x50x64xf32, #tpu.memory_space<vmem>>
      %dma_start3A_1599 = tpu.memref_squeeze %dma_start3A_1598 : memref<1x50x64xf32, #tpu.memory_space<vmem>> -> memref<50x64xf32, #tpu.memory_space<vmem>>
      %dma_start3A_1600 = arith.constant 0 : i32
      %dma_start3A_1601 = tpu.memref_slice %arg5[%add3A_1594, %dma_start3A_1600] : memref<512x50xi32, #tpu.memory_space<vmem>> -> memref<1x50xi32, #tpu.memory_space<vmem>>
      %dma_start3A_1602 = tpu.memref_squeeze %dma_start3A_1601 : memref<1x50xi32, #tpu.memory_space<vmem>> -> memref<50xi32, #tpu.memory_space<vmem>>
      %dma_start3A_1603 = arith.constant 0 : i32
      %dma_start3A_1604 = arith.constant 0 : i32
      %dma_start3A_1605 = tpu.memref_slice %arg3[%dma_start3A_1603, %dma_start3A_1604] : memref<1000000x64xf32, #tpu.memory_space<hbm>> -> memref<1000000x64xf32, #tpu.memory_space<hbm>>
      tpu.enqueue_indirect_dma source(%dma_start3A_1605 : memref<1000000x64xf32, #tpu.memory_space<hbm>>) target(%dma_start3A_1599 : memref<50x64xf32, #tpu.memory_space<vmem>>) offsets(%dma_start3A_1602 : memref<50xi32, #tpu.memory_space<vmem>>) semaphore(%arg8 : memref<!tpu.dma_semaphore, #tpu.memory_space<semaphore_mem>>)
      %mul3A_1606 = arith.constant 16 : i32
      %mul3A_1607 = arith.muli %add3A_1410, %mul3A_1606 : i32
      %add3A_1608 = arith.constant 13 : i32
      %add3A_1609 = arith.addi %mul3A_1607, %add3A_1608 : i32
      %dma_start3A_1610 = arith.constant 13 : i32
      %dma_start3A_1611 = arith.constant 0 : i32
      %dma_start3A_1612 = arith.constant 0 : i32
      %dma_start3A_1613 = tpu.memref_slice %arg6[%dma_start3A_1610, %dma_start3A_1611, %dma_start3A_1612] : memref<16x50x64xf32, #tpu.memory_space<vmem>> -> memref<1x50x64xf32, #tpu.memory_space<vmem>>
      %dma_start3A_1614 = tpu.memref_squeeze %dma_start3A_1613 : memref<1x50x64xf32, #tpu.memory_space<vmem>> -> memref<50x64xf32, #tpu.memory_space<vmem>>
      %dma_start3A_1615 = arith.constant 0 : i32
      %dma_start3A_1616 = tpu.memref_slice %arg5[%add3A_1609, %dma_start3A_1615] : memref<512x50xi32, #tpu.memory_space<vmem>> -> memref<1x50xi32, #tpu.memory_space<vmem>>
      %dma_start3A_1617 = tpu.memref_squeeze %dma_start3A_1616 : memref<1x50xi32, #tpu.memory_space<vmem>> -> memref<50xi32, #tpu.memory_space<vmem>>
      %dma_start3A_1618 = arith.constant 0 : i32
      %dma_start3A_1619 = arith.constant 0 : i32
      %dma_start3A_1620 = tpu.memref_slice %arg3[%dma_start3A_1618, %dma_start3A_1619] : memref<1000000x64xf32, #tpu.memory_space<hbm>> -> memref<1000000x64xf32, #tpu.memory_space<hbm>>
      tpu.enqueue_indirect_dma source(%dma_start3A_1620 : memref<1000000x64xf32, #tpu.memory_space<hbm>>) target(%dma_start3A_1614 : memref<50x64xf32, #tpu.memory_space<vmem>>) offsets(%dma_start3A_1617 : memref<50xi32, #tpu.memory_space<vmem>>) semaphore(%arg8 : memref<!tpu.dma_semaphore, #tpu.memory_space<semaphore_mem>>)
      %mul3A_1621 = arith.constant 16 : i32
      %mul3A_1622 = arith.muli %add3A_1410, %mul3A_1621 : i32
      %add3A_1623 = arith.constant 14 : i32
      %add3A_1624 = arith.addi %mul3A_1622, %add3A_1623 : i32
      %dma_start3A_1625 = arith.constant 14 : i32
      %dma_start3A_1626 = arith.constant 0 : i32
      %dma_start3A_1627 = arith.constant 0 : i32
      %dma_start3A_1628 = tpu.memref_slice %arg6[%dma_start3A_1625, %dma_start3A_1626, %dma_start3A_1627] : memref<16x50x64xf32, #tpu.memory_space<vmem>> -> memref<1x50x64xf32, #tpu.memory_space<vmem>>
      %dma_start3A_1629 = tpu.memref_squeeze %dma_start3A_1628 : memref<1x50x64xf32, #tpu.memory_space<vmem>> -> memref<50x64xf32, #tpu.memory_space<vmem>>
      %dma_start3A_1630 = arith.constant 0 : i32
      %dma_start3A_1631 = tpu.memref_slice %arg5[%add3A_1624, %dma_start3A_1630] : memref<512x50xi32, #tpu.memory_space<vmem>> -> memref<1x50xi32, #tpu.memory_space<vmem>>
      %dma_start3A_1632 = tpu.memref_squeeze %dma_start3A_1631 : memref<1x50xi32, #tpu.memory_space<vmem>> -> memref<50xi32, #tpu.memory_space<vmem>>
      %dma_start3A_1633 = arith.constant 0 : i32
      %dma_start3A_1634 = arith.constant 0 : i32
      %dma_start3A_1635 = tpu.memref_slice %arg3[%dma_start3A_1633, %dma_start3A_1634] : memref<1000000x64xf32, #tpu.memory_space<hbm>> -> memref<1000000x64xf32, #tpu.memory_space<hbm>>
      tpu.enqueue_indirect_dma source(%dma_start3A_1635 : memref<1000000x64xf32, #tpu.memory_space<hbm>>) target(%dma_start3A_1629 : memref<50x64xf32, #tpu.memory_space<vmem>>) offsets(%dma_start3A_1632 : memref<50xi32, #tpu.memory_space<vmem>>) semaphore(%arg8 : memref<!tpu.dma_semaphore, #tpu.memory_space<semaphore_mem>>)
      %mul3A_1636 = arith.constant 16 : i32
      %mul3A_1637 = arith.muli %add3A_1410, %mul3A_1636 : i32
      %add3A_1638 = arith.constant 15 : i32
      %add3A_1639 = arith.addi %mul3A_1637, %add3A_1638 : i32
      %dma_start3A_1640 = arith.constant 15 : i32
      %dma_start3A_1641 = arith.constant 0 : i32
      %dma_start3A_1642 = arith.constant 0 : i32
      %dma_start3A_1643 = tpu.memref_slice %arg6[%dma_start3A_1640, %dma_start3A_1641, %dma_start3A_1642] : memref<16x50x64xf32, #tpu.memory_space<vmem>> -> memref<1x50x64xf32, #tpu.memory_space<vmem>>
      %dma_start3A_1644 = tpu.memref_squeeze %dma_start3A_1643 : memref<1x50x64xf32, #tpu.memory_space<vmem>> -> memref<50x64xf32, #tpu.memory_space<vmem>>
      %dma_start3A_1645 = arith.constant 0 : i32
      %dma_start3A_1646 = tpu.memref_slice %arg5[%add3A_1639, %dma_start3A_1645] : memref<512x50xi32, #tpu.memory_space<vmem>> -> memref<1x50xi32, #tpu.memory_space<vmem>>
      %dma_start3A_1647 = tpu.memref_squeeze %dma_start3A_1646 : memref<1x50xi32, #tpu.memory_space<vmem>> -> memref<50xi32, #tpu.memory_space<vmem>>
      %dma_start3A_1648 = arith.constant 0 : i32
      %dma_start3A_1649 = arith.constant 0 : i32
      %dma_start3A_1650 = tpu.memref_slice %arg3[%dma_start3A_1648, %dma_start3A_1649] : memref<1000000x64xf32, #tpu.memory_space<hbm>> -> memref<1000000x64xf32, #tpu.memory_space<hbm>>
      tpu.enqueue_indirect_dma source(%dma_start3A_1650 : memref<1000000x64xf32, #tpu.memory_space<hbm>>) target(%dma_start3A_1644 : memref<50x64xf32, #tpu.memory_space<vmem>>) offsets(%dma_start3A_1647 : memref<50xi32, #tpu.memory_space<vmem>>) semaphore(%arg8 : memref<!tpu.dma_semaphore, #tpu.memory_space<semaphore_mem>>)
      %add3A_1651 = arith.constant 1 : i32
      %add3A_1652 = arith.addi %mul3A_779, %add3A_1651 : i32
      %mul3A_1653 = arith.constant 16 : i32
      %mul3A_1654 = arith.muli %add3A_1652, %mul3A_1653 : i32
      %add3A_1655 = arith.addi %mul3A_2, %mul3A_1654 : i32
      "tpu.region"() ({
        %run_scoped3A = tpu.sem_alloc : memref<!tpu.dma_semaphore, #tpu.memory_space<semaphore_mem>>
        %dma_start3A_1656 = arith.constant 0 : i32
        %dma_start3A_1657 = arith.constant 0 : i32
        %dma_start3A_1658 = tpu.memref_slice %arg4[%add3A_1655, %dma_start3A_1656, %dma_start3A_1657] : memref<16384x50x64xf32, #tpu.memory_space<hbm>> -> memref<16x50x64xf32, #tpu.memory_space<hbm>>
        %dma_start3A_1659 = arith.constant 0 : i32
        %dma_start3A_1660 = arith.constant 0 : i32
        %dma_start3A_1661 = tpu.memref_slice %arg4[%add3A_1655, %dma_start3A_1659, %dma_start3A_1660] : memref<16384x50x64xf32, #tpu.memory_space<hbm>> -> memref<16x50x64xf32, #tpu.memory_space<hbm>>
        tpu.enqueue_dma source(%arg7 : memref<16x50x64xf32, #tpu.memory_space<vmem>>) target(%dma_start3A_1661 : memref<16x50x64xf32, #tpu.memory_space<hbm>>) target_semaphore(%run_scoped3A : memref<!tpu.dma_semaphore, #tpu.memory_space<semaphore_mem>>)
        %dma_wait3A_1662 = arith.constant 0 : i32
        %dma_wait3A_1663 = arith.constant 0 : i32
        %dma_wait3A_1664 = tpu.memref_slice %arg4[%add3A_1655, %dma_wait3A_1662, %dma_wait3A_1663] : memref<16384x50x64xf32, #tpu.memory_space<hbm>> -> memref<16x50x64xf32, #tpu.memory_space<hbm>>
        %dma_wait3A_1665 = arith.constant 0 : i32
        %dma_wait3A_1666 = arith.constant 0 : i32
        %dma_wait3A_1667 = tpu.memref_slice %arg4[%add3A_1655, %dma_wait3A_1665, %dma_wait3A_1666] : memref<16384x50x64xf32, #tpu.memory_space<hbm>> -> memref<16x50x64xf32, #tpu.memory_space<hbm>>
        tpu.wait_dma2 semaphore(%run_scoped3A : memref<!tpu.dma_semaphore, #tpu.memory_space<semaphore_mem>>) src(%arg7 : memref<16x50x64xf32, #tpu.memory_space<vmem>>) dst(%dma_wait3A_1667 : memref<16x50x64xf32, #tpu.memory_space<hbm>>)
        tpu.yield
      }) : () -> ()
    }
    %scan3A_197 = arith.constant 15 : i32
    %dma_wait3A = arith.constant 0 : i32
    %dma_wait3A_198 = arith.constant 0 : i32
    %dma_wait3A_199 = arith.constant 0 : i32
    %dma_wait3A_200 = arith.constant 0 : i32
    %dma_wait3A_201 = tpu.memref_slice %arg6[%dma_wait3A_198, %dma_wait3A_199, %dma_wait3A_200] : memref<16x50x64xf32, #tpu.memory_space<vmem>> -> memref<1x50x64xf32, #tpu.memory_space<vmem>>
    %dma_wait3A_202 = tpu.memref_squeeze %dma_wait3A_201 : memref<1x50x64xf32, #tpu.memory_space<vmem>> -> memref<50x64xf32, #tpu.memory_space<vmem>>
    %dma_wait3A_203 = arith.constant 0 : i32
    %dma_wait3A_204 = tpu.memref_slice %arg5[%dma_wait3A, %dma_wait3A_203] : memref<512x50xi32, #tpu.memory_space<vmem>> -> memref<1x50xi32, #tpu.memory_space<vmem>>
    %dma_wait3A_205 = tpu.memref_squeeze %dma_wait3A_204 : memref<1x50xi32, #tpu.memory_space<vmem>> -> memref<50xi32, #tpu.memory_space<vmem>>
    %dma_wait3A_206 = arith.constant 0 : i32
    %dma_wait3A_207 = arith.constant 0 : i32
    %dma_wait3A_208 = tpu.memref_slice %arg3[%dma_wait3A_206, %dma_wait3A_207] : memref<1000000x64xf32, #tpu.memory_space<hbm>> -> memref<1000000x64xf32, #tpu.memory_space<hbm>>
    tpu.wait_indirect_dma semaphore(%arg8 : memref<!tpu.dma_semaphore, #tpu.memory_space<semaphore_mem>>) src(%dma_wait3A_208 : memref<1000000x64xf32, #tpu.memory_space<hbm>>) dst(%dma_wait3A_202 : memref<50x64xf32, #tpu.memory_space<vmem>>)
    %dma_wait3A_209 = arith.constant 1 : i32
    %dma_wait3A_210 = arith.constant 1 : i32
    %dma_wait3A_211 = arith.constant 0 : i32
    %dma_wait3A_212 = arith.constant 0 : i32
    %dma_wait3A_213 = tpu.memref_slice %arg6[%dma_wait3A_210, %dma_wait3A_211, %dma_wait3A_212] : memref<16x50x64xf32, #tpu.memory_space<vmem>> -> memref<1x50x64xf32, #tpu.memory_space<vmem>>
    %dma_wait3A_214 = tpu.memref_squeeze %dma_wait3A_213 : memref<1x50x64xf32, #tpu.memory_space<vmem>> -> memref<50x64xf32, #tpu.memory_space<vmem>>
    %dma_wait3A_215 = arith.constant 0 : i32
    %dma_wait3A_216 = tpu.memref_slice %arg5[%dma_wait3A_209, %dma_wait3A_215] : memref<512x50xi32, #tpu.memory_space<vmem>> -> memref<1x50xi32, #tpu.memory_space<vmem>>
    %dma_wait3A_217 = tpu.memref_squeeze %dma_wait3A_216 : memref<1x50xi32, #tpu.memory_space<vmem>> -> memref<50xi32, #tpu.memory_space<vmem>>
    %dma_wait3A_218 = arith.constant 0 : i32
    %dma_wait3A_219 = arith.constant 0 : i32
    %dma_wait3A_220 = tpu.memref_slice %arg3[%dma_wait3A_218, %dma_wait3A_219] : memref<1000000x64xf32, #tpu.memory_space<hbm>> -> memref<1000000x64xf32, #tpu.memory_space<hbm>>
    tpu.wait_indirect_dma semaphore(%arg8 : memref<!tpu.dma_semaphore, #tpu.memory_space<semaphore_mem>>) src(%dma_wait3A_220 : memref<1000000x64xf32, #tpu.memory_space<hbm>>) dst(%dma_wait3A_214 : memref<50x64xf32, #tpu.memory_space<vmem>>)
    %dma_wait3A_221 = arith.constant 2 : i32
    %dma_wait3A_222 = arith.constant 2 : i32
    %dma_wait3A_223 = arith.constant 0 : i32
    %dma_wait3A_224 = arith.constant 0 : i32
    %dma_wait3A_225 = tpu.memref_slice %arg6[%dma_wait3A_222, %dma_wait3A_223, %dma_wait3A_224] : memref<16x50x64xf32, #tpu.memory_space<vmem>> -> memref<1x50x64xf32, #tpu.memory_space<vmem>>
    %dma_wait3A_226 = tpu.memref_squeeze %dma_wait3A_225 : memref<1x50x64xf32, #tpu.memory_space<vmem>> -> memref<50x64xf32, #tpu.memory_space<vmem>>
    %dma_wait3A_227 = arith.constant 0 : i32
    %dma_wait3A_228 = tpu.memref_slice %arg5[%dma_wait3A_221, %dma_wait3A_227] : memref<512x50xi32, #tpu.memory_space<vmem>> -> memref<1x50xi32, #tpu.memory_space<vmem>>
    %dma_wait3A_229 = tpu.memref_squeeze %dma_wait3A_228 : memref<1x50xi32, #tpu.memory_space<vmem>> -> memref<50xi32, #tpu.memory_space<vmem>>
    %dma_wait3A_230 = arith.constant 0 : i32
    %dma_wait3A_231 = arith.constant 0 : i32
    %dma_wait3A_232 = tpu.memref_slice %arg3[%dma_wait3A_230, %dma_wait3A_231] : memref<1000000x64xf32, #tpu.memory_space<hbm>> -> memref<1000000x64xf32, #tpu.memory_space<hbm>>
    tpu.wait_indirect_dma semaphore(%arg8 : memref<!tpu.dma_semaphore, #tpu.memory_space<semaphore_mem>>) src(%dma_wait3A_232 : memref<1000000x64xf32, #tpu.memory_space<hbm>>) dst(%dma_wait3A_226 : memref<50x64xf32, #tpu.memory_space<vmem>>)
    %dma_wait3A_233 = arith.constant 3 : i32
    %dma_wait3A_234 = arith.constant 3 : i32
    %dma_wait3A_235 = arith.constant 0 : i32
    %dma_wait3A_236 = arith.constant 0 : i32
    %dma_wait3A_237 = tpu.memref_slice %arg6[%dma_wait3A_234, %dma_wait3A_235, %dma_wait3A_236] : memref<16x50x64xf32, #tpu.memory_space<vmem>> -> memref<1x50x64xf32, #tpu.memory_space<vmem>>
    %dma_wait3A_238 = tpu.memref_squeeze %dma_wait3A_237 : memref<1x50x64xf32, #tpu.memory_space<vmem>> -> memref<50x64xf32, #tpu.memory_space<vmem>>
    %dma_wait3A_239 = arith.constant 0 : i32
    %dma_wait3A_240 = tpu.memref_slice %arg5[%dma_wait3A_233, %dma_wait3A_239] : memref<512x50xi32, #tpu.memory_space<vmem>> -> memref<1x50xi32, #tpu.memory_space<vmem>>
    %dma_wait3A_241 = tpu.memref_squeeze %dma_wait3A_240 : memref<1x50xi32, #tpu.memory_space<vmem>> -> memref<50xi32, #tpu.memory_space<vmem>>
    %dma_wait3A_242 = arith.constant 0 : i32
    %dma_wait3A_243 = arith.constant 0 : i32
    %dma_wait3A_244 = tpu.memref_slice %arg3[%dma_wait3A_242, %dma_wait3A_243] : memref<1000000x64xf32, #tpu.memory_space<hbm>> -> memref<1000000x64xf32, #tpu.memory_space<hbm>>
    tpu.wait_indirect_dma semaphore(%arg8 : memref<!tpu.dma_semaphore, #tpu.memory_space<semaphore_mem>>) src(%dma_wait3A_244 : memref<1000000x64xf32, #tpu.memory_space<hbm>>) dst(%dma_wait3A_238 : memref<50x64xf32, #tpu.memory_space<vmem>>)
    %dma_wait3A_245 = arith.constant 4 : i32
    %dma_wait3A_246 = arith.constant 4 : i32
    %dma_wait3A_247 = arith.constant 0 : i32
    %dma_wait3A_248 = arith.constant 0 : i32
    %dma_wait3A_249 = tpu.memref_slice %arg6[%dma_wait3A_246, %dma_wait3A_247, %dma_wait3A_248] : memref<16x50x64xf32, #tpu.memory_space<vmem>> -> memref<1x50x64xf32, #tpu.memory_space<vmem>>
    %dma_wait3A_250 = tpu.memref_squeeze %dma_wait3A_249 : memref<1x50x64xf32, #tpu.memory_space<vmem>> -> memref<50x64xf32, #tpu.memory_space<vmem>>
    %dma_wait3A_251 = arith.constant 0 : i32
    %dma_wait3A_252 = tpu.memref_slice %arg5[%dma_wait3A_245, %dma_wait3A_251] : memref<512x50xi32, #tpu.memory_space<vmem>> -> memref<1x50xi32, #tpu.memory_space<vmem>>
    %dma_wait3A_253 = tpu.memref_squeeze %dma_wait3A_252 : memref<1x50xi32, #tpu.memory_space<vmem>> -> memref<50xi32, #tpu.memory_space<vmem>>
    %dma_wait3A_254 = arith.constant 0 : i32
    %dma_wait3A_255 = arith.constant 0 : i32
    %dma_wait3A_256 = tpu.memref_slice %arg3[%dma_wait3A_254, %dma_wait3A_255] : memref<1000000x64xf32, #tpu.memory_space<hbm>> -> memref<1000000x64xf32, #tpu.memory_space<hbm>>
    tpu.wait_indirect_dma semaphore(%arg8 : memref<!tpu.dma_semaphore, #tpu.memory_space<semaphore_mem>>) src(%dma_wait3A_256 : memref<1000000x64xf32, #tpu.memory_space<hbm>>) dst(%dma_wait3A_250 : memref<50x64xf32, #tpu.memory_space<vmem>>)
    %dma_wait3A_257 = arith.constant 5 : i32
    %dma_wait3A_258 = arith.constant 5 : i32
    %dma_wait3A_259 = arith.constant 0 : i32
    %dma_wait3A_260 = arith.constant 0 : i32
    %dma_wait3A_261 = tpu.memref_slice %arg6[%dma_wait3A_258, %dma_wait3A_259, %dma_wait3A_260] : memref<16x50x64xf32, #tpu.memory_space<vmem>> -> memref<1x50x64xf32, #tpu.memory_space<vmem>>
    %dma_wait3A_262 = tpu.memref_squeeze %dma_wait3A_261 : memref<1x50x64xf32, #tpu.memory_space<vmem>> -> memref<50x64xf32, #tpu.memory_space<vmem>>
    %dma_wait3A_263 = arith.constant 0 : i32
    %dma_wait3A_264 = tpu.memref_slice %arg5[%dma_wait3A_257, %dma_wait3A_263] : memref<512x50xi32, #tpu.memory_space<vmem>> -> memref<1x50xi32, #tpu.memory_space<vmem>>
    %dma_wait3A_265 = tpu.memref_squeeze %dma_wait3A_264 : memref<1x50xi32, #tpu.memory_space<vmem>> -> memref<50xi32, #tpu.memory_space<vmem>>
    %dma_wait3A_266 = arith.constant 0 : i32
    %dma_wait3A_267 = arith.constant 0 : i32
    %dma_wait3A_268 = tpu.memref_slice %arg3[%dma_wait3A_266, %dma_wait3A_267] : memref<1000000x64xf32, #tpu.memory_space<hbm>> -> memref<1000000x64xf32, #tpu.memory_space<hbm>>
    tpu.wait_indirect_dma semaphore(%arg8 : memref<!tpu.dma_semaphore, #tpu.memory_space<semaphore_mem>>) src(%dma_wait3A_268 : memref<1000000x64xf32, #tpu.memory_space<hbm>>) dst(%dma_wait3A_262 : memref<50x64xf32, #tpu.memory_space<vmem>>)
    %dma_wait3A_269 = arith.constant 6 : i32
    %dma_wait3A_270 = arith.constant 6 : i32
    %dma_wait3A_271 = arith.constant 0 : i32
    %dma_wait3A_272 = arith.constant 0 : i32
    %dma_wait3A_273 = tpu.memref_slice %arg6[%dma_wait3A_270, %dma_wait3A_271, %dma_wait3A_272] : memref<16x50x64xf32, #tpu.memory_space<vmem>> -> memref<1x50x64xf32, #tpu.memory_space<vmem>>
    %dma_wait3A_274 = tpu.memref_squeeze %dma_wait3A_273 : memref<1x50x64xf32, #tpu.memory_space<vmem>> -> memref<50x64xf32, #tpu.memory_space<vmem>>
    %dma_wait3A_275 = arith.constant 0 : i32
    %dma_wait3A_276 = tpu.memref_slice %arg5[%dma_wait3A_269, %dma_wait3A_275] : memref<512x50xi32, #tpu.memory_space<vmem>> -> memref<1x50xi32, #tpu.memory_space<vmem>>
    %dma_wait3A_277 = tpu.memref_squeeze %dma_wait3A_276 : memref<1x50xi32, #tpu.memory_space<vmem>> -> memref<50xi32, #tpu.memory_space<vmem>>
    %dma_wait3A_278 = arith.constant 0 : i32
    %dma_wait3A_279 = arith.constant 0 : i32
    %dma_wait3A_280 = tpu.memref_slice %arg3[%dma_wait3A_278, %dma_wait3A_279] : memref<1000000x64xf32, #tpu.memory_space<hbm>> -> memref<1000000x64xf32, #tpu.memory_space<hbm>>
    tpu.wait_indirect_dma semaphore(%arg8 : memref<!tpu.dma_semaphore, #tpu.memory_space<semaphore_mem>>) src(%dma_wait3A_280 : memref<1000000x64xf32, #tpu.memory_space<hbm>>) dst(%dma_wait3A_274 : memref<50x64xf32, #tpu.memory_space<vmem>>)
    %dma_wait3A_281 = arith.constant 7 : i32
    %dma_wait3A_282 = arith.constant 7 : i32
    %dma_wait3A_283 = arith.constant 0 : i32
    %dma_wait3A_284 = arith.constant 0 : i32
    %dma_wait3A_285 = tpu.memref_slice %arg6[%dma_wait3A_282, %dma_wait3A_283, %dma_wait3A_284] : memref<16x50x64xf32, #tpu.memory_space<vmem>> -> memref<1x50x64xf32, #tpu.memory_space<vmem>>
    %dma_wait3A_286 = tpu.memref_squeeze %dma_wait3A_285 : memref<1x50x64xf32, #tpu.memory_space<vmem>> -> memref<50x64xf32, #tpu.memory_space<vmem>>
    %dma_wait3A_287 = arith.constant 0 : i32
    %dma_wait3A_288 = tpu.memref_slice %arg5[%dma_wait3A_281, %dma_wait3A_287] : memref<512x50xi32, #tpu.memory_space<vmem>> -> memref<1x50xi32, #tpu.memory_space<vmem>>
    %dma_wait3A_289 = tpu.memref_squeeze %dma_wait3A_288 : memref<1x50xi32, #tpu.memory_space<vmem>> -> memref<50xi32, #tpu.memory_space<vmem>>
    %dma_wait3A_290 = arith.constant 0 : i32
    %dma_wait3A_291 = arith.constant 0 : i32
    %dma_wait3A_292 = tpu.memref_slice %arg3[%dma_wait3A_290, %dma_wait3A_291] : memref<1000000x64xf32, #tpu.memory_space<hbm>> -> memref<1000000x64xf32, #tpu.memory_space<hbm>>
    tpu.wait_indirect_dma semaphore(%arg8 : memref<!tpu.dma_semaphore, #tpu.memory_space<semaphore_mem>>) src(%dma_wait3A_292 : memref<1000000x64xf32, #tpu.memory_space<hbm>>) dst(%dma_wait3A_286 : memref<50x64xf32, #tpu.memory_space<vmem>>)
    %dma_wait3A_293 = arith.constant 8 : i32
    %dma_wait3A_294 = arith.constant 8 : i32
    %dma_wait3A_295 = arith.constant 0 : i32
    %dma_wait3A_296 = arith.constant 0 : i32
    %dma_wait3A_297 = tpu.memref_slice %arg6[%dma_wait3A_294, %dma_wait3A_295, %dma_wait3A_296] : memref<16x50x64xf32, #tpu.memory_space<vmem>> -> memref<1x50x64xf32, #tpu.memory_space<vmem>>
    %dma_wait3A_298 = tpu.memref_squeeze %dma_wait3A_297 : memref<1x50x64xf32, #tpu.memory_space<vmem>> -> memref<50x64xf32, #tpu.memory_space<vmem>>
    %dma_wait3A_299 = arith.constant 0 : i32
    %dma_wait3A_300 = tpu.memref_slice %arg5[%dma_wait3A_293, %dma_wait3A_299] : memref<512x50xi32, #tpu.memory_space<vmem>> -> memref<1x50xi32, #tpu.memory_space<vmem>>
    %dma_wait3A_301 = tpu.memref_squeeze %dma_wait3A_300 : memref<1x50xi32, #tpu.memory_space<vmem>> -> memref<50xi32, #tpu.memory_space<vmem>>
    %dma_wait3A_302 = arith.constant 0 : i32
    %dma_wait3A_303 = arith.constant 0 : i32
    %dma_wait3A_304 = tpu.memref_slice %arg3[%dma_wait3A_302, %dma_wait3A_303] : memref<1000000x64xf32, #tpu.memory_space<hbm>> -> memref<1000000x64xf32, #tpu.memory_space<hbm>>
    tpu.wait_indirect_dma semaphore(%arg8 : memref<!tpu.dma_semaphore, #tpu.memory_space<semaphore_mem>>) src(%dma_wait3A_304 : memref<1000000x64xf32, #tpu.memory_space<hbm>>) dst(%dma_wait3A_298 : memref<50x64xf32, #tpu.memory_space<vmem>>)
    %dma_wait3A_305 = arith.constant 9 : i32
    %dma_wait3A_306 = arith.constant 9 : i32
    %dma_wait3A_307 = arith.constant 0 : i32
    %dma_wait3A_308 = arith.constant 0 : i32
    %dma_wait3A_309 = tpu.memref_slice %arg6[%dma_wait3A_306, %dma_wait3A_307, %dma_wait3A_308] : memref<16x50x64xf32, #tpu.memory_space<vmem>> -> memref<1x50x64xf32, #tpu.memory_space<vmem>>
    %dma_wait3A_310 = tpu.memref_squeeze %dma_wait3A_309 : memref<1x50x64xf32, #tpu.memory_space<vmem>> -> memref<50x64xf32, #tpu.memory_space<vmem>>
    %dma_wait3A_311 = arith.constant 0 : i32
    %dma_wait3A_312 = tpu.memref_slice %arg5[%dma_wait3A_305, %dma_wait3A_311] : memref<512x50xi32, #tpu.memory_space<vmem>> -> memref<1x50xi32, #tpu.memory_space<vmem>>
    %dma_wait3A_313 = tpu.memref_squeeze %dma_wait3A_312 : memref<1x50xi32, #tpu.memory_space<vmem>> -> memref<50xi32, #tpu.memory_space<vmem>>
    %dma_wait3A_314 = arith.constant 0 : i32
    %dma_wait3A_315 = arith.constant 0 : i32
    %dma_wait3A_316 = tpu.memref_slice %arg3[%dma_wait3A_314, %dma_wait3A_315] : memref<1000000x64xf32, #tpu.memory_space<hbm>> -> memref<1000000x64xf32, #tpu.memory_space<hbm>>
    tpu.wait_indirect_dma semaphore(%arg8 : memref<!tpu.dma_semaphore, #tpu.memory_space<semaphore_mem>>) src(%dma_wait3A_316 : memref<1000000x64xf32, #tpu.memory_space<hbm>>) dst(%dma_wait3A_310 : memref<50x64xf32, #tpu.memory_space<vmem>>)
    %dma_wait3A_317 = arith.constant 10 : i32
    %dma_wait3A_318 = arith.constant 10 : i32
    %dma_wait3A_319 = arith.constant 0 : i32
    %dma_wait3A_320 = arith.constant 0 : i32
    %dma_wait3A_321 = tpu.memref_slice %arg6[%dma_wait3A_318, %dma_wait3A_319, %dma_wait3A_320] : memref<16x50x64xf32, #tpu.memory_space<vmem>> -> memref<1x50x64xf32, #tpu.memory_space<vmem>>
    %dma_wait3A_322 = tpu.memref_squeeze %dma_wait3A_321 : memref<1x50x64xf32, #tpu.memory_space<vmem>> -> memref<50x64xf32, #tpu.memory_space<vmem>>
    %dma_wait3A_323 = arith.constant 0 : i32
    %dma_wait3A_324 = tpu.memref_slice %arg5[%dma_wait3A_317, %dma_wait3A_323] : memref<512x50xi32, #tpu.memory_space<vmem>> -> memref<1x50xi32, #tpu.memory_space<vmem>>
    %dma_wait3A_325 = tpu.memref_squeeze %dma_wait3A_324 : memref<1x50xi32, #tpu.memory_space<vmem>> -> memref<50xi32, #tpu.memory_space<vmem>>
    %dma_wait3A_326 = arith.constant 0 : i32
    %dma_wait3A_327 = arith.constant 0 : i32
    %dma_wait3A_328 = tpu.memref_slice %arg3[%dma_wait3A_326, %dma_wait3A_327] : memref<1000000x64xf32, #tpu.memory_space<hbm>> -> memref<1000000x64xf32, #tpu.memory_space<hbm>>
    tpu.wait_indirect_dma semaphore(%arg8 : memref<!tpu.dma_semaphore, #tpu.memory_space<semaphore_mem>>) src(%dma_wait3A_328 : memref<1000000x64xf32, #tpu.memory_space<hbm>>) dst(%dma_wait3A_322 : memref<50x64xf32, #tpu.memory_space<vmem>>)
    %dma_wait3A_329 = arith.constant 11 : i32
    %dma_wait3A_330 = arith.constant 11 : i32
    %dma_wait3A_331 = arith.constant 0 : i32
    %dma_wait3A_332 = arith.constant 0 : i32
    %dma_wait3A_333 = tpu.memref_slice %arg6[%dma_wait3A_330, %dma_wait3A_331, %dma_wait3A_332] : memref<16x50x64xf32, #tpu.memory_space<vmem>> -> memref<1x50x64xf32, #tpu.memory_space<vmem>>
    %dma_wait3A_334 = tpu.memref_squeeze %dma_wait3A_333 : memref<1x50x64xf32, #tpu.memory_space<vmem>> -> memref<50x64xf32, #tpu.memory_space<vmem>>
    %dma_wait3A_335 = arith.constant 0 : i32
    %dma_wait3A_336 = tpu.memref_slice %arg5[%dma_wait3A_329, %dma_wait3A_335] : memref<512x50xi32, #tpu.memory_space<vmem>> -> memref<1x50xi32, #tpu.memory_space<vmem>>
    %dma_wait3A_337 = tpu.memref_squeeze %dma_wait3A_336 : memref<1x50xi32, #tpu.memory_space<vmem>> -> memref<50xi32, #tpu.memory_space<vmem>>
    %dma_wait3A_338 = arith.constant 0 : i32
    %dma_wait3A_339 = arith.constant 0 : i32
    %dma_wait3A_340 = tpu.memref_slice %arg3[%dma_wait3A_338, %dma_wait3A_339] : memref<1000000x64xf32, #tpu.memory_space<hbm>> -> memref<1000000x64xf32, #tpu.memory_space<hbm>>
    tpu.wait_indirect_dma semaphore(%arg8 : memref<!tpu.dma_semaphore, #tpu.memory_space<semaphore_mem>>) src(%dma_wait3A_340 : memref<1000000x64xf32, #tpu.memory_space<hbm>>) dst(%dma_wait3A_334 : memref<50x64xf32, #tpu.memory_space<vmem>>)
    %dma_wait3A_341 = arith.constant 12 : i32
    %dma_wait3A_342 = arith.constant 12 : i32
    %dma_wait3A_343 = arith.constant 0 : i32
    %dma_wait3A_344 = arith.constant 0 : i32
    %dma_wait3A_345 = tpu.memref_slice %arg6[%dma_wait3A_342, %dma_wait3A_343, %dma_wait3A_344] : memref<16x50x64xf32, #tpu.memory_space<vmem>> -> memref<1x50x64xf32, #tpu.memory_space<vmem>>
    %dma_wait3A_346 = tpu.memref_squeeze %dma_wait3A_345 : memref<1x50x64xf32, #tpu.memory_space<vmem>> -> memref<50x64xf32, #tpu.memory_space<vmem>>
    %dma_wait3A_347 = arith.constant 0 : i32
    %dma_wait3A_348 = tpu.memref_slice %arg5[%dma_wait3A_341, %dma_wait3A_347] : memref<512x50xi32, #tpu.memory_space<vmem>> -> memref<1x50xi32, #tpu.memory_space<vmem>>
    %dma_wait3A_349 = tpu.memref_squeeze %dma_wait3A_348 : memref<1x50xi32, #tpu.memory_space<vmem>> -> memref<50xi32, #tpu.memory_space<vmem>>
    %dma_wait3A_350 = arith.constant 0 : i32
    %dma_wait3A_351 = arith.constant 0 : i32
    %dma_wait3A_352 = tpu.memref_slice %arg3[%dma_wait3A_350, %dma_wait3A_351] : memref<1000000x64xf32, #tpu.memory_space<hbm>> -> memref<1000000x64xf32, #tpu.memory_space<hbm>>
    tpu.wait_indirect_dma semaphore(%arg8 : memref<!tpu.dma_semaphore, #tpu.memory_space<semaphore_mem>>) src(%dma_wait3A_352 : memref<1000000x64xf32, #tpu.memory_space<hbm>>) dst(%dma_wait3A_346 : memref<50x64xf32, #tpu.memory_space<vmem>>)
    %dma_wait3A_353 = arith.constant 13 : i32
    %dma_wait3A_354 = arith.constant 13 : i32
    %dma_wait3A_355 = arith.constant 0 : i32
    %dma_wait3A_356 = arith.constant 0 : i32
    %dma_wait3A_357 = tpu.memref_slice %arg6[%dma_wait3A_354, %dma_wait3A_355, %dma_wait3A_356] : memref<16x50x64xf32, #tpu.memory_space<vmem>> -> memref<1x50x64xf32, #tpu.memory_space<vmem>>
    %dma_wait3A_358 = tpu.memref_squeeze %dma_wait3A_357 : memref<1x50x64xf32, #tpu.memory_space<vmem>> -> memref<50x64xf32, #tpu.memory_space<vmem>>
    %dma_wait3A_359 = arith.constant 0 : i32
    %dma_wait3A_360 = tpu.memref_slice %arg5[%dma_wait3A_353, %dma_wait3A_359] : memref<512x50xi32, #tpu.memory_space<vmem>> -> memref<1x50xi32, #tpu.memory_space<vmem>>
    %dma_wait3A_361 = tpu.memref_squeeze %dma_wait3A_360 : memref<1x50xi32, #tpu.memory_space<vmem>> -> memref<50xi32, #tpu.memory_space<vmem>>
    %dma_wait3A_362 = arith.constant 0 : i32
    %dma_wait3A_363 = arith.constant 0 : i32
    %dma_wait3A_364 = tpu.memref_slice %arg3[%dma_wait3A_362, %dma_wait3A_363] : memref<1000000x64xf32, #tpu.memory_space<hbm>> -> memref<1000000x64xf32, #tpu.memory_space<hbm>>
    tpu.wait_indirect_dma semaphore(%arg8 : memref<!tpu.dma_semaphore, #tpu.memory_space<semaphore_mem>>) src(%dma_wait3A_364 : memref<1000000x64xf32, #tpu.memory_space<hbm>>) dst(%dma_wait3A_358 : memref<50x64xf32, #tpu.memory_space<vmem>>)
    %dma_wait3A_365 = arith.constant 14 : i32
    %dma_wait3A_366 = arith.constant 14 : i32
    %dma_wait3A_367 = arith.constant 0 : i32
    %dma_wait3A_368 = arith.constant 0 : i32
    %dma_wait3A_369 = tpu.memref_slice %arg6[%dma_wait3A_366, %dma_wait3A_367, %dma_wait3A_368] : memref<16x50x64xf32, #tpu.memory_space<vmem>> -> memref<1x50x64xf32, #tpu.memory_space<vmem>>
    %dma_wait3A_370 = tpu.memref_squeeze %dma_wait3A_369 : memref<1x50x64xf32, #tpu.memory_space<vmem>> -> memref<50x64xf32, #tpu.memory_space<vmem>>
    %dma_wait3A_371 = arith.constant 0 : i32
    %dma_wait3A_372 = tpu.memref_slice %arg5[%dma_wait3A_365, %dma_wait3A_371] : memref<512x50xi32, #tpu.memory_space<vmem>> -> memref<1x50xi32, #tpu.memory_space<vmem>>
    %dma_wait3A_373 = tpu.memref_squeeze %dma_wait3A_372 : memref<1x50xi32, #tpu.memory_space<vmem>> -> memref<50xi32, #tpu.memory_space<vmem>>
    %dma_wait3A_374 = arith.constant 0 : i32
    %dma_wait3A_375 = arith.constant 0 : i32
    %dma_wait3A_376 = tpu.memref_slice %arg3[%dma_wait3A_374, %dma_wait3A_375] : memref<1000000x64xf32, #tpu.memory_space<hbm>> -> memref<1000000x64xf32, #tpu.memory_space<hbm>>
    tpu.wait_indirect_dma semaphore(%arg8 : memref<!tpu.dma_semaphore, #tpu.memory_space<semaphore_mem>>) src(%dma_wait3A_376 : memref<1000000x64xf32, #tpu.memory_space<hbm>>) dst(%dma_wait3A_370 : memref<50x64xf32, #tpu.memory_space<vmem>>)
    %dma_wait3A_377 = arith.constant 15 : i32
    %dma_wait3A_378 = arith.constant 15 : i32
    %dma_wait3A_379 = arith.constant 0 : i32
    %dma_wait3A_380 = arith.constant 0 : i32
    %dma_wait3A_381 = tpu.memref_slice %arg6[%dma_wait3A_378, %dma_wait3A_379, %dma_wait3A_380] : memref<16x50x64xf32, #tpu.memory_space<vmem>> -> memref<1x50x64xf32, #tpu.memory_space<vmem>>
    %dma_wait3A_382 = tpu.memref_squeeze %dma_wait3A_381 : memref<1x50x64xf32, #tpu.memory_space<vmem>> -> memref<50x64xf32, #tpu.memory_space<vmem>>
    %dma_wait3A_383 = arith.constant 0 : i32
    %dma_wait3A_384 = tpu.memref_slice %arg5[%dma_wait3A_377, %dma_wait3A_383] : memref<512x50xi32, #tpu.memory_space<vmem>> -> memref<1x50xi32, #tpu.memory_space<vmem>>
    %dma_wait3A_385 = tpu.memref_squeeze %dma_wait3A_384 : memref<1x50xi32, #tpu.memory_space<vmem>> -> memref<50xi32, #tpu.memory_space<vmem>>
    %dma_wait3A_386 = arith.constant 0 : i32
    %dma_wait3A_387 = arith.constant 0 : i32
    %dma_wait3A_388 = tpu.memref_slice %arg3[%dma_wait3A_386, %dma_wait3A_387] : memref<1000000x64xf32, #tpu.memory_space<hbm>> -> memref<1000000x64xf32, #tpu.memory_space<hbm>>
    tpu.wait_indirect_dma semaphore(%arg8 : memref<!tpu.dma_semaphore, #tpu.memory_space<semaphore_mem>>) src(%dma_wait3A_388 : memref<1000000x64xf32, #tpu.memory_space<hbm>>) dst(%dma_wait3A_382 : memref<50x64xf32, #tpu.memory_space<vmem>>)
    %dma_start3A_389 = arith.constant 496 : i32
    %dma_start3A_390 = arith.constant 0 : i32
    %dma_start3A_391 = arith.constant 0 : i32
    %dma_start3A_392 = arith.constant 0 : i32
    %dma_start3A_393 = tpu.memref_slice %arg7[%dma_start3A_390, %dma_start3A_391, %dma_start3A_392] : memref<16x50x64xf32, #tpu.memory_space<vmem>> -> memref<1x50x64xf32, #tpu.memory_space<vmem>>
    %dma_start3A_394 = tpu.memref_squeeze %dma_start3A_393 : memref<1x50x64xf32, #tpu.memory_space<vmem>> -> memref<50x64xf32, #tpu.memory_space<vmem>>
    %dma_start3A_395 = arith.constant 0 : i32
    %dma_start3A_396 = tpu.memref_slice %arg5[%dma_start3A_389, %dma_start3A_395] : memref<512x50xi32, #tpu.memory_space<vmem>> -> memref<1x50xi32, #tpu.memory_space<vmem>>
    %dma_start3A_397 = tpu.memref_squeeze %dma_start3A_396 : memref<1x50xi32, #tpu.memory_space<vmem>> -> memref<50xi32, #tpu.memory_space<vmem>>
    %dma_start3A_398 = arith.constant 0 : i32
    %dma_start3A_399 = arith.constant 0 : i32
    %dma_start3A_400 = tpu.memref_slice %arg3[%dma_start3A_398, %dma_start3A_399] : memref<1000000x64xf32, #tpu.memory_space<hbm>> -> memref<1000000x64xf32, #tpu.memory_space<hbm>>
    tpu.enqueue_indirect_dma source(%dma_start3A_400 : memref<1000000x64xf32, #tpu.memory_space<hbm>>) target(%dma_start3A_394 : memref<50x64xf32, #tpu.memory_space<vmem>>) offsets(%dma_start3A_397 : memref<50xi32, #tpu.memory_space<vmem>>) semaphore(%arg9 : memref<!tpu.dma_semaphore, #tpu.memory_space<semaphore_mem>>)
    %dma_start3A_401 = arith.constant 497 : i32
    %dma_start3A_402 = arith.constant 1 : i32
    %dma_start3A_403 = arith.constant 0 : i32
    %dma_start3A_404 = arith.constant 0 : i32
    %dma_start3A_405 = tpu.memref_slice %arg7[%dma_start3A_402, %dma_start3A_403, %dma_start3A_404] : memref<16x50x64xf32, #tpu.memory_space<vmem>> -> memref<1x50x64xf32, #tpu.memory_space<vmem>>
    %dma_start3A_406 = tpu.memref_squeeze %dma_start3A_405 : memref<1x50x64xf32, #tpu.memory_space<vmem>> -> memref<50x64xf32, #tpu.memory_space<vmem>>
    %dma_start3A_407 = arith.constant 0 : i32
    %dma_start3A_408 = tpu.memref_slice %arg5[%dma_start3A_401, %dma_start3A_407] : memref<512x50xi32, #tpu.memory_space<vmem>> -> memref<1x50xi32, #tpu.memory_space<vmem>>
    %dma_start3A_409 = tpu.memref_squeeze %dma_start3A_408 : memref<1x50xi32, #tpu.memory_space<vmem>> -> memref<50xi32, #tpu.memory_space<vmem>>
    %dma_start3A_410 = arith.constant 0 : i32
    %dma_start3A_411 = arith.constant 0 : i32
    %dma_start3A_412 = tpu.memref_slice %arg3[%dma_start3A_410, %dma_start3A_411] : memref<1000000x64xf32, #tpu.memory_space<hbm>> -> memref<1000000x64xf32, #tpu.memory_space<hbm>>
    tpu.enqueue_indirect_dma source(%dma_start3A_412 : memref<1000000x64xf32, #tpu.memory_space<hbm>>) target(%dma_start3A_406 : memref<50x64xf32, #tpu.memory_space<vmem>>) offsets(%dma_start3A_409 : memref<50xi32, #tpu.memory_space<vmem>>) semaphore(%arg9 : memref<!tpu.dma_semaphore, #tpu.memory_space<semaphore_mem>>)
    %dma_start3A_413 = arith.constant 498 : i32
    %dma_start3A_414 = arith.constant 2 : i32
    %dma_start3A_415 = arith.constant 0 : i32
    %dma_start3A_416 = arith.constant 0 : i32
    %dma_start3A_417 = tpu.memref_slice %arg7[%dma_start3A_414, %dma_start3A_415, %dma_start3A_416] : memref<16x50x64xf32, #tpu.memory_space<vmem>> -> memref<1x50x64xf32, #tpu.memory_space<vmem>>
    %dma_start3A_418 = tpu.memref_squeeze %dma_start3A_417 : memref<1x50x64xf32, #tpu.memory_space<vmem>> -> memref<50x64xf32, #tpu.memory_space<vmem>>
    %dma_start3A_419 = arith.constant 0 : i32
    %dma_start3A_420 = tpu.memref_slice %arg5[%dma_start3A_413, %dma_start3A_419] : memref<512x50xi32, #tpu.memory_space<vmem>> -> memref<1x50xi32, #tpu.memory_space<vmem>>
    %dma_start3A_421 = tpu.memref_squeeze %dma_start3A_420 : memref<1x50xi32, #tpu.memory_space<vmem>> -> memref<50xi32, #tpu.memory_space<vmem>>
    %dma_start3A_422 = arith.constant 0 : i32
    %dma_start3A_423 = arith.constant 0 : i32
    %dma_start3A_424 = tpu.memref_slice %arg3[%dma_start3A_422, %dma_start3A_423] : memref<1000000x64xf32, #tpu.memory_space<hbm>> -> memref<1000000x64xf32, #tpu.memory_space<hbm>>
    tpu.enqueue_indirect_dma source(%dma_start3A_424 : memref<1000000x64xf32, #tpu.memory_space<hbm>>) target(%dma_start3A_418 : memref<50x64xf32, #tpu.memory_space<vmem>>) offsets(%dma_start3A_421 : memref<50xi32, #tpu.memory_space<vmem>>) semaphore(%arg9 : memref<!tpu.dma_semaphore, #tpu.memory_space<semaphore_mem>>)
    %dma_start3A_425 = arith.constant 499 : i32
    %dma_start3A_426 = arith.constant 3 : i32
    %dma_start3A_427 = arith.constant 0 : i32
    %dma_start3A_428 = arith.constant 0 : i32
    %dma_start3A_429 = tpu.memref_slice %arg7[%dma_start3A_426, %dma_start3A_427, %dma_start3A_428] : memref<16x50x64xf32, #tpu.memory_space<vmem>> -> memref<1x50x64xf32, #tpu.memory_space<vmem>>
    %dma_start3A_430 = tpu.memref_squeeze %dma_start3A_429 : memref<1x50x64xf32, #tpu.memory_space<vmem>> -> memref<50x64xf32, #tpu.memory_space<vmem>>
    %dma_start3A_431 = arith.constant 0 : i32
    %dma_start3A_432 = tpu.memref_slice %arg5[%dma_start3A_425, %dma_start3A_431] : memref<512x50xi32, #tpu.memory_space<vmem>> -> memref<1x50xi32, #tpu.memory_space<vmem>>
    %dma_start3A_433 = tpu.memref_squeeze %dma_start3A_432 : memref<1x50xi32, #tpu.memory_space<vmem>> -> memref<50xi32, #tpu.memory_space<vmem>>
    %dma_start3A_434 = arith.constant 0 : i32
    %dma_start3A_435 = arith.constant 0 : i32
    %dma_start3A_436 = tpu.memref_slice %arg3[%dma_start3A_434, %dma_start3A_435] : memref<1000000x64xf32, #tpu.memory_space<hbm>> -> memref<1000000x64xf32, #tpu.memory_space<hbm>>
    tpu.enqueue_indirect_dma source(%dma_start3A_436 : memref<1000000x64xf32, #tpu.memory_space<hbm>>) target(%dma_start3A_430 : memref<50x64xf32, #tpu.memory_space<vmem>>) offsets(%dma_start3A_433 : memref<50xi32, #tpu.memory_space<vmem>>) semaphore(%arg9 : memref<!tpu.dma_semaphore, #tpu.memory_space<semaphore_mem>>)
    %dma_start3A_437 = arith.constant 500 : i32
    %dma_start3A_438 = arith.constant 4 : i32
    %dma_start3A_439 = arith.constant 0 : i32
    %dma_start3A_440 = arith.constant 0 : i32
    %dma_start3A_441 = tpu.memref_slice %arg7[%dma_start3A_438, %dma_start3A_439, %dma_start3A_440] : memref<16x50x64xf32, #tpu.memory_space<vmem>> -> memref<1x50x64xf32, #tpu.memory_space<vmem>>
    %dma_start3A_442 = tpu.memref_squeeze %dma_start3A_441 : memref<1x50x64xf32, #tpu.memory_space<vmem>> -> memref<50x64xf32, #tpu.memory_space<vmem>>
    %dma_start3A_443 = arith.constant 0 : i32
    %dma_start3A_444 = tpu.memref_slice %arg5[%dma_start3A_437, %dma_start3A_443] : memref<512x50xi32, #tpu.memory_space<vmem>> -> memref<1x50xi32, #tpu.memory_space<vmem>>
    %dma_start3A_445 = tpu.memref_squeeze %dma_start3A_444 : memref<1x50xi32, #tpu.memory_space<vmem>> -> memref<50xi32, #tpu.memory_space<vmem>>
    %dma_start3A_446 = arith.constant 0 : i32
    %dma_start3A_447 = arith.constant 0 : i32
    %dma_start3A_448 = tpu.memref_slice %arg3[%dma_start3A_446, %dma_start3A_447] : memref<1000000x64xf32, #tpu.memory_space<hbm>> -> memref<1000000x64xf32, #tpu.memory_space<hbm>>
    tpu.enqueue_indirect_dma source(%dma_start3A_448 : memref<1000000x64xf32, #tpu.memory_space<hbm>>) target(%dma_start3A_442 : memref<50x64xf32, #tpu.memory_space<vmem>>) offsets(%dma_start3A_445 : memref<50xi32, #tpu.memory_space<vmem>>) semaphore(%arg9 : memref<!tpu.dma_semaphore, #tpu.memory_space<semaphore_mem>>)
    %dma_start3A_449 = arith.constant 501 : i32
    %dma_start3A_450 = arith.constant 5 : i32
    %dma_start3A_451 = arith.constant 0 : i32
    %dma_start3A_452 = arith.constant 0 : i32
    %dma_start3A_453 = tpu.memref_slice %arg7[%dma_start3A_450, %dma_start3A_451, %dma_start3A_452] : memref<16x50x64xf32, #tpu.memory_space<vmem>> -> memref<1x50x64xf32, #tpu.memory_space<vmem>>
    %dma_start3A_454 = tpu.memref_squeeze %dma_start3A_453 : memref<1x50x64xf32, #tpu.memory_space<vmem>> -> memref<50x64xf32, #tpu.memory_space<vmem>>
    %dma_start3A_455 = arith.constant 0 : i32
    %dma_start3A_456 = tpu.memref_slice %arg5[%dma_start3A_449, %dma_start3A_455] : memref<512x50xi32, #tpu.memory_space<vmem>> -> memref<1x50xi32, #tpu.memory_space<vmem>>
    %dma_start3A_457 = tpu.memref_squeeze %dma_start3A_456 : memref<1x50xi32, #tpu.memory_space<vmem>> -> memref<50xi32, #tpu.memory_space<vmem>>
    %dma_start3A_458 = arith.constant 0 : i32
    %dma_start3A_459 = arith.constant 0 : i32
    %dma_start3A_460 = tpu.memref_slice %arg3[%dma_start3A_458, %dma_start3A_459] : memref<1000000x64xf32, #tpu.memory_space<hbm>> -> memref<1000000x64xf32, #tpu.memory_space<hbm>>
    tpu.enqueue_indirect_dma source(%dma_start3A_460 : memref<1000000x64xf32, #tpu.memory_space<hbm>>) target(%dma_start3A_454 : memref<50x64xf32, #tpu.memory_space<vmem>>) offsets(%dma_start3A_457 : memref<50xi32, #tpu.memory_space<vmem>>) semaphore(%arg9 : memref<!tpu.dma_semaphore, #tpu.memory_space<semaphore_mem>>)
    %dma_start3A_461 = arith.constant 502 : i32
    %dma_start3A_462 = arith.constant 6 : i32
    %dma_start3A_463 = arith.constant 0 : i32
    %dma_start3A_464 = arith.constant 0 : i32
    %dma_start3A_465 = tpu.memref_slice %arg7[%dma_start3A_462, %dma_start3A_463, %dma_start3A_464] : memref<16x50x64xf32, #tpu.memory_space<vmem>> -> memref<1x50x64xf32, #tpu.memory_space<vmem>>
    %dma_start3A_466 = tpu.memref_squeeze %dma_start3A_465 : memref<1x50x64xf32, #tpu.memory_space<vmem>> -> memref<50x64xf32, #tpu.memory_space<vmem>>
    %dma_start3A_467 = arith.constant 0 : i32
    %dma_start3A_468 = tpu.memref_slice %arg5[%dma_start3A_461, %dma_start3A_467] : memref<512x50xi32, #tpu.memory_space<vmem>> -> memref<1x50xi32, #tpu.memory_space<vmem>>
    %dma_start3A_469 = tpu.memref_squeeze %dma_start3A_468 : memref<1x50xi32, #tpu.memory_space<vmem>> -> memref<50xi32, #tpu.memory_space<vmem>>
    %dma_start3A_470 = arith.constant 0 : i32
    %dma_start3A_471 = arith.constant 0 : i32
    %dma_start3A_472 = tpu.memref_slice %arg3[%dma_start3A_470, %dma_start3A_471] : memref<1000000x64xf32, #tpu.memory_space<hbm>> -> memref<1000000x64xf32, #tpu.memory_space<hbm>>
    tpu.enqueue_indirect_dma source(%dma_start3A_472 : memref<1000000x64xf32, #tpu.memory_space<hbm>>) target(%dma_start3A_466 : memref<50x64xf32, #tpu.memory_space<vmem>>) offsets(%dma_start3A_469 : memref<50xi32, #tpu.memory_space<vmem>>) semaphore(%arg9 : memref<!tpu.dma_semaphore, #tpu.memory_space<semaphore_mem>>)
    %dma_start3A_473 = arith.constant 503 : i32
    %dma_start3A_474 = arith.constant 7 : i32
    %dma_start3A_475 = arith.constant 0 : i32
    %dma_start3A_476 = arith.constant 0 : i32
    %dma_start3A_477 = tpu.memref_slice %arg7[%dma_start3A_474, %dma_start3A_475, %dma_start3A_476] : memref<16x50x64xf32, #tpu.memory_space<vmem>> -> memref<1x50x64xf32, #tpu.memory_space<vmem>>
    %dma_start3A_478 = tpu.memref_squeeze %dma_start3A_477 : memref<1x50x64xf32, #tpu.memory_space<vmem>> -> memref<50x64xf32, #tpu.memory_space<vmem>>
    %dma_start3A_479 = arith.constant 0 : i32
    %dma_start3A_480 = tpu.memref_slice %arg5[%dma_start3A_473, %dma_start3A_479] : memref<512x50xi32, #tpu.memory_space<vmem>> -> memref<1x50xi32, #tpu.memory_space<vmem>>
    %dma_start3A_481 = tpu.memref_squeeze %dma_start3A_480 : memref<1x50xi32, #tpu.memory_space<vmem>> -> memref<50xi32, #tpu.memory_space<vmem>>
    %dma_start3A_482 = arith.constant 0 : i32
    %dma_start3A_483 = arith.constant 0 : i32
    %dma_start3A_484 = tpu.memref_slice %arg3[%dma_start3A_482, %dma_start3A_483] : memref<1000000x64xf32, #tpu.memory_space<hbm>> -> memref<1000000x64xf32, #tpu.memory_space<hbm>>
    tpu.enqueue_indirect_dma source(%dma_start3A_484 : memref<1000000x64xf32, #tpu.memory_space<hbm>>) target(%dma_start3A_478 : memref<50x64xf32, #tpu.memory_space<vmem>>) offsets(%dma_start3A_481 : memref<50xi32, #tpu.memory_space<vmem>>) semaphore(%arg9 : memref<!tpu.dma_semaphore, #tpu.memory_space<semaphore_mem>>)
    %dma_start3A_485 = arith.constant 504 : i32
    %dma_start3A_486 = arith.constant 8 : i32
    %dma_start3A_487 = arith.constant 0 : i32
    %dma_start3A_488 = arith.constant 0 : i32
    %dma_start3A_489 = tpu.memref_slice %arg7[%dma_start3A_486, %dma_start3A_487, %dma_start3A_488] : memref<16x50x64xf32, #tpu.memory_space<vmem>> -> memref<1x50x64xf32, #tpu.memory_space<vmem>>
    %dma_start3A_490 = tpu.memref_squeeze %dma_start3A_489 : memref<1x50x64xf32, #tpu.memory_space<vmem>> -> memref<50x64xf32, #tpu.memory_space<vmem>>
    %dma_start3A_491 = arith.constant 0 : i32
    %dma_start3A_492 = tpu.memref_slice %arg5[%dma_start3A_485, %dma_start3A_491] : memref<512x50xi32, #tpu.memory_space<vmem>> -> memref<1x50xi32, #tpu.memory_space<vmem>>
    %dma_start3A_493 = tpu.memref_squeeze %dma_start3A_492 : memref<1x50xi32, #tpu.memory_space<vmem>> -> memref<50xi32, #tpu.memory_space<vmem>>
    %dma_start3A_494 = arith.constant 0 : i32
    %dma_start3A_495 = arith.constant 0 : i32
    %dma_start3A_496 = tpu.memref_slice %arg3[%dma_start3A_494, %dma_start3A_495] : memref<1000000x64xf32, #tpu.memory_space<hbm>> -> memref<1000000x64xf32, #tpu.memory_space<hbm>>
    tpu.enqueue_indirect_dma source(%dma_start3A_496 : memref<1000000x64xf32, #tpu.memory_space<hbm>>) target(%dma_start3A_490 : memref<50x64xf32, #tpu.memory_space<vmem>>) offsets(%dma_start3A_493 : memref<50xi32, #tpu.memory_space<vmem>>) semaphore(%arg9 : memref<!tpu.dma_semaphore, #tpu.memory_space<semaphore_mem>>)
    %dma_start3A_497 = arith.constant 505 : i32
    %dma_start3A_498 = arith.constant 9 : i32
    %dma_start3A_499 = arith.constant 0 : i32
    %dma_start3A_500 = arith.constant 0 : i32
    %dma_start3A_501 = tpu.memref_slice %arg7[%dma_start3A_498, %dma_start3A_499, %dma_start3A_500] : memref<16x50x64xf32, #tpu.memory_space<vmem>> -> memref<1x50x64xf32, #tpu.memory_space<vmem>>
    %dma_start3A_502 = tpu.memref_squeeze %dma_start3A_501 : memref<1x50x64xf32, #tpu.memory_space<vmem>> -> memref<50x64xf32, #tpu.memory_space<vmem>>
    %dma_start3A_503 = arith.constant 0 : i32
    %dma_start3A_504 = tpu.memref_slice %arg5[%dma_start3A_497, %dma_start3A_503] : memref<512x50xi32, #tpu.memory_space<vmem>> -> memref<1x50xi32, #tpu.memory_space<vmem>>
    %dma_start3A_505 = tpu.memref_squeeze %dma_start3A_504 : memref<1x50xi32, #tpu.memory_space<vmem>> -> memref<50xi32, #tpu.memory_space<vmem>>
    %dma_start3A_506 = arith.constant 0 : i32
    %dma_start3A_507 = arith.constant 0 : i32
    %dma_start3A_508 = tpu.memref_slice %arg3[%dma_start3A_506, %dma_start3A_507] : memref<1000000x64xf32, #tpu.memory_space<hbm>> -> memref<1000000x64xf32, #tpu.memory_space<hbm>>
    tpu.enqueue_indirect_dma source(%dma_start3A_508 : memref<1000000x64xf32, #tpu.memory_space<hbm>>) target(%dma_start3A_502 : memref<50x64xf32, #tpu.memory_space<vmem>>) offsets(%dma_start3A_505 : memref<50xi32, #tpu.memory_space<vmem>>) semaphore(%arg9 : memref<!tpu.dma_semaphore, #tpu.memory_space<semaphore_mem>>)
    %dma_start3A_509 = arith.constant 506 : i32
    %dma_start3A_510 = arith.constant 10 : i32
    %dma_start3A_511 = arith.constant 0 : i32
    %dma_start3A_512 = arith.constant 0 : i32
    %dma_start3A_513 = tpu.memref_slice %arg7[%dma_start3A_510, %dma_start3A_511, %dma_start3A_512] : memref<16x50x64xf32, #tpu.memory_space<vmem>> -> memref<1x50x64xf32, #tpu.memory_space<vmem>>
    %dma_start3A_514 = tpu.memref_squeeze %dma_start3A_513 : memref<1x50x64xf32, #tpu.memory_space<vmem>> -> memref<50x64xf32, #tpu.memory_space<vmem>>
    %dma_start3A_515 = arith.constant 0 : i32
    %dma_start3A_516 = tpu.memref_slice %arg5[%dma_start3A_509, %dma_start3A_515] : memref<512x50xi32, #tpu.memory_space<vmem>> -> memref<1x50xi32, #tpu.memory_space<vmem>>
    %dma_start3A_517 = tpu.memref_squeeze %dma_start3A_516 : memref<1x50xi32, #tpu.memory_space<vmem>> -> memref<50xi32, #tpu.memory_space<vmem>>
    %dma_start3A_518 = arith.constant 0 : i32
    %dma_start3A_519 = arith.constant 0 : i32
    %dma_start3A_520 = tpu.memref_slice %arg3[%dma_start3A_518, %dma_start3A_519] : memref<1000000x64xf32, #tpu.memory_space<hbm>> -> memref<1000000x64xf32, #tpu.memory_space<hbm>>
    tpu.enqueue_indirect_dma source(%dma_start3A_520 : memref<1000000x64xf32, #tpu.memory_space<hbm>>) target(%dma_start3A_514 : memref<50x64xf32, #tpu.memory_space<vmem>>) offsets(%dma_start3A_517 : memref<50xi32, #tpu.memory_space<vmem>>) semaphore(%arg9 : memref<!tpu.dma_semaphore, #tpu.memory_space<semaphore_mem>>)
    %dma_start3A_521 = arith.constant 507 : i32
    %dma_start3A_522 = arith.constant 11 : i32
    %dma_start3A_523 = arith.constant 0 : i32
    %dma_start3A_524 = arith.constant 0 : i32
    %dma_start3A_525 = tpu.memref_slice %arg7[%dma_start3A_522, %dma_start3A_523, %dma_start3A_524] : memref<16x50x64xf32, #tpu.memory_space<vmem>> -> memref<1x50x64xf32, #tpu.memory_space<vmem>>
    %dma_start3A_526 = tpu.memref_squeeze %dma_start3A_525 : memref<1x50x64xf32, #tpu.memory_space<vmem>> -> memref<50x64xf32, #tpu.memory_space<vmem>>
    %dma_start3A_527 = arith.constant 0 : i32
    %dma_start3A_528 = tpu.memref_slice %arg5[%dma_start3A_521, %dma_start3A_527] : memref<512x50xi32, #tpu.memory_space<vmem>> -> memref<1x50xi32, #tpu.memory_space<vmem>>
    %dma_start3A_529 = tpu.memref_squeeze %dma_start3A_528 : memref<1x50xi32, #tpu.memory_space<vmem>> -> memref<50xi32, #tpu.memory_space<vmem>>
    %dma_start3A_530 = arith.constant 0 : i32
    %dma_start3A_531 = arith.constant 0 : i32
    %dma_start3A_532 = tpu.memref_slice %arg3[%dma_start3A_530, %dma_start3A_531] : memref<1000000x64xf32, #tpu.memory_space<hbm>> -> memref<1000000x64xf32, #tpu.memory_space<hbm>>
    tpu.enqueue_indirect_dma source(%dma_start3A_532 : memref<1000000x64xf32, #tpu.memory_space<hbm>>) target(%dma_start3A_526 : memref<50x64xf32, #tpu.memory_space<vmem>>) offsets(%dma_start3A_529 : memref<50xi32, #tpu.memory_space<vmem>>) semaphore(%arg9 : memref<!tpu.dma_semaphore, #tpu.memory_space<semaphore_mem>>)
    %dma_start3A_533 = arith.constant 508 : i32
    %dma_start3A_534 = arith.constant 12 : i32
    %dma_start3A_535 = arith.constant 0 : i32
    %dma_start3A_536 = arith.constant 0 : i32
    %dma_start3A_537 = tpu.memref_slice %arg7[%dma_start3A_534, %dma_start3A_535, %dma_start3A_536] : memref<16x50x64xf32, #tpu.memory_space<vmem>> -> memref<1x50x64xf32, #tpu.memory_space<vmem>>
    %dma_start3A_538 = tpu.memref_squeeze %dma_start3A_537 : memref<1x50x64xf32, #tpu.memory_space<vmem>> -> memref<50x64xf32, #tpu.memory_space<vmem>>
    %dma_start3A_539 = arith.constant 0 : i32
    %dma_start3A_540 = tpu.memref_slice %arg5[%dma_start3A_533, %dma_start3A_539] : memref<512x50xi32, #tpu.memory_space<vmem>> -> memref<1x50xi32, #tpu.memory_space<vmem>>
    %dma_start3A_541 = tpu.memref_squeeze %dma_start3A_540 : memref<1x50xi32, #tpu.memory_space<vmem>> -> memref<50xi32, #tpu.memory_space<vmem>>
    %dma_start3A_542 = arith.constant 0 : i32
    %dma_start3A_543 = arith.constant 0 : i32
    %dma_start3A_544 = tpu.memref_slice %arg3[%dma_start3A_542, %dma_start3A_543] : memref<1000000x64xf32, #tpu.memory_space<hbm>> -> memref<1000000x64xf32, #tpu.memory_space<hbm>>
    tpu.enqueue_indirect_dma source(%dma_start3A_544 : memref<1000000x64xf32, #tpu.memory_space<hbm>>) target(%dma_start3A_538 : memref<50x64xf32, #tpu.memory_space<vmem>>) offsets(%dma_start3A_541 : memref<50xi32, #tpu.memory_space<vmem>>) semaphore(%arg9 : memref<!tpu.dma_semaphore, #tpu.memory_space<semaphore_mem>>)
    %dma_start3A_545 = arith.constant 509 : i32
    %dma_start3A_546 = arith.constant 13 : i32
    %dma_start3A_547 = arith.constant 0 : i32
    %dma_start3A_548 = arith.constant 0 : i32
    %dma_start3A_549 = tpu.memref_slice %arg7[%dma_start3A_546, %dma_start3A_547, %dma_start3A_548] : memref<16x50x64xf32, #tpu.memory_space<vmem>> -> memref<1x50x64xf32, #tpu.memory_space<vmem>>
    %dma_start3A_550 = tpu.memref_squeeze %dma_start3A_549 : memref<1x50x64xf32, #tpu.memory_space<vmem>> -> memref<50x64xf32, #tpu.memory_space<vmem>>
    %dma_start3A_551 = arith.constant 0 : i32
    %dma_start3A_552 = tpu.memref_slice %arg5[%dma_start3A_545, %dma_start3A_551] : memref<512x50xi32, #tpu.memory_space<vmem>> -> memref<1x50xi32, #tpu.memory_space<vmem>>
    %dma_start3A_553 = tpu.memref_squeeze %dma_start3A_552 : memref<1x50xi32, #tpu.memory_space<vmem>> -> memref<50xi32, #tpu.memory_space<vmem>>
    %dma_start3A_554 = arith.constant 0 : i32
    %dma_start3A_555 = arith.constant 0 : i32
    %dma_start3A_556 = tpu.memref_slice %arg3[%dma_start3A_554, %dma_start3A_555] : memref<1000000x64xf32, #tpu.memory_space<hbm>> -> memref<1000000x64xf32, #tpu.memory_space<hbm>>
    tpu.enqueue_indirect_dma source(%dma_start3A_556 : memref<1000000x64xf32, #tpu.memory_space<hbm>>) target(%dma_start3A_550 : memref<50x64xf32, #tpu.memory_space<vmem>>) offsets(%dma_start3A_553 : memref<50xi32, #tpu.memory_space<vmem>>) semaphore(%arg9 : memref<!tpu.dma_semaphore, #tpu.memory_space<semaphore_mem>>)
    %dma_start3A_557 = arith.constant 510 : i32
    %dma_start3A_558 = arith.constant 14 : i32
    %dma_start3A_559 = arith.constant 0 : i32
    %dma_start3A_560 = arith.constant 0 : i32
    %dma_start3A_561 = tpu.memref_slice %arg7[%dma_start3A_558, %dma_start3A_559, %dma_start3A_560] : memref<16x50x64xf32, #tpu.memory_space<vmem>> -> memref<1x50x64xf32, #tpu.memory_space<vmem>>
    %dma_start3A_562 = tpu.memref_squeeze %dma_start3A_561 : memref<1x50x64xf32, #tpu.memory_space<vmem>> -> memref<50x64xf32, #tpu.memory_space<vmem>>
    %dma_start3A_563 = arith.constant 0 : i32
    %dma_start3A_564 = tpu.memref_slice %arg5[%dma_start3A_557, %dma_start3A_563] : memref<512x50xi32, #tpu.memory_space<vmem>> -> memref<1x50xi32, #tpu.memory_space<vmem>>
    %dma_start3A_565 = tpu.memref_squeeze %dma_start3A_564 : memref<1x50xi32, #tpu.memory_space<vmem>> -> memref<50xi32, #tpu.memory_space<vmem>>
    %dma_start3A_566 = arith.constant 0 : i32
    %dma_start3A_567 = arith.constant 0 : i32
    %dma_start3A_568 = tpu.memref_slice %arg3[%dma_start3A_566, %dma_start3A_567] : memref<1000000x64xf32, #tpu.memory_space<hbm>> -> memref<1000000x64xf32, #tpu.memory_space<hbm>>
    tpu.enqueue_indirect_dma source(%dma_start3A_568 : memref<1000000x64xf32, #tpu.memory_space<hbm>>) target(%dma_start3A_562 : memref<50x64xf32, #tpu.memory_space<vmem>>) offsets(%dma_start3A_565 : memref<50xi32, #tpu.memory_space<vmem>>) semaphore(%arg9 : memref<!tpu.dma_semaphore, #tpu.memory_space<semaphore_mem>>)
    %dma_start3A_569 = arith.constant 511 : i32
    %dma_start3A_570 = arith.constant 15 : i32
    %dma_start3A_571 = arith.constant 0 : i32
    %dma_start3A_572 = arith.constant 0 : i32
    %dma_start3A_573 = tpu.memref_slice %arg7[%dma_start3A_570, %dma_start3A_571, %dma_start3A_572] : memref<16x50x64xf32, #tpu.memory_space<vmem>> -> memref<1x50x64xf32, #tpu.memory_space<vmem>>
    %dma_start3A_574 = tpu.memref_squeeze %dma_start3A_573 : memref<1x50x64xf32, #tpu.memory_space<vmem>> -> memref<50x64xf32, #tpu.memory_space<vmem>>
    %dma_start3A_575 = arith.constant 0 : i32
    %dma_start3A_576 = tpu.memref_slice %arg5[%dma_start3A_569, %dma_start3A_575] : memref<512x50xi32, #tpu.memory_space<vmem>> -> memref<1x50xi32, #tpu.memory_space<vmem>>
    %dma_start3A_577 = tpu.memref_squeeze %dma_start3A_576 : memref<1x50xi32, #tpu.memory_space<vmem>> -> memref<50xi32, #tpu.memory_space<vmem>>
    %dma_start3A_578 = arith.constant 0 : i32
    %dma_start3A_579 = arith.constant 0 : i32
    %dma_start3A_580 = tpu.memref_slice %arg3[%dma_start3A_578, %dma_start3A_579] : memref<1000000x64xf32, #tpu.memory_space<hbm>> -> memref<1000000x64xf32, #tpu.memory_space<hbm>>
    tpu.enqueue_indirect_dma source(%dma_start3A_580 : memref<1000000x64xf32, #tpu.memory_space<hbm>>) target(%dma_start3A_574 : memref<50x64xf32, #tpu.memory_space<vmem>>) offsets(%dma_start3A_577 : memref<50xi32, #tpu.memory_space<vmem>>) semaphore(%arg9 : memref<!tpu.dma_semaphore, #tpu.memory_space<semaphore_mem>>)
    %add3A_581 = arith.constant 480 : i32
    %add3A_582 = arith.addi %mul3A_2, %add3A_581 : i32
    "tpu.region"() ({
      %run_scoped3A = tpu.sem_alloc : memref<!tpu.dma_semaphore, #tpu.memory_space<semaphore_mem>>
      %dma_start3A_777 = arith.constant 0 : i32
      %dma_start3A_778 = arith.constant 0 : i32
      %dma_start3A_779 = tpu.memref_slice %arg4[%add3A_582, %dma_start3A_777, %dma_start3A_778] : memref<16384x50x64xf32, #tpu.memory_space<hbm>> -> memref<16x50x64xf32, #tpu.memory_space<hbm>>
      %dma_start3A_780 = arith.constant 0 : i32
      %dma_start3A_781 = arith.constant 0 : i32
      %dma_start3A_782 = tpu.memref_slice %arg4[%add3A_582, %dma_start3A_780, %dma_start3A_781] : memref<16384x50x64xf32, #tpu.memory_space<hbm>> -> memref<16x50x64xf32, #tpu.memory_space<hbm>>
      tpu.enqueue_dma source(%arg6 : memref<16x50x64xf32, #tpu.memory_space<vmem>>) target(%dma_start3A_782 : memref<16x50x64xf32, #tpu.memory_space<hbm>>) target_semaphore(%run_scoped3A : memref<!tpu.dma_semaphore, #tpu.memory_space<semaphore_mem>>)
      %dma_wait3A_783 = arith.constant 0 : i32
      %dma_wait3A_784 = arith.constant 0 : i32
      %dma_wait3A_785 = tpu.memref_slice %arg4[%add3A_582, %dma_wait3A_783, %dma_wait3A_784] : memref<16384x50x64xf32, #tpu.memory_space<hbm>> -> memref<16x50x64xf32, #tpu.memory_space<hbm>>
      %dma_wait3A_786 = arith.constant 0 : i32
      %dma_wait3A_787 = arith.constant 0 : i32
      %dma_wait3A_788 = tpu.memref_slice %arg4[%add3A_582, %dma_wait3A_786, %dma_wait3A_787] : memref<16384x50x64xf32, #tpu.memory_space<hbm>> -> memref<16x50x64xf32, #tpu.memory_space<hbm>>
      tpu.wait_dma2 semaphore(%run_scoped3A : memref<!tpu.dma_semaphore, #tpu.memory_space<semaphore_mem>>) src(%arg6 : memref<16x50x64xf32, #tpu.memory_space<vmem>>) dst(%dma_wait3A_788 : memref<16x50x64xf32, #tpu.memory_space<hbm>>)
      tpu.yield
    }) : () -> ()
    %dma_wait3A_583 = arith.constant 0 : i32
    %dma_wait3A_584 = arith.constant 0 : i32
    %dma_wait3A_585 = arith.constant 0 : i32
    %dma_wait3A_586 = arith.constant 0 : i32
    %dma_wait3A_587 = tpu.memref_slice %arg7[%dma_wait3A_584, %dma_wait3A_585, %dma_wait3A_586] : memref<16x50x64xf32, #tpu.memory_space<vmem>> -> memref<1x50x64xf32, #tpu.memory_space<vmem>>
    %dma_wait3A_588 = tpu.memref_squeeze %dma_wait3A_587 : memref<1x50x64xf32, #tpu.memory_space<vmem>> -> memref<50x64xf32, #tpu.memory_space<vmem>>
    %dma_wait3A_589 = arith.constant 0 : i32
    %dma_wait3A_590 = tpu.memref_slice %arg5[%dma_wait3A_583, %dma_wait3A_589] : memref<512x50xi32, #tpu.memory_space<vmem>> -> memref<1x50xi32, #tpu.memory_space<vmem>>
    %dma_wait3A_591 = tpu.memref_squeeze %dma_wait3A_590 : memref<1x50xi32, #tpu.memory_space<vmem>> -> memref<50xi32, #tpu.memory_space<vmem>>
    %dma_wait3A_592 = arith.constant 0 : i32
    %dma_wait3A_593 = arith.constant 0 : i32
    %dma_wait3A_594 = tpu.memref_slice %arg3[%dma_wait3A_592, %dma_wait3A_593] : memref<1000000x64xf32, #tpu.memory_space<hbm>> -> memref<1000000x64xf32, #tpu.memory_space<hbm>>
    tpu.wait_indirect_dma semaphore(%arg9 : memref<!tpu.dma_semaphore, #tpu.memory_space<semaphore_mem>>) src(%dma_wait3A_594 : memref<1000000x64xf32, #tpu.memory_space<hbm>>) dst(%dma_wait3A_588 : memref<50x64xf32, #tpu.memory_space<vmem>>)
    %dma_wait3A_595 = arith.constant 1 : i32
    %dma_wait3A_596 = arith.constant 1 : i32
    %dma_wait3A_597 = arith.constant 0 : i32
    %dma_wait3A_598 = arith.constant 0 : i32
    %dma_wait3A_599 = tpu.memref_slice %arg7[%dma_wait3A_596, %dma_wait3A_597, %dma_wait3A_598] : memref<16x50x64xf32, #tpu.memory_space<vmem>> -> memref<1x50x64xf32, #tpu.memory_space<vmem>>
    %dma_wait3A_600 = tpu.memref_squeeze %dma_wait3A_599 : memref<1x50x64xf32, #tpu.memory_space<vmem>> -> memref<50x64xf32, #tpu.memory_space<vmem>>
    %dma_wait3A_601 = arith.constant 0 : i32
    %dma_wait3A_602 = tpu.memref_slice %arg5[%dma_wait3A_595, %dma_wait3A_601] : memref<512x50xi32, #tpu.memory_space<vmem>> -> memref<1x50xi32, #tpu.memory_space<vmem>>
    %dma_wait3A_603 = tpu.memref_squeeze %dma_wait3A_602 : memref<1x50xi32, #tpu.memory_space<vmem>> -> memref<50xi32, #tpu.memory_space<vmem>>
    %dma_wait3A_604 = arith.constant 0 : i32
    %dma_wait3A_605 = arith.constant 0 : i32
    %dma_wait3A_606 = tpu.memref_slice %arg3[%dma_wait3A_604, %dma_wait3A_605] : memref<1000000x64xf32, #tpu.memory_space<hbm>> -> memref<1000000x64xf32, #tpu.memory_space<hbm>>
    tpu.wait_indirect_dma semaphore(%arg9 : memref<!tpu.dma_semaphore, #tpu.memory_space<semaphore_mem>>) src(%dma_wait3A_606 : memref<1000000x64xf32, #tpu.memory_space<hbm>>) dst(%dma_wait3A_600 : memref<50x64xf32, #tpu.memory_space<vmem>>)
    %dma_wait3A_607 = arith.constant 2 : i32
    %dma_wait3A_608 = arith.constant 2 : i32
    %dma_wait3A_609 = arith.constant 0 : i32
    %dma_wait3A_610 = arith.constant 0 : i32
    %dma_wait3A_611 = tpu.memref_slice %arg7[%dma_wait3A_608, %dma_wait3A_609, %dma_wait3A_610] : memref<16x50x64xf32, #tpu.memory_space<vmem>> -> memref<1x50x64xf32, #tpu.memory_space<vmem>>
    %dma_wait3A_612 = tpu.memref_squeeze %dma_wait3A_611 : memref<1x50x64xf32, #tpu.memory_space<vmem>> -> memref<50x64xf32, #tpu.memory_space<vmem>>
    %dma_wait3A_613 = arith.constant 0 : i32
    %dma_wait3A_614 = tpu.memref_slice %arg5[%dma_wait3A_607, %dma_wait3A_613] : memref<512x50xi32, #tpu.memory_space<vmem>> -> memref<1x50xi32, #tpu.memory_space<vmem>>
    %dma_wait3A_615 = tpu.memref_squeeze %dma_wait3A_614 : memref<1x50xi32, #tpu.memory_space<vmem>> -> memref<50xi32, #tpu.memory_space<vmem>>
    %dma_wait3A_616 = arith.constant 0 : i32
    %dma_wait3A_617 = arith.constant 0 : i32
    %dma_wait3A_618 = tpu.memref_slice %arg3[%dma_wait3A_616, %dma_wait3A_617] : memref<1000000x64xf32, #tpu.memory_space<hbm>> -> memref<1000000x64xf32, #tpu.memory_space<hbm>>
    tpu.wait_indirect_dma semaphore(%arg9 : memref<!tpu.dma_semaphore, #tpu.memory_space<semaphore_mem>>) src(%dma_wait3A_618 : memref<1000000x64xf32, #tpu.memory_space<hbm>>) dst(%dma_wait3A_612 : memref<50x64xf32, #tpu.memory_space<vmem>>)
    %dma_wait3A_619 = arith.constant 3 : i32
    %dma_wait3A_620 = arith.constant 3 : i32
    %dma_wait3A_621 = arith.constant 0 : i32
    %dma_wait3A_622 = arith.constant 0 : i32
    %dma_wait3A_623 = tpu.memref_slice %arg7[%dma_wait3A_620, %dma_wait3A_621, %dma_wait3A_622] : memref<16x50x64xf32, #tpu.memory_space<vmem>> -> memref<1x50x64xf32, #tpu.memory_space<vmem>>
    %dma_wait3A_624 = tpu.memref_squeeze %dma_wait3A_623 : memref<1x50x64xf32, #tpu.memory_space<vmem>> -> memref<50x64xf32, #tpu.memory_space<vmem>>
    %dma_wait3A_625 = arith.constant 0 : i32
    %dma_wait3A_626 = tpu.memref_slice %arg5[%dma_wait3A_619, %dma_wait3A_625] : memref<512x50xi32, #tpu.memory_space<vmem>> -> memref<1x50xi32, #tpu.memory_space<vmem>>
    %dma_wait3A_627 = tpu.memref_squeeze %dma_wait3A_626 : memref<1x50xi32, #tpu.memory_space<vmem>> -> memref<50xi32, #tpu.memory_space<vmem>>
    %dma_wait3A_628 = arith.constant 0 : i32
    %dma_wait3A_629 = arith.constant 0 : i32
    %dma_wait3A_630 = tpu.memref_slice %arg3[%dma_wait3A_628, %dma_wait3A_629] : memref<1000000x64xf32, #tpu.memory_space<hbm>> -> memref<1000000x64xf32, #tpu.memory_space<hbm>>
    tpu.wait_indirect_dma semaphore(%arg9 : memref<!tpu.dma_semaphore, #tpu.memory_space<semaphore_mem>>) src(%dma_wait3A_630 : memref<1000000x64xf32, #tpu.memory_space<hbm>>) dst(%dma_wait3A_624 : memref<50x64xf32, #tpu.memory_space<vmem>>)
    %dma_wait3A_631 = arith.constant 4 : i32
    %dma_wait3A_632 = arith.constant 4 : i32
    %dma_wait3A_633 = arith.constant 0 : i32
    %dma_wait3A_634 = arith.constant 0 : i32
    %dma_wait3A_635 = tpu.memref_slice %arg7[%dma_wait3A_632, %dma_wait3A_633, %dma_wait3A_634] : memref<16x50x64xf32, #tpu.memory_space<vmem>> -> memref<1x50x64xf32, #tpu.memory_space<vmem>>
    %dma_wait3A_636 = tpu.memref_squeeze %dma_wait3A_635 : memref<1x50x64xf32, #tpu.memory_space<vmem>> -> memref<50x64xf32, #tpu.memory_space<vmem>>
    %dma_wait3A_637 = arith.constant 0 : i32
    %dma_wait3A_638 = tpu.memref_slice %arg5[%dma_wait3A_631, %dma_wait3A_637] : memref<512x50xi32, #tpu.memory_space<vmem>> -> memref<1x50xi32, #tpu.memory_space<vmem>>
    %dma_wait3A_639 = tpu.memref_squeeze %dma_wait3A_638 : memref<1x50xi32, #tpu.memory_space<vmem>> -> memref<50xi32, #tpu.memory_space<vmem>>
    %dma_wait3A_640 = arith.constant 0 : i32
    %dma_wait3A_641 = arith.constant 0 : i32
    %dma_wait3A_642 = tpu.memref_slice %arg3[%dma_wait3A_640, %dma_wait3A_641] : memref<1000000x64xf32, #tpu.memory_space<hbm>> -> memref<1000000x64xf32, #tpu.memory_space<hbm>>
    tpu.wait_indirect_dma semaphore(%arg9 : memref<!tpu.dma_semaphore, #tpu.memory_space<semaphore_mem>>) src(%dma_wait3A_642 : memref<1000000x64xf32, #tpu.memory_space<hbm>>) dst(%dma_wait3A_636 : memref<50x64xf32, #tpu.memory_space<vmem>>)
    %dma_wait3A_643 = arith.constant 5 : i32
    %dma_wait3A_644 = arith.constant 5 : i32
    %dma_wait3A_645 = arith.constant 0 : i32
    %dma_wait3A_646 = arith.constant 0 : i32
    %dma_wait3A_647 = tpu.memref_slice %arg7[%dma_wait3A_644, %dma_wait3A_645, %dma_wait3A_646] : memref<16x50x64xf32, #tpu.memory_space<vmem>> -> memref<1x50x64xf32, #tpu.memory_space<vmem>>
    %dma_wait3A_648 = tpu.memref_squeeze %dma_wait3A_647 : memref<1x50x64xf32, #tpu.memory_space<vmem>> -> memref<50x64xf32, #tpu.memory_space<vmem>>
    %dma_wait3A_649 = arith.constant 0 : i32
    %dma_wait3A_650 = tpu.memref_slice %arg5[%dma_wait3A_643, %dma_wait3A_649] : memref<512x50xi32, #tpu.memory_space<vmem>> -> memref<1x50xi32, #tpu.memory_space<vmem>>
    %dma_wait3A_651 = tpu.memref_squeeze %dma_wait3A_650 : memref<1x50xi32, #tpu.memory_space<vmem>> -> memref<50xi32, #tpu.memory_space<vmem>>
    %dma_wait3A_652 = arith.constant 0 : i32
    %dma_wait3A_653 = arith.constant 0 : i32
    %dma_wait3A_654 = tpu.memref_slice %arg3[%dma_wait3A_652, %dma_wait3A_653] : memref<1000000x64xf32, #tpu.memory_space<hbm>> -> memref<1000000x64xf32, #tpu.memory_space<hbm>>
    tpu.wait_indirect_dma semaphore(%arg9 : memref<!tpu.dma_semaphore, #tpu.memory_space<semaphore_mem>>) src(%dma_wait3A_654 : memref<1000000x64xf32, #tpu.memory_space<hbm>>) dst(%dma_wait3A_648 : memref<50x64xf32, #tpu.memory_space<vmem>>)
    %dma_wait3A_655 = arith.constant 6 : i32
    %dma_wait3A_656 = arith.constant 6 : i32
    %dma_wait3A_657 = arith.constant 0 : i32
    %dma_wait3A_658 = arith.constant 0 : i32
    %dma_wait3A_659 = tpu.memref_slice %arg7[%dma_wait3A_656, %dma_wait3A_657, %dma_wait3A_658] : memref<16x50x64xf32, #tpu.memory_space<vmem>> -> memref<1x50x64xf32, #tpu.memory_space<vmem>>
    %dma_wait3A_660 = tpu.memref_squeeze %dma_wait3A_659 : memref<1x50x64xf32, #tpu.memory_space<vmem>> -> memref<50x64xf32, #tpu.memory_space<vmem>>
    %dma_wait3A_661 = arith.constant 0 : i32
    %dma_wait3A_662 = tpu.memref_slice %arg5[%dma_wait3A_655, %dma_wait3A_661] : memref<512x50xi32, #tpu.memory_space<vmem>> -> memref<1x50xi32, #tpu.memory_space<vmem>>
    %dma_wait3A_663 = tpu.memref_squeeze %dma_wait3A_662 : memref<1x50xi32, #tpu.memory_space<vmem>> -> memref<50xi32, #tpu.memory_space<vmem>>
    %dma_wait3A_664 = arith.constant 0 : i32
    %dma_wait3A_665 = arith.constant 0 : i32
    %dma_wait3A_666 = tpu.memref_slice %arg3[%dma_wait3A_664, %dma_wait3A_665] : memref<1000000x64xf32, #tpu.memory_space<hbm>> -> memref<1000000x64xf32, #tpu.memory_space<hbm>>
    tpu.wait_indirect_dma semaphore(%arg9 : memref<!tpu.dma_semaphore, #tpu.memory_space<semaphore_mem>>) src(%dma_wait3A_666 : memref<1000000x64xf32, #tpu.memory_space<hbm>>) dst(%dma_wait3A_660 : memref<50x64xf32, #tpu.memory_space<vmem>>)
    %dma_wait3A_667 = arith.constant 7 : i32
    %dma_wait3A_668 = arith.constant 7 : i32
    %dma_wait3A_669 = arith.constant 0 : i32
    %dma_wait3A_670 = arith.constant 0 : i32
    %dma_wait3A_671 = tpu.memref_slice %arg7[%dma_wait3A_668, %dma_wait3A_669, %dma_wait3A_670] : memref<16x50x64xf32, #tpu.memory_space<vmem>> -> memref<1x50x64xf32, #tpu.memory_space<vmem>>
    %dma_wait3A_672 = tpu.memref_squeeze %dma_wait3A_671 : memref<1x50x64xf32, #tpu.memory_space<vmem>> -> memref<50x64xf32, #tpu.memory_space<vmem>>
    %dma_wait3A_673 = arith.constant 0 : i32
    %dma_wait3A_674 = tpu.memref_slice %arg5[%dma_wait3A_667, %dma_wait3A_673] : memref<512x50xi32, #tpu.memory_space<vmem>> -> memref<1x50xi32, #tpu.memory_space<vmem>>
    %dma_wait3A_675 = tpu.memref_squeeze %dma_wait3A_674 : memref<1x50xi32, #tpu.memory_space<vmem>> -> memref<50xi32, #tpu.memory_space<vmem>>
    %dma_wait3A_676 = arith.constant 0 : i32
    %dma_wait3A_677 = arith.constant 0 : i32
    %dma_wait3A_678 = tpu.memref_slice %arg3[%dma_wait3A_676, %dma_wait3A_677] : memref<1000000x64xf32, #tpu.memory_space<hbm>> -> memref<1000000x64xf32, #tpu.memory_space<hbm>>
    tpu.wait_indirect_dma semaphore(%arg9 : memref<!tpu.dma_semaphore, #tpu.memory_space<semaphore_mem>>) src(%dma_wait3A_678 : memref<1000000x64xf32, #tpu.memory_space<hbm>>) dst(%dma_wait3A_672 : memref<50x64xf32, #tpu.memory_space<vmem>>)
    %dma_wait3A_679 = arith.constant 8 : i32
    %dma_wait3A_680 = arith.constant 8 : i32
    %dma_wait3A_681 = arith.constant 0 : i32
    %dma_wait3A_682 = arith.constant 0 : i32
    %dma_wait3A_683 = tpu.memref_slice %arg7[%dma_wait3A_680, %dma_wait3A_681, %dma_wait3A_682] : memref<16x50x64xf32, #tpu.memory_space<vmem>> -> memref<1x50x64xf32, #tpu.memory_space<vmem>>
    %dma_wait3A_684 = tpu.memref_squeeze %dma_wait3A_683 : memref<1x50x64xf32, #tpu.memory_space<vmem>> -> memref<50x64xf32, #tpu.memory_space<vmem>>
    %dma_wait3A_685 = arith.constant 0 : i32
    %dma_wait3A_686 = tpu.memref_slice %arg5[%dma_wait3A_679, %dma_wait3A_685] : memref<512x50xi32, #tpu.memory_space<vmem>> -> memref<1x50xi32, #tpu.memory_space<vmem>>
    %dma_wait3A_687 = tpu.memref_squeeze %dma_wait3A_686 : memref<1x50xi32, #tpu.memory_space<vmem>> -> memref<50xi32, #tpu.memory_space<vmem>>
    %dma_wait3A_688 = arith.constant 0 : i32
    %dma_wait3A_689 = arith.constant 0 : i32
    %dma_wait3A_690 = tpu.memref_slice %arg3[%dma_wait3A_688, %dma_wait3A_689] : memref<1000000x64xf32, #tpu.memory_space<hbm>> -> memref<1000000x64xf32, #tpu.memory_space<hbm>>
    tpu.wait_indirect_dma semaphore(%arg9 : memref<!tpu.dma_semaphore, #tpu.memory_space<semaphore_mem>>) src(%dma_wait3A_690 : memref<1000000x64xf32, #tpu.memory_space<hbm>>) dst(%dma_wait3A_684 : memref<50x64xf32, #tpu.memory_space<vmem>>)
    %dma_wait3A_691 = arith.constant 9 : i32
    %dma_wait3A_692 = arith.constant 9 : i32
    %dma_wait3A_693 = arith.constant 0 : i32
    %dma_wait3A_694 = arith.constant 0 : i32
    %dma_wait3A_695 = tpu.memref_slice %arg7[%dma_wait3A_692, %dma_wait3A_693, %dma_wait3A_694] : memref<16x50x64xf32, #tpu.memory_space<vmem>> -> memref<1x50x64xf32, #tpu.memory_space<vmem>>
    %dma_wait3A_696 = tpu.memref_squeeze %dma_wait3A_695 : memref<1x50x64xf32, #tpu.memory_space<vmem>> -> memref<50x64xf32, #tpu.memory_space<vmem>>
    %dma_wait3A_697 = arith.constant 0 : i32
    %dma_wait3A_698 = tpu.memref_slice %arg5[%dma_wait3A_691, %dma_wait3A_697] : memref<512x50xi32, #tpu.memory_space<vmem>> -> memref<1x50xi32, #tpu.memory_space<vmem>>
    %dma_wait3A_699 = tpu.memref_squeeze %dma_wait3A_698 : memref<1x50xi32, #tpu.memory_space<vmem>> -> memref<50xi32, #tpu.memory_space<vmem>>
    %dma_wait3A_700 = arith.constant 0 : i32
    %dma_wait3A_701 = arith.constant 0 : i32
    %dma_wait3A_702 = tpu.memref_slice %arg3[%dma_wait3A_700, %dma_wait3A_701] : memref<1000000x64xf32, #tpu.memory_space<hbm>> -> memref<1000000x64xf32, #tpu.memory_space<hbm>>
    tpu.wait_indirect_dma semaphore(%arg9 : memref<!tpu.dma_semaphore, #tpu.memory_space<semaphore_mem>>) src(%dma_wait3A_702 : memref<1000000x64xf32, #tpu.memory_space<hbm>>) dst(%dma_wait3A_696 : memref<50x64xf32, #tpu.memory_space<vmem>>)
    %dma_wait3A_703 = arith.constant 10 : i32
    %dma_wait3A_704 = arith.constant 10 : i32
    %dma_wait3A_705 = arith.constant 0 : i32
    %dma_wait3A_706 = arith.constant 0 : i32
    %dma_wait3A_707 = tpu.memref_slice %arg7[%dma_wait3A_704, %dma_wait3A_705, %dma_wait3A_706] : memref<16x50x64xf32, #tpu.memory_space<vmem>> -> memref<1x50x64xf32, #tpu.memory_space<vmem>>
    %dma_wait3A_708 = tpu.memref_squeeze %dma_wait3A_707 : memref<1x50x64xf32, #tpu.memory_space<vmem>> -> memref<50x64xf32, #tpu.memory_space<vmem>>
    %dma_wait3A_709 = arith.constant 0 : i32
    %dma_wait3A_710 = tpu.memref_slice %arg5[%dma_wait3A_703, %dma_wait3A_709] : memref<512x50xi32, #tpu.memory_space<vmem>> -> memref<1x50xi32, #tpu.memory_space<vmem>>
    %dma_wait3A_711 = tpu.memref_squeeze %dma_wait3A_710 : memref<1x50xi32, #tpu.memory_space<vmem>> -> memref<50xi32, #tpu.memory_space<vmem>>
    %dma_wait3A_712 = arith.constant 0 : i32
    %dma_wait3A_713 = arith.constant 0 : i32
    %dma_wait3A_714 = tpu.memref_slice %arg3[%dma_wait3A_712, %dma_wait3A_713] : memref<1000000x64xf32, #tpu.memory_space<hbm>> -> memref<1000000x64xf32, #tpu.memory_space<hbm>>
    tpu.wait_indirect_dma semaphore(%arg9 : memref<!tpu.dma_semaphore, #tpu.memory_space<semaphore_mem>>) src(%dma_wait3A_714 : memref<1000000x64xf32, #tpu.memory_space<hbm>>) dst(%dma_wait3A_708 : memref<50x64xf32, #tpu.memory_space<vmem>>)
    %dma_wait3A_715 = arith.constant 11 : i32
    %dma_wait3A_716 = arith.constant 11 : i32
    %dma_wait3A_717 = arith.constant 0 : i32
    %dma_wait3A_718 = arith.constant 0 : i32
    %dma_wait3A_719 = tpu.memref_slice %arg7[%dma_wait3A_716, %dma_wait3A_717, %dma_wait3A_718] : memref<16x50x64xf32, #tpu.memory_space<vmem>> -> memref<1x50x64xf32, #tpu.memory_space<vmem>>
    %dma_wait3A_720 = tpu.memref_squeeze %dma_wait3A_719 : memref<1x50x64xf32, #tpu.memory_space<vmem>> -> memref<50x64xf32, #tpu.memory_space<vmem>>
    %dma_wait3A_721 = arith.constant 0 : i32
    %dma_wait3A_722 = tpu.memref_slice %arg5[%dma_wait3A_715, %dma_wait3A_721] : memref<512x50xi32, #tpu.memory_space<vmem>> -> memref<1x50xi32, #tpu.memory_space<vmem>>
    %dma_wait3A_723 = tpu.memref_squeeze %dma_wait3A_722 : memref<1x50xi32, #tpu.memory_space<vmem>> -> memref<50xi32, #tpu.memory_space<vmem>>
    %dma_wait3A_724 = arith.constant 0 : i32
    %dma_wait3A_725 = arith.constant 0 : i32
    %dma_wait3A_726 = tpu.memref_slice %arg3[%dma_wait3A_724, %dma_wait3A_725] : memref<1000000x64xf32, #tpu.memory_space<hbm>> -> memref<1000000x64xf32, #tpu.memory_space<hbm>>
    tpu.wait_indirect_dma semaphore(%arg9 : memref<!tpu.dma_semaphore, #tpu.memory_space<semaphore_mem>>) src(%dma_wait3A_726 : memref<1000000x64xf32, #tpu.memory_space<hbm>>) dst(%dma_wait3A_720 : memref<50x64xf32, #tpu.memory_space<vmem>>)
    %dma_wait3A_727 = arith.constant 12 : i32
    %dma_wait3A_728 = arith.constant 12 : i32
    %dma_wait3A_729 = arith.constant 0 : i32
    %dma_wait3A_730 = arith.constant 0 : i32
    %dma_wait3A_731 = tpu.memref_slice %arg7[%dma_wait3A_728, %dma_wait3A_729, %dma_wait3A_730] : memref<16x50x64xf32, #tpu.memory_space<vmem>> -> memref<1x50x64xf32, #tpu.memory_space<vmem>>
    %dma_wait3A_732 = tpu.memref_squeeze %dma_wait3A_731 : memref<1x50x64xf32, #tpu.memory_space<vmem>> -> memref<50x64xf32, #tpu.memory_space<vmem>>
    %dma_wait3A_733 = arith.constant 0 : i32
    %dma_wait3A_734 = tpu.memref_slice %arg5[%dma_wait3A_727, %dma_wait3A_733] : memref<512x50xi32, #tpu.memory_space<vmem>> -> memref<1x50xi32, #tpu.memory_space<vmem>>
    %dma_wait3A_735 = tpu.memref_squeeze %dma_wait3A_734 : memref<1x50xi32, #tpu.memory_space<vmem>> -> memref<50xi32, #tpu.memory_space<vmem>>
    %dma_wait3A_736 = arith.constant 0 : i32
    %dma_wait3A_737 = arith.constant 0 : i32
    %dma_wait3A_738 = tpu.memref_slice %arg3[%dma_wait3A_736, %dma_wait3A_737] : memref<1000000x64xf32, #tpu.memory_space<hbm>> -> memref<1000000x64xf32, #tpu.memory_space<hbm>>
    tpu.wait_indirect_dma semaphore(%arg9 : memref<!tpu.dma_semaphore, #tpu.memory_space<semaphore_mem>>) src(%dma_wait3A_738 : memref<1000000x64xf32, #tpu.memory_space<hbm>>) dst(%dma_wait3A_732 : memref<50x64xf32, #tpu.memory_space<vmem>>)
    %dma_wait3A_739 = arith.constant 13 : i32
    %dma_wait3A_740 = arith.constant 13 : i32
    %dma_wait3A_741 = arith.constant 0 : i32
    %dma_wait3A_742 = arith.constant 0 : i32
    %dma_wait3A_743 = tpu.memref_slice %arg7[%dma_wait3A_740, %dma_wait3A_741, %dma_wait3A_742] : memref<16x50x64xf32, #tpu.memory_space<vmem>> -> memref<1x50x64xf32, #tpu.memory_space<vmem>>
    %dma_wait3A_744 = tpu.memref_squeeze %dma_wait3A_743 : memref<1x50x64xf32, #tpu.memory_space<vmem>> -> memref<50x64xf32, #tpu.memory_space<vmem>>
    %dma_wait3A_745 = arith.constant 0 : i32
    %dma_wait3A_746 = tpu.memref_slice %arg5[%dma_wait3A_739, %dma_wait3A_745] : memref<512x50xi32, #tpu.memory_space<vmem>> -> memref<1x50xi32, #tpu.memory_space<vmem>>
    %dma_wait3A_747 = tpu.memref_squeeze %dma_wait3A_746 : memref<1x50xi32, #tpu.memory_space<vmem>> -> memref<50xi32, #tpu.memory_space<vmem>>
    %dma_wait3A_748 = arith.constant 0 : i32
    %dma_wait3A_749 = arith.constant 0 : i32
    %dma_wait3A_750 = tpu.memref_slice %arg3[%dma_wait3A_748, %dma_wait3A_749] : memref<1000000x64xf32, #tpu.memory_space<hbm>> -> memref<1000000x64xf32, #tpu.memory_space<hbm>>
    tpu.wait_indirect_dma semaphore(%arg9 : memref<!tpu.dma_semaphore, #tpu.memory_space<semaphore_mem>>) src(%dma_wait3A_750 : memref<1000000x64xf32, #tpu.memory_space<hbm>>) dst(%dma_wait3A_744 : memref<50x64xf32, #tpu.memory_space<vmem>>)
    %dma_wait3A_751 = arith.constant 14 : i32
    %dma_wait3A_752 = arith.constant 14 : i32
    %dma_wait3A_753 = arith.constant 0 : i32
    %dma_wait3A_754 = arith.constant 0 : i32
    %dma_wait3A_755 = tpu.memref_slice %arg7[%dma_wait3A_752, %dma_wait3A_753, %dma_wait3A_754] : memref<16x50x64xf32, #tpu.memory_space<vmem>> -> memref<1x50x64xf32, #tpu.memory_space<vmem>>
    %dma_wait3A_756 = tpu.memref_squeeze %dma_wait3A_755 : memref<1x50x64xf32, #tpu.memory_space<vmem>> -> memref<50x64xf32, #tpu.memory_space<vmem>>
    %dma_wait3A_757 = arith.constant 0 : i32
    %dma_wait3A_758 = tpu.memref_slice %arg5[%dma_wait3A_751, %dma_wait3A_757] : memref<512x50xi32, #tpu.memory_space<vmem>> -> memref<1x50xi32, #tpu.memory_space<vmem>>
    %dma_wait3A_759 = tpu.memref_squeeze %dma_wait3A_758 : memref<1x50xi32, #tpu.memory_space<vmem>> -> memref<50xi32, #tpu.memory_space<vmem>>
    %dma_wait3A_760 = arith.constant 0 : i32
    %dma_wait3A_761 = arith.constant 0 : i32
    %dma_wait3A_762 = tpu.memref_slice %arg3[%dma_wait3A_760, %dma_wait3A_761] : memref<1000000x64xf32, #tpu.memory_space<hbm>> -> memref<1000000x64xf32, #tpu.memory_space<hbm>>
    tpu.wait_indirect_dma semaphore(%arg9 : memref<!tpu.dma_semaphore, #tpu.memory_space<semaphore_mem>>) src(%dma_wait3A_762 : memref<1000000x64xf32, #tpu.memory_space<hbm>>) dst(%dma_wait3A_756 : memref<50x64xf32, #tpu.memory_space<vmem>>)
    %dma_wait3A_763 = arith.constant 15 : i32
    %dma_wait3A_764 = arith.constant 15 : i32
    %dma_wait3A_765 = arith.constant 0 : i32
    %dma_wait3A_766 = arith.constant 0 : i32
    %dma_wait3A_767 = tpu.memref_slice %arg7[%dma_wait3A_764, %dma_wait3A_765, %dma_wait3A_766] : memref<16x50x64xf32, #tpu.memory_space<vmem>> -> memref<1x50x64xf32, #tpu.memory_space<vmem>>
    %dma_wait3A_768 = tpu.memref_squeeze %dma_wait3A_767 : memref<1x50x64xf32, #tpu.memory_space<vmem>> -> memref<50x64xf32, #tpu.memory_space<vmem>>
    %dma_wait3A_769 = arith.constant 0 : i32
    %dma_wait3A_770 = tpu.memref_slice %arg5[%dma_wait3A_763, %dma_wait3A_769] : memref<512x50xi32, #tpu.memory_space<vmem>> -> memref<1x50xi32, #tpu.memory_space<vmem>>
    %dma_wait3A_771 = tpu.memref_squeeze %dma_wait3A_770 : memref<1x50xi32, #tpu.memory_space<vmem>> -> memref<50xi32, #tpu.memory_space<vmem>>
    %dma_wait3A_772 = arith.constant 0 : i32
    %dma_wait3A_773 = arith.constant 0 : i32
    %dma_wait3A_774 = tpu.memref_slice %arg3[%dma_wait3A_772, %dma_wait3A_773] : memref<1000000x64xf32, #tpu.memory_space<hbm>> -> memref<1000000x64xf32, #tpu.memory_space<hbm>>
    tpu.wait_indirect_dma semaphore(%arg9 : memref<!tpu.dma_semaphore, #tpu.memory_space<semaphore_mem>>) src(%dma_wait3A_774 : memref<1000000x64xf32, #tpu.memory_space<hbm>>) dst(%dma_wait3A_768 : memref<50x64xf32, #tpu.memory_space<vmem>>)
    %add3A_775 = arith.constant 496 : i32
    %add3A_776 = arith.addi %mul3A_2, %add3A_775 : i32
    "tpu.region"() ({
      %run_scoped3A = tpu.sem_alloc : memref<!tpu.dma_semaphore, #tpu.memory_space<semaphore_mem>>
      %dma_start3A_777 = arith.constant 0 : i32
      %dma_start3A_778 = arith.constant 0 : i32
      %dma_start3A_779 = tpu.memref_slice %arg4[%add3A_776, %dma_start3A_777, %dma_start3A_778] : memref<16384x50x64xf32, #tpu.memory_space<hbm>> -> memref<16x50x64xf32, #tpu.memory_space<hbm>>
      %dma_start3A_780 = arith.constant 0 : i32
      %dma_start3A_781 = arith.constant 0 : i32
      %dma_start3A_782 = tpu.memref_slice %arg4[%add3A_776, %dma_start3A_780, %dma_start3A_781] : memref<16384x50x64xf32, #tpu.memory_space<hbm>> -> memref<16x50x64xf32, #tpu.memory_space<hbm>>
      tpu.enqueue_dma source(%arg7 : memref<16x50x64xf32, #tpu.memory_space<vmem>>) target(%dma_start3A_782 : memref<16x50x64xf32, #tpu.memory_space<hbm>>) target_semaphore(%run_scoped3A : memref<!tpu.dma_semaphore, #tpu.memory_space<semaphore_mem>>)
      %dma_wait3A_783 = arith.constant 0 : i32
      %dma_wait3A_784 = arith.constant 0 : i32
      %dma_wait3A_785 = tpu.memref_slice %arg4[%add3A_776, %dma_wait3A_783, %dma_wait3A_784] : memref<16384x50x64xf32, #tpu.memory_space<hbm>> -> memref<16x50x64xf32, #tpu.memory_space<hbm>>
      %dma_wait3A_786 = arith.constant 0 : i32
      %dma_wait3A_787 = arith.constant 0 : i32
      %dma_wait3A_788 = tpu.memref_slice %arg4[%add3A_776, %dma_wait3A_786, %dma_wait3A_787] : memref<16384x50x64xf32, #tpu.memory_space<hbm>> -> memref<16x50x64xf32, #tpu.memory_space<hbm>>
      tpu.wait_dma2 semaphore(%run_scoped3A : memref<!tpu.dma_semaphore, #tpu.memory_space<semaphore_mem>>) src(%arg7 : memref<16x50x64xf32, #tpu.memory_space<vmem>>) dst(%dma_wait3A_788 : memref<16x50x64xf32, #tpu.memory_space<hbm>>)
      tpu.yield
    }) : () -> ()
    return
  }
}

</mosaic_0001>

<sc_bundles>
// kernel: _emb_call.3.cloned.1.call-start
scs
__scs_entry_jumppad:
0x0: {  	(pc) =	sbr.rel $0x88, $3  }
0x1: {  	(tag) =	ssettag $0x0;
	lr =	simm.s32 $0x1  }
0x2: {  	[smem:$0x3F9F] =	sst lr;
	_ =	strace $0xD0000000  }
0x3: {  	_ = 	snop  }
0x4: {  	_ = 	snop  }
0x5: {  	_ = 	snop  }
0x6: {  	_ = 	snop  }
0x7: {  	_ = 	snop  }
__scs_overlays_trampoline_lowered:
0x8: {  	[smem:$0x3FAE] =	sst s0  }
0x9: {  	[smem:$0x3FAF] =	sst s1  }
0xa: {  	[smem:$0x3FB0] =	sst s2  }
0xb: {  	[smem:$0x3FB1] =	sst s3  }
0xc: {  	[smem:$0x3FB2] =	sst s4  }
0xd: {  	[smem:$0x3FB3] =	sst s5  }
0xe: {  	[smem:$0x3FB4] =	sst s6  }
0xf: {  	[smem:$0x3FB5] =	sst s7  }
0x10: {  	[smem:$0x3FB6] =	sst s8  }
0x11: {  	[smem:$0x3FB7] =	sst s9;
	s0 =	simm.s32 @!p0 $0x0  }
0x12: {  	s1 =	sld [smem:$0x3F9D];
	s0 =	simm.s32 @p0 $0x1  }
0x13: {  	[smem:$0x3FB8] =	sst s0;
	s0 =	simm.s32 @!p1 $0x0  }
0x14: {  	s2 =	sld [smem:$0x3F9C];
	s0 =	simm.s32 @p1 $0x1  }
0x15: {  	[smem:$0x3FB9] =	sst s0;
	s0 =	simm.s32 @!p2 $0x0  }
0x16: {  	s3 =	sld [smem:$0x3FDB];
	s0 =	simm.s32 @p2 $0x1  }
0x17: {  	s4 =	simm.s32 $0x1BF5;
	[smem:$0x3FBB] =	sst s0  }
0x18: {  	s0 =	sld [smem:$0x3F9E];
	_ =	swait.ge [sflag:s4], $0x0  }
0x19: {  	s7 =	sld [smem:$0x3F9F]  }
0x1a: {  	s8 =	sadd.s32 $0xFFFFE003, lr  }
0x1b: {  	s9 =	sadd.s32 $0xFFFFFEF7, lr;
	s5 =	simm.s32 $0xFFFFFFFF;
	p2 =	slt.u32 s8, $0xFFFFF086  }
0x1c: {  	p1 =	slt.u32 s9, $0xF7A;
	s5 =	simm.s32 @!p2 $0x0  }
0x1d: {  	s5 =	simm.s32 @p1 $0x1;
	p0 =	seq.s32 s7, s2  }
0x1e: {  	s7 =	smul.u32 @!p0 $0xF7A, s2;
	p2 =	seq.s32 @!p0 s5, $0x0  }
0x1f: {  	s9 =	smul.u32 $0xF7A, s1;
	s8 =	simm.s32 @!p0 $0x1BF5;
	p2 =	por !p2, p0  }
0x20: {  	[sflag:s8] =	ssyncset.s32 @!p0 $0xFFFFF086;
	s6 =	sadd.s32 @!p0 s3, s7;
	s7 =	simm.s32 @!p0 $0x108  }
0x21: {  	s3 =	sadd.s32 s3, s9;
	s6 =	sadd.s32 @!p0 $0x88, s6;
	s7 =	simm.s32 @p2 $0x1082  }
0x22: {  	[simem:s7], [sflag:s8] =	dma.local @!p0 [hbm:s6], $0xF7A  }
0x23: {  	s9 =	sor.u32 $0xD0000000, s2;
	s6 =	simm.s32 $0x108;
	_ =	swait.ge @!p0 [sflag:s8], $0x0  }
0x24: {  	s3 =	sadd.s32 $0x88, s3;
	s6 =	simm.s32 @!p1 $0x1082;
	[sflag:s4] =	ssyncset.s32 $0xFFFFF086  }
0x25: {  	[simem:s6], [sflag:s4] =	dma.local [hbm:s3], $0xF7A  }
0x26: {  	[smem:$0x3F9F] =	sst s1;
	(tag) =	ssettag s2;
	_ =	strace s9  }
0x27: {  	s1 =	sld [smem:$0x3FAF]  }
0x28: {  	s2 =	sld [smem:$0x3FB0]  }
0x29: {  	s4 =	sld [smem:$0x3FB2]  }
0x2a: {  	p0 =	seq.s32 s5, $0x0;
	s5 =	sld [smem:$0x3FB3]  }
0x2b: {  	s6 =	sld [smem:$0x3FB4]  }
0x2c: {  	s7 =	sld [smem:$0x3FB5]  }
0x2d: {  	s3 =	simm.s32 $0x108;
	s8 =	sld [smem:$0x3FB6]  }
0x2e: {  	s3 =	simm.s32 @!p0 $0x1082;
	s9 =	sld [smem:$0x3FB7]  }
0x2f: {  	lr =	sadd.s32 s0, s3;
	s0 =	sld [smem:$0x3FAE]  }
0x30: {  	s3 =	sld [smem:$0x3FB1]  }
0x31: {  	[smem:$0x3FBA] =	sst s10  }
0x32: {  	s10 =	sld [smem:$0x3FB8];
	_ =	sdelay $0x3  }
0x33: {  	p0 =	seq.s32 s10, $0x1;
	s10 =	sld [smem:$0x3FBA];
	_ =	sdelay $0x3  }
0x34: {  	[smem:$0x3FBA] =	sst s10  }
0x35: {  	s10 =	sld [smem:$0x3FB9];
	_ =	sdelay $0x3  }
0x36: {  	p1 =	seq.s32 s10, $0x1;
	s10 =	sld [smem:$0x3FBA];
	_ =	sdelay $0x3  }
0x37: {  	[smem:$0x3FBA] =	sst s10  }
0x38: {  	s10 =	sld [smem:$0x3FBB]  }
0x39: {  	_ = 	snop;
	(pc) =	sbr.ind lr, $3  }
0x3a: {  	_ = 	snop  }
0x3b: {  	_ = 	snop  }
0x3c: {  	p2 =	seq.s32 s10, $0x1;
	s10 =	sld [smem:$0x3FBA]  }
0x3d: {  	_ =	shalt  }
0x3e: {  	_ =	shalt  }
0x3f: {  	_ =	shalt  }
0x40: {  	_ =	shalt  }
0x41: {  	_ =	shalt  }
0x42: {  	_ =	shalt  }
0x43: {  	_ =	shalt  }
0x44: {  	_ =	shalt  }
0x45: {  	_ =	shalt  }
0x46: {  	_ =	shalt  }
0x47: {  	_ =	shalt  }
0x48: {  	_ =	shalt  }
0x49: {  	_ =	shalt  }
0x4a: {  	_ =	shalt  }
0x4b: {  	_ =	shalt  }
0x4c: {  	_ =	shalt  }
0x4d: {  	_ =	shalt  }
0x4e: {  	_ =	shalt  }
0x4f: {  	_ =	shalt  }
0x50: {  	_ =	shalt  }
0x51: {  	_ =	shalt  }
0x52: {  	_ =	shalt  }
0x53: {  	_ =	shalt  }
0x54: {  	_ =	shalt  }
0x55: {  	_ =	shalt  }
0x56: {  	_ =	shalt  }
0x57: {  	_ =	shalt  }
0x58: {  	_ =	shalt  }
0x59: {  	_ =	shalt  }
0x5a: {  	_ =	shalt  }
0x5b: {  	_ =	shalt  }
0x5c: {  	_ =	shalt  }
0x5d: {  	_ =	shalt  }
0x5e: {  	_ =	shalt  }
0x5f: {  	_ =	shalt  }
0x60: {  	_ =	shalt  }
0x61: {  	_ =	shalt  }
0x62: {  	_ =	shalt  }
0x63: {  	_ =	shalt  }
0x64: {  	_ =	shalt  }
0x65: {  	_ =	shalt  }
0x66: {  	_ =	shalt  }
0x67: {  	_ =	shalt  }
0x68: {  	_ =	shalt  }
0x69: {  	_ =	shalt  }
0x6a: {  	_ =	shalt  }
0x6b: {  	_ =	shalt  }
0x6c: {  	_ =	shalt  }
0x6d: {  	_ =	shalt  }
0x6e: {  	_ =	shalt  }
0x6f: {  	_ =	shalt  }
0x70: {  	_ =	shalt  }
0x71: {  	_ =	shalt  }
0x72: {  	_ =	shalt  }
0x73: {  	_ =	shalt  }
0x74: {  	_ =	shalt  }
0x75: {  	_ =	shalt  }
0x76: {  	_ =	shalt  }
0x77: {  	_ =	shalt  }
0x78: {  	_ =	shalt  }
0x79: {  	_ =	shalt  }
0x7a: {  	_ =	shalt  }
0x7b: {  	_ =	shalt  }
0x7c: {  	_ =	shalt  }
0x7d: {  	_ =	shalt  }
0x7e: {  	_ =	shalt  }
0x7f: {  	_ =	shalt  }
0x80: {  	_ =	shalt  }
0x81: {  	_ =	shalt  }
0x82: {  	_ =	shalt  }
0x83: {  	_ =	shalt  }
0x84: {  	_ =	shalt  }
0x85: {  	_ =	shalt  }
0x86: {  	_ =	shalt  }
0x87: {  	_ =	shalt  }
.Lfunc_end0:
.L_simem_size_0:
called_computation.1_lowered:
.L_overlay_start_0:
0x88: {  	s2 =	sld [smem:$0x3FD9]  }
0x89: {  	s3 =	sld [smem:$0x3FFE];
	_ =	sdelay $0x1  }
0x8a: {  	s1 =	srdreg.scid  }
0x8b: {  	s0 =	sand.u32 $0x1, s1  }
0x8c: {  	s17 =	sshll.u32 s0, $0xA;
	s2 =	sadd.s32 s3, s2  }
0x8d: {  	s2 =	sadd.s32 s2, s17  }
0x8e: {  	[smem:$0x3FC6] =	sst s2  }
0x8f: {  	_ = 	snop  }
0x90: {  	s2 =	sld [smem:$0x3FD0];
	(tm) =	ssettm $0x1  }
0x91: {  	s18 =	sld [smem:$0x3FFB];
	_ =	sdelay $0x3  }
0x92: {  	_ =	strace s18  }
0x93: {  	s3 =	sld [smem:$0x3FFC];
	_ =	sdelay $0x3  }
0x94: {  	_ =	strace s3  }
0x95: {  	s3 =	sld [smem:$0x3FFD];
	_ =	sdelay $0x3  }
0x96: {  	_ =	strace s3  }
0x97: {  	_ =	strace $0x8FFFFFFF  }
0x98: {  	s19 =	sld [smem:$0x3FDB];
	_ =	sdelay $0x1  }
0x99: {  	s4 =	simm.s32 $_scs_section_size  }
0x9a: {  	s5 =	simm.s32 $_size__tile_overlayer_lowered;
	s6 =	simm.s32 $_tile_overlayer_lowered  }
0x9b: {  	s22 =	simm.s32 $0x1BFF;
	s21 =	sshll.u32 s6, $0x1;
	s3 =	sadd.s32 s4, s19  }
0x9c: {  	s7 =	simm.s32 $0x0;
	s20 =	sshll.u32 s5, $0x1;
	s5 =	sadd.s32 s21, s3  }
0x9d: {  	[timem:s7], [sflag:s22] =	dma.local [hbm:s5], s20  }
0x9e: {  	_ =	swait.ge [sflag:s22], s20  }
0x9f: {  	s4 =	ssub.s32 $0x0, s20;
	[sflag:s22] =	ssyncset.done $0x0  }
0xa0: {  	[sflag:s22] =	ssyncadd.s32 s4;
	_ =	sdelay $0x1  }
0xa1: {  	s23 =	simm.s32 $0x1B8B  }
0xa2: {  	_ =	swait.ge [sflag:s23], $0x1  }
0xa3: {  	[sflag:s23] =	ssyncset.done $0x0  }
0xa4: {  	s25 =	simm.s32 $0x1B8E;
	s24 =	sld [smem:$0x3FFE];
	[sflag:s23] =	ssyncadd.s32 $0xFFFFFFFF  }
0xa5: {  	s26 =	simm.s32 $execute0_lowered;
	[smem:$0x3FD2] =	sst s25  }
0xa6: {  	s5 =	sshll.u32 s26, $0x1;
	_ =	strace $0x80000046;
	[dreg:$0x1] =	wrdreg $0xFFFFFFFF  }
0xa7: {  	s28 =	simm.s32 $_size_execute0_lowered;
	s3 =	sadd.s32 s3, s5;
	[dreg:$0x0] =	wrdreg $0x0  }
0xa8: {  	s5 =	sshll.u32 s28, $0x1;
	[dreg:$0x2] =	wrdreg s3  }
0xa9: {  	[dreg:$0x3] =	wrdreg s5  }
0xaa: {  	[dreg:$0x4] =	wrdreg $0xC0  }
0xab: {  	_ =	task [dreg:s7], $0x5FFFF  }
0xac: {  	[dreg:$0x1] =	wrdreg $0xFFFFFFFF  }
0xad: {  	[dreg:$0x0] =	wrdreg $0x60  }
0xae: {  	[dreg:$0x2] =	wrdreg s24  }
0xaf: {  	[dreg:$0x3] =	wrdreg s2  }
0xb0: {  	[dreg:$0x4] =	wrdreg $0x9  }
0xb1: {  	_ =	task.clear_ibuf [dreg:s7], $0x5FFFF;
	_ =	strace $0x90000046  }
0xb2: {  	s29 =	simm.s32 $0x9;
	_ =	strace $0x80000048  }
0xb3: {  	_ =	swait.ge [sflag:s29], $0x1  }
0xb4: {  	[sflag:s29] =	ssyncadd.s32 $0xFFFFFFFF  }
0xb5: {  	_ =	strace $0x90000048  }
0xb6: {  	_ =	sfence  }
0xb7: {  	s30 =	sld [smem:$0x0];
	_ =	sdelay $0x2  }
0xb8: {  	s31 =	sshll.u32 s1, $0xD;
	s1 =	sshrl.u32 s1, $0x2  }
0xb9: {  	s3 =	sand.u32 $0x4000, s31;
	s1 =	sadd.s32 s1, s30  }
0xba: {  	s0 =	sor.u32 s3, s0;
	s1 =	sshll.u32 s1, $0x11  }
0xbb: {  	s0 =	sor.u32 s1, s0  }
0xbc: {  	s0 =	sadd.s32 $0x8F2B, s0  }
0xbd: {  	[sflag:s0] =	ssyncadd.remote.s32 $0x1  }
0xbe: {  	_ =	sfence.sel $0xFFFF  }
0xbf: {  	[dreg:$0x0] =	wrdreg $0xFFFFFFFF;
	(pc) =	sbr.abs _section_cstart, $3  }
0xc0: {  	[dreg:$0x1] =	wrdreg $0xFFFFFFFF  }
0xc1: {  	_ =	task.clear_ibuf [dreg:s7], $0x2FFFF;
	_ =	strace $0x9FFFFFFF  }
0xc2: {  	(tm) =	ssettm $0x7FFFFFFF  }
0xc3: {  	_ =	shalt  }
tec
execute0_lowered:
.L_overlay_start_1:
0x0: {  	(tag) =	ssettag $0x1  }
0x1: {  	s0 =	srdreg.scid;
	s1 =	rddreg [dreg:$0x0]  }
0x2: {  	s8 =	stileid.u32;
	s4 =	rddreg [dreg:$0x1];
	s9 =	simm.s32 $0x3  }
0x3: {  	s10 =	simm.s32 $0x32;
	s11 =	simm.s32 $0x7000;
	s12 =	simm.s32 $0x7C80  }
0x4: {  	s16 =	simm.s32 $0x8900;
	s20 =	simm.s32 $0x9580;
	s14 =	simm.s32 $0xAE80  }
0x5: {  	s18 =	simm.s32 $0xBB00;
	s22 =	simm.s32 $0xC780;
	s13 =	simm.s32 $0x11F00  }
0x6: {  	s15 =	simm.s32 $0x12B80;
	s31 =	simm.s32 $0x1;
	s19 =	simm.s32 $0x1DA80  }
0x7: {  	s21 =	simm.s32 $0x1E700;
	s23 =	simm.s32 $0x1F380;
	s17 =	simm.s32 $0x0  }
0x8: {  	s29 =	simm.s32 $0xA200;
	s0 =	sand.u32 $0x1, s0;
	s2 =	sshll.u32 s8, $0xA  }
0x9: {  	s25 =	smul.u32 $0x64000, s8;
	s8 =	simm.s32 $0x11280;
	s3 =	sshll.u32 s0, $0x9  }
0xa: {  	s7 =	ssub.s32 $0x2, s0;
	s0 =	smul.u32 $0x32000, s0;
	s3 =	sor.u32 s3, s2  }
0xb: {  	s2 =	simm.s32 $0x0;
	s24 =	sshrl.u32 s7, $0x1;
	s30 =	sadd.s32 s25, s4  }
0xc: {  	s25 =	simm.s32 $0x2;
	s5 =	smul.u32 $0x7, s3;
	[smem:$0x7FF] =	sst s2  }
0xd: {  	s6 =	smul.u32 $0xC80, s3;
	s3 =	sadd.s32 $0xF42E00, s1;
	s0 =	sadd.s32 s0, s30  }
0xe: {  	_ =	strace $0x80000047;
	[dreg:$0x7] =	wrdreg s0;
	s0 =	simm.s32 $0x13800  }
0xf: {  	s5 =	sadd.s32 s5, s1;
	s6 =	sshrl.u32 s6, $0x3;
	s1 =	ssub.s32 s7, s24  }
0x10: {  	s24 =	simm.s32 $0xA200;
	s7 =	simm.s32 $0x10600;
	s5 =	sadd.s32 $0xA00, s5  }
0x11: {  	s6 =	sadd.s32 s4, s6;
	s1 =	smax.u32 s1, $0x1;
	[dreg:$0x3] =	wrdreg s5  }
0x12: {  	s4 =	simm.s32 $0xE080;
	s26 =	sadd.s32 $0x2EE00, s6;
	[dreg:$0x6] =	wrdreg s1  }
0x13: {  	s28 =	sadd.s32 $0x30700, s6;
	s5 =	simm.s32 $0xED00;
	[dreg:$0x4] =	wrdreg s26  }
0x14: {  	s6 =	simm.s32 $0xF980;
	[dreg:$0x5] =	wrdreg s28;
	s26 =	simm.s32 $0xD400  }
.LBB2_1:
0x15: {  	[dreg:$0x8] =	wrdreg s17  }
0x16: {  	s1 =	rddreg [dreg:$0x3]  }
0x17: {  	[tilespmem:s2], [sflag:$0x3] =	stream.linear.gather [hbm4b:s1+s2], $0x7000, $0x38;
	v63 =	vld [tilespmem:$0x0]  }
0x18: {  	_ =	swait.ge [sflag:s9], $0x7000  }
0x19: {  	[sflag:s9] =	ssyncset.done $0x0  }
0x1a: {  	[sflag:s9] =	ssyncadd.s32 $0xFFFF9000  }
0x1b: {  	[tilespmem:s11], [sflag:$0x1] =	stream.indirect.gather [hbm4b:s3+s10], $0x40, s2, s10, $0xb8;
	v63 =	vld [tilespmem:$0x0]  }
0x1c: {  	s17 =	simm.s32 $0x38  }
0x1d: {  	[tilespmem:s12], [sflag:$0x1] =	stream.indirect.gather [hbm4b:s3+s10], $0x40, s17, s10, $0xb8;
	v63 =	vld [tilespmem:$0x0]  }
0x1e: {  	s17 =	simm.s32 $0x70  }
0x1f: {  	[tilespmem:s16], [sflag:$0x1] =	stream.indirect.gather [hbm4b:s3+s10], $0x40, s17, s10, $0xb8;
	v63 =	vld [tilespmem:$0x0]  }
0x20: {  	s17 =	simm.s32 $0xA8  }
0x21: {  	[tilespmem:s20], [sflag:$0x1] =	stream.indirect.gather [hbm4b:s3+s10], $0x40, s17, s10, $0xb8;
	v63 =	vld [tilespmem:$0x0]  }
0x22: {  	s17 =	simm.s32 $0xE0  }
0x23: {  	[tilespmem:s24], [sflag:$0x1] =	stream.indirect.gather [hbm4b:s3+s10], $0x40, s17, s10, $0xb8;
	v63 =	vld [tilespmem:$0x0]  }
0x24: {  	s17 =	simm.s32 $0x118  }
0x25: {  	[tilespmem:s14], [sflag:$0x1] =	stream.indirect.gather [hbm4b:s3+s10], $0x40, s17, s10, $0xb8;
	v63 =	vld [tilespmem:$0x0]  }
0x26: {  	s17 =	simm.s32 $0x150  }
0x27: {  	[tilespmem:s18], [sflag:$0x1] =	stream.indirect.gather [hbm4b:s3+s10], $0x40, s17, s10, $0xb8;
	v63 =	vld [tilespmem:$0x0]  }
0x28: {  	s17 =	simm.s32 $0x188  }
0x29: {  	[tilespmem:s22], [sflag:$0x1] =	stream.indirect.gather [hbm4b:s3+s10], $0x40, s17, s10, $0xb8;
	v63 =	vld [tilespmem:$0x0]  }
0x2a: {  	s17 =	simm.s32 $0x1C0  }
0x2b: {  	[tilespmem:s26], [sflag:$0x1] =	stream.indirect.gather [hbm4b:s3+s10], $0x40, s17, s10, $0xb8;
	v63 =	vld [tilespmem:$0x0]  }
0x2c: {  	s17 =	simm.s32 $0x1F8  }
0x2d: {  	[tilespmem:s4], [sflag:$0x1] =	stream.indirect.gather [hbm4b:s3+s10], $0x40, s17, s10, $0xb8;
	v63 =	vld [tilespmem:$0x0]  }
0x2e: {  	s17 =	simm.s32 $0x230  }
0x2f: {  	[tilespmem:s5], [sflag:$0x1] =	stream.indirect.gather [hbm4b:s3+s10], $0x40, s17, s10, $0xb8;
	v63 =	vld [tilespmem:$0x0]  }
0x30: {  	s17 =	simm.s32 $0x268  }
0x31: {  	[tilespmem:s6], [sflag:$0x1] =	stream.indirect.gather [hbm4b:s3+s10], $0x40, s17, s10, $0xb8;
	v63 =	vld [tilespmem:$0x0]  }
0x32: {  	s17 =	simm.s32 $0x2A0  }
0x33: {  	[tilespmem:s7], [sflag:$0x1] =	stream.indirect.gather [hbm4b:s3+s10], $0x40, s17, s10, $0xb8;
	v63 =	vld [tilespmem:$0x0]  }
0x34: {  	s17 =	simm.s32 $0x2D8  }
0x35: {  	[tilespmem:s8], [sflag:$0x1] =	stream.indirect.gather [hbm4b:s3+s10], $0x40, s17, s10, $0xb8;
	v63 =	vld [tilespmem:$0x0]  }
0x36: {  	s17 =	simm.s32 $0x310  }
0x37: {  	[tilespmem:s13], [sflag:$0x1] =	stream.indirect.gather [hbm4b:s3+s10], $0x40, s17, s10, $0xb8;
	v63 =	vld [tilespmem:$0x0]  }
0x38: {  	s17 =	simm.s32 $0x348  }
0x39: {  	[tilespmem:s15], [sflag:$0x1] =	stream.indirect.gather [hbm4b:s3+s10], $0x40, s17, s10, $0xb8;
	v63 =	vld [tilespmem:$0x0]  }
0x3a: {  	_ =	swait.ge [sflag:s31], $0xC80  }
0x3b: {  	[sflag:s31] =	ssyncset.done $0x0  }
0x3c: {  	[sflag:s31] =	ssyncadd.s32 $0xFFFFF380  }
0x3d: {  	_ =	swait.ge [sflag:s31], $0xC80  }
0x3e: {  	[sflag:s31] =	ssyncset.done $0x0  }
0x3f: {  	[sflag:s31] =	ssyncadd.s32 $0xFFFFF380  }
0x40: {  	_ =	swait.ge [sflag:s31], $0xC80  }
0x41: {  	[sflag:s31] =	ssyncset.done $0x0  }
0x42: {  	[sflag:s31] =	ssyncadd.s32 $0xFFFFF380  }
0x43: {  	_ =	swait.ge [sflag:s31], $0xC80  }
0x44: {  	[sflag:s31] =	ssyncset.done $0x0  }
0x45: {  	[sflag:s31] =	ssyncadd.s32 $0xFFFFF380  }
0x46: {  	_ =	swait.ge [sflag:s31], $0xC80  }
0x47: {  	[sflag:s31] =	ssyncset.done $0x0  }
0x48: {  	[sflag:s31] =	ssyncadd.s32 $0xFFFFF380  }
0x49: {  	_ =	swait.ge [sflag:s31], $0xC80  }
0x4a: {  	[sflag:s31] =	ssyncset.done $0x0  }
0x4b: {  	[sflag:s31] =	ssyncadd.s32 $0xFFFFF380  }
0x4c: {  	_ =	swait.ge [sflag:s31], $0xC80  }
0x4d: {  	[sflag:s31] =	ssyncset.done $0x0  }
0x4e: {  	[sflag:s31] =	ssyncadd.s32 $0xFFFFF380  }
0x4f: {  	_ =	swait.ge [sflag:s31], $0xC80  }
0x50: {  	[sflag:s31] =	ssyncset.done $0x0  }
0x51: {  	[sflag:s31] =	ssyncadd.s32 $0xFFFFF380  }
0x52: {  	_ =	swait.ge [sflag:s31], $0xC80  }
0x53: {  	[sflag:s31] =	ssyncset.done $0x0  }
0x54: {  	[sflag:s31] =	ssyncadd.s32 $0xFFFFF380  }
0x55: {  	_ =	swait.ge [sflag:s31], $0xC80  }
0x56: {  	[sflag:s31] =	ssyncset.done $0x0  }
0x57: {  	[sflag:s31] =	ssyncadd.s32 $0xFFFFF380  }
0x58: {  	_ =	swait.ge [sflag:s31], $0xC80  }
0x59: {  	[sflag:s31] =	ssyncset.done $0x0  }
0x5a: {  	[sflag:s31] =	ssyncadd.s32 $0xFFFFF380  }
0x5b: {  	_ =	swait.ge [sflag:s31], $0xC80  }
0x5c: {  	[sflag:s31] =	ssyncset.done $0x0  }
0x5d: {  	[sflag:s31] =	ssyncadd.s32 $0xFFFFF380  }
0x5e: {  	_ =	swait.ge [sflag:s31], $0xC80  }
0x5f: {  	[sflag:s31] =	ssyncset.done $0x0  }
0x60: {  	[sflag:s31] =	ssyncadd.s32 $0xFFFFF380  }
0x61: {  	_ =	swait.ge [sflag:s31], $0xC80  }
0x62: {  	[sflag:s31] =	ssyncset.done $0x0  }
0x63: {  	[sflag:s31] =	ssyncadd.s32 $0xFFFFF380  }
0x64: {  	_ =	swait.ge [sflag:s31], $0xC80  }
0x65: {  	[sflag:s31] =	ssyncset.done $0x0  }
0x66: {  	[sflag:s31] =	ssyncadd.s32 $0xFFFFF380  }
0x67: {  	_ =	swait.ge [sflag:s31], $0xC80  }
0x68: {  	[sflag:s31] =	ssyncset.done $0x0  }
0x69: {  	s17 =	simm.s32 $0x380;
	[sflag:s31] =	ssyncadd.s32 $0xFFFFF380  }
0x6a: {  	[tilespmem:s0], [sflag:$0x2] =	stream.indirect.gather [hbm4b:s3+s10], $0x40, s17, s10, $0xb8;
	v63 =	vld [tilespmem:$0x0]  }
0x6b: {  	s1 =	simm.s32 $0x3B8;
	s17 =	simm.s32 $0x14480  }
0x6c: {  	[tilespmem:s17], [sflag:$0x2] =	stream.indirect.gather [hbm4b:s3+s10], $0x40, s1, s10, $0xb8;
	v63 =	vld [tilespmem:$0x0]  }
0x6d: {  	s1 =	simm.s32 $0x3F0;
	s17 =	simm.s32 $0x15100  }
0x6e: {  	[tilespmem:s17], [sflag:$0x2] =	stream.indirect.gather [hbm4b:s3+s10], $0x40, s1, s10, $0xb8;
	v63 =	vld [tilespmem:$0x0]  }
0x6f: {  	s1 =	simm.s32 $0x428;
	s17 =	simm.s32 $0x15D80  }
0x70: {  	[tilespmem:s17], [sflag:$0x2] =	stream.indirect.gather [hbm4b:s3+s10], $0x40, s1, s10, $0xb8;
	v63 =	vld [tilespmem:$0x0]  }
0x71: {  	s1 =	simm.s32 $0x460;
	s17 =	simm.s32 $0x16A00  }
0x72: {  	[tilespmem:s17], [sflag:$0x2] =	stream.indirect.gather [hbm4b:s3+s10], $0x40, s1, s10, $0xb8;
	v63 =	vld [tilespmem:$0x0]  }
0x73: {  	s1 =	simm.s32 $0x498;
	s17 =	simm.s32 $0x17680  }
0x74: {  	[tilespmem:s17], [sflag:$0x2] =	stream.indirect.gather [hbm4b:s3+s10], $0x40, s1, s10, $0xb8;
	v63 =	vld [tilespmem:$0x0]  }
0x75: {  	s1 =	simm.s32 $0x4D0;
	s17 =	simm.s32 $0x18300  }
0x76: {  	[tilespmem:s17], [sflag:$0x2] =	stream.indirect.gather [hbm4b:s3+s10], $0x40, s1, s10, $0xb8;
	v63 =	vld [tilespmem:$0x0]  }
0x77: {  	s1 =	simm.s32 $0x508;
	s17 =	simm.s32 $0x18F80  }
0x78: {  	[tilespmem:s17], [sflag:$0x2] =	stream.indirect.gather [hbm4b:s3+s10], $0x40, s1, s10, $0xb8;
	v63 =	vld [tilespmem:$0x0]  }
0x79: {  	s1 =	simm.s32 $0x540;
	s17 =	simm.s32 $0x19C00  }
0x7a: {  	[tilespmem:s17], [sflag:$0x2] =	stream.indirect.gather [hbm4b:s3+s10], $0x40, s1, s10, $0xb8;
	v63 =	vld [tilespmem:$0x0]  }
0x7b: {  	s1 =	simm.s32 $0x578;
	s17 =	simm.s32 $0x1A880  }
0x7c: {  	[tilespmem:s17], [sflag:$0x2] =	stream.indirect.gather [hbm4b:s3+s10], $0x40, s1, s10, $0xb8;
	v63 =	vld [tilespmem:$0x0]  }
0x7d: {  	s1 =	simm.s32 $0x5B0;
	s17 =	simm.s32 $0x1B500  }
0x7e: {  	[tilespmem:s17], [sflag:$0x2] =	stream.indirect.gather [hbm4b:s3+s10], $0x40, s1, s10, $0xb8;
	v63 =	vld [tilespmem:$0x0]  }
0x7f: {  	s1 =	simm.s32 $0x5E8;
	s17 =	simm.s32 $0x1C180  }
0x80: {  	[tilespmem:s17], [sflag:$0x2] =	stream.indirect.gather [hbm4b:s3+s10], $0x40, s1, s10, $0xb8;
	v63 =	vld [tilespmem:$0x0]  }
0x81: {  	s1 =	simm.s32 $0x620;
	s17 =	simm.s32 $0x1CE00  }
0x82: {  	[tilespmem:s17], [sflag:$0x2] =	stream.indirect.gather [hbm4b:s3+s10], $0x40, s1, s10, $0xb8;
	v63 =	vld [tilespmem:$0x0]  }
0x83: {  	s17 =	simm.s32 $0x658  }
0x84: {  	[tilespmem:s19], [sflag:$0x2] =	stream.indirect.gather [hbm4b:s3+s10], $0x40, s17, s10, $0xb8;
	v63 =	vld [tilespmem:$0x0]  }
0x85: {  	s17 =	simm.s32 $0x690  }
0x86: {  	[tilespmem:s21], [sflag:$0x2] =	stream.indirect.gather [hbm4b:s3+s10], $0x40, s17, s10, $0xb8;
	v63 =	vld [tilespmem:$0x0]  }
0x87: {  	s17 =	simm.s32 $0x6C8  }
0x88: {  	[tilespmem:s23], [sflag:$0x2] =	stream.indirect.gather [hbm4b:s3+s10], $0x40, s17, s10, $0xb8;
	v63 =	vld [tilespmem:$0x0]  }
0x89: {  	s30 =	rddreg [dreg:$0x7]  }
0x8a: {  	[hbm4b:s30+s2] =	stream.linear.scatter [tilespmem:s11], [sflag:$0x3], $0xC800, $0x38;
	v63 =	vld [tilespmem:$0x0]  }
0x8b: {  	_ =	swait.ge [sflag:s9], $0xC800  }
0x8c: {  	[sflag:s9] =	ssyncset.done $0x0  }
0x8d: {  	[sflag:s9] =	ssyncadd.s32 $0xFFFF3800  }
0x8e: {  	_ =	swait.ge [sflag:s25], $0xC80  }
0x8f: {  	[sflag:s25] =	ssyncset.done $0x0  }
0x90: {  	[sflag:s25] =	ssyncadd.s32 $0xFFFFF380  }
0x91: {  	_ =	swait.ge [sflag:s25], $0xC80  }
0x92: {  	[sflag:s25] =	ssyncset.done $0x0  }
0x93: {  	[sflag:s25] =	ssyncadd.s32 $0xFFFFF380  }
0x94: {  	_ =	swait.ge [sflag:s25], $0xC80  }
0x95: {  	[sflag:s25] =	ssyncset.done $0x0  }
0x96: {  	[sflag:s25] =	ssyncadd.s32 $0xFFFFF380  }
0x97: {  	_ =	swait.ge [sflag:s25], $0xC80  }
0x98: {  	[sflag:s25] =	ssyncset.done $0x0  }
0x99: {  	[sflag:s25] =	ssyncadd.s32 $0xFFFFF380  }
0x9a: {  	_ =	swait.ge [sflag:s25], $0xC80  }
0x9b: {  	[sflag:s25] =	ssyncset.done $0x0  }
0x9c: {  	[sflag:s25] =	ssyncadd.s32 $0xFFFFF380  }
0x9d: {  	_ =	swait.ge [sflag:s25], $0xC80  }
0x9e: {  	[sflag:s25] =	ssyncset.done $0x0  }
0x9f: {  	[sflag:s25] =	ssyncadd.s32 $0xFFFFF380  }
0xa0: {  	_ =	swait.ge [sflag:s25], $0xC80  }
0xa1: {  	[sflag:s25] =	ssyncset.done $0x0  }
0xa2: {  	[sflag:s25] =	ssyncadd.s32 $0xFFFFF380  }
0xa3: {  	_ =	swait.ge [sflag:s25], $0xC80  }
0xa4: {  	[sflag:s25] =	ssyncset.done $0x0  }
0xa5: {  	[sflag:s25] =	ssyncadd.s32 $0xFFFFF380  }
0xa6: {  	_ =	swait.ge [sflag:s25], $0xC80  }
0xa7: {  	[sflag:s25] =	ssyncset.done $0x0  }
0xa8: {  	[sflag:s25] =	ssyncadd.s32 $0xFFFFF380  }
0xa9: {  	_ =	swait.ge [sflag:s25], $0xC80  }
0xaa: {  	[sflag:s25] =	ssyncset.done $0x0  }
0xab: {  	[sflag:s25] =	ssyncadd.s32 $0xFFFFF380  }
0xac: {  	_ =	swait.ge [sflag:s25], $0xC80  }
0xad: {  	[sflag:s25] =	ssyncset.done $0x0  }
0xae: {  	[sflag:s25] =	ssyncadd.s32 $0xFFFFF380  }
0xaf: {  	_ =	swait.ge [sflag:s25], $0xC80  }
0xb0: {  	[sflag:s25] =	ssyncset.done $0x0  }
0xb1: {  	[sflag:s25] =	ssyncadd.s32 $0xFFFFF380  }
0xb2: {  	_ =	swait.ge [sflag:s25], $0xC80  }
0xb3: {  	[sflag:s25] =	ssyncset.done $0x0  }
0xb4: {  	[sflag:s25] =	ssyncadd.s32 $0xFFFFF380  }
0xb5: {  	_ =	swait.ge [sflag:s25], $0xC80  }
0xb6: {  	[sflag:s25] =	ssyncset.done $0x0  }
0xb7: {  	[sflag:s25] =	ssyncadd.s32 $0xFFFFF380  }
0xb8: {  	_ =	swait.ge [sflag:s25], $0xC80  }
0xb9: {  	[sflag:s25] =	ssyncset.done $0x0  }
0xba: {  	[sflag:s25] =	ssyncadd.s32 $0xFFFFF380  }
0xbb: {  	_ =	swait.ge [sflag:s25], $0xC80  }
0xbc: {  	[sflag:s25] =	ssyncset.done $0x0  }
0xbd: {  	s17 =	simm.s32 $0x700;
	[sflag:s25] =	ssyncadd.s32 $0xFFFFF380  }
0xbe: {  	[tilespmem:s11], [sflag:$0x1] =	stream.indirect.gather [hbm4b:s3+s10], $0x40, s17, s10, $0xb8;
	v63 =	vld [tilespmem:$0x0]  }
0xbf: {  	s17 =	simm.s32 $0x738  }
0xc0: {  	[tilespmem:s12], [sflag:$0x1] =	stream.indirect.gather [hbm4b:s3+s10], $0x40, s17, s10, $0xb8;
	v63 =	vld [tilespmem:$0x0]  }
0xc1: {  	s17 =	simm.s32 $0x770  }
0xc2: {  	[tilespmem:s16], [sflag:$0x1] =	stream.indirect.gather [hbm4b:s3+s10], $0x40, s17, s10, $0xb8;
	v63 =	vld [tilespmem:$0x0]  }
0xc3: {  	s12 =	simm.s32 $0x7A8  }
0xc4: {  	[tilespmem:s20], [sflag:$0x1] =	stream.indirect.gather [hbm4b:s3+s10], $0x40, s12, s10, $0xb8;
	v63 =	vld [tilespmem:$0x0]  }
0xc5: {  	s16 =	simm.s32 $0x7E0  }
0xc6: {  	[tilespmem:s24], [sflag:$0x1] =	stream.indirect.gather [hbm4b:s3+s10], $0x40, s16, s10, $0xb8;
	v63 =	vld [tilespmem:$0x0]  }
0xc7: {  	s17 =	simm.s32 $0x818  }
0xc8: {  	[tilespmem:s14], [sflag:$0x1] =	stream.indirect.gather [hbm4b:s3+s10], $0x40, s17, s10, $0xb8;
	v63 =	vld [tilespmem:$0x0]  }
0xc9: {  	s20 =	simm.s32 $0x850  }
0xca: {  	[tilespmem:s18], [sflag:$0x1] =	stream.indirect.gather [hbm4b:s3+s10], $0x40, s20, s10, $0xb8;
	v63 =	vld [tilespmem:$0x0]  }
0xcb: {  	s24 =	simm.s32 $0x888  }
0xcc: {  	[tilespmem:s22], [sflag:$0x1] =	stream.indirect.gather [hbm4b:s3+s10], $0x40, s24, s10, $0xb8;
	v63 =	vld [tilespmem:$0x0]  }
0xcd: {  	s12 =	simm.s32 $0x8C0  }
0xce: {  	[tilespmem:s26], [sflag:$0x1] =	stream.indirect.gather [hbm4b:s3+s10], $0x40, s12, s10, $0xb8;
	v63 =	vld [tilespmem:$0x0]  }
0xcf: {  	s14 =	simm.s32 $0x8F8  }
0xd0: {  	[tilespmem:s4], [sflag:$0x1] =	stream.indirect.gather [hbm4b:s3+s10], $0x40, s14, s10, $0xb8;
	v63 =	vld [tilespmem:$0x0]  }
0xd1: {  	s16 =	simm.s32 $0x930  }
0xd2: {  	[tilespmem:s5], [sflag:$0x1] =	stream.indirect.gather [hbm4b:s3+s10], $0x40, s16, s10, $0xb8;
	v63 =	vld [tilespmem:$0x0]  }
0xd3: {  	s28 =	simm.s32 $0x1C00;
	s17 =	simm.s32 $0x968  }
0xd4: {  	[tilespmem:s6], [sflag:$0x1] =	stream.indirect.gather [hbm4b:s3+s10], $0x40, s17, s10, $0xb8;
	v63 =	vld [tilespmem:$0x0]  }
0xd5: {  	s18 =	simm.s32 $0x9A0;
	s20 =	simm.s32 $0x9D8;
	s22 =	simm.s32 $0xA10  }
0xd6: {  	[tilespmem:s7], [sflag:$0x1] =	stream.indirect.gather [hbm4b:s3+s10], $0x40, s18, s10, $0xb8;
	v63 =	vld [tilespmem:$0x0]  }
0xd7: {  	s24 =	simm.s32 $0xA48;
	s26 =	sadd.s32 $0x1900, s30;
	s14 =	simm.s32 $0xAE80  }
0xd8: {  	[tilespmem:s8], [sflag:$0x1] =	stream.indirect.gather [hbm4b:s3+s10], $0x40, s20, s10, $0xb8;
	v63 =	vld [tilespmem:$0x0]  }
0xd9: {  	s4 =	simm.s32 $0xE080;
	s5 =	simm.s32 $0xED00;
	s16 =	simm.s32 $0x7C80  }
0xda: {  	[tilespmem:s13], [sflag:$0x1] =	stream.indirect.gather [hbm4b:s3+s10], $0x40, s22, s10, $0xb8;
	v63 =	vld [tilespmem:$0x0]  }
0xdb: {  	s6 =	simm.s32 $0xF980;
	s18 =	simm.s32 $0xBB00;
	s7 =	simm.s32 $0x10600  }
0xdc: {  	[tilespmem:s15], [sflag:$0x1] =	stream.indirect.gather [hbm4b:s3+s10], $0x40, s24, s10, $0xb8;
	v63 =	vld [tilespmem:$0x0]  }
0xdd: {  	s8 =	simm.s32 $0x11280;
	s20 =	simm.s32 $0x8900;
	s22 =	simm.s32 $0xC780  }
0xde: {  	[hbm4b:s26+s2] =	stream.linear.scatter [tilespmem:s0], [sflag:$0x3], $0xC800, $0x38;
	v63 =	vld [tilespmem:$0x0]  }
0xdf: {  	s13 =	simm.s32 $0x11F00;
	s15 =	simm.s32 $0x12B80;
	_ =	swait.ge [sflag:s9], $0xC800  }
0xe0: {  	s24 =	simm.s32 $0x9580;
	s26 =	simm.s32 $0xD400;
	[sflag:s9] =	ssyncset.done $0x0  }
.LBB2_2:
0xe1: {  	p0 =	sne.s32 s28, $0x18800;
	[sflag:s9] =	ssyncadd.s32 $0xFFFF3800;
	s30 =	sadd.s32 $0x3200, s30  }
0xe2: {  	s1 =	smov.u32 s28;
	s28 =	sadd.s32 $0x1C00, s28  }
0xe3: {  	_ =	swait.ge [sflag:s31], $0xC80  }
0xe4: {  	[sflag:s31] =	ssyncset.done $0x0  }
0xe5: {  	[sflag:s31] =	ssyncadd.s32 $0xFFFFF380  }
0xe6: {  	_ =	swait.ge [sflag:s31], $0xC80  }
0xe7: {  	[sflag:s31] =	ssyncset.done $0x0  }
0xe8: {  	[sflag:s31] =	ssyncadd.s32 $0xFFFFF380  }
0xe9: {  	_ =	swait.ge [sflag:s31], $0xC80  }
0xea: {  	[sflag:s31] =	ssyncset.done $0x0  }
0xeb: {  	[sflag:s31] =	ssyncadd.s32 $0xFFFFF380  }
0xec: {  	_ =	swait.ge [sflag:s31], $0xC80  }
0xed: {  	[sflag:s31] =	ssyncset.done $0x0  }
0xee: {  	[sflag:s31] =	ssyncadd.s32 $0xFFFFF380  }
0xef: {  	_ =	swait.ge [sflag:s31], $0xC80  }
0xf0: {  	[sflag:s31] =	ssyncset.done $0x0  }
0xf1: {  	[sflag:s31] =	ssyncadd.s32 $0xFFFFF380  }
0xf2: {  	_ =	swait.ge [sflag:s31], $0xC80  }
0xf3: {  	[sflag:s31] =	ssyncset.done $0x0  }
0xf4: {  	[sflag:s31] =	ssyncadd.s32 $0xFFFFF380  }
0xf5: {  	_ =	swait.ge [sflag:s31], $0xC80  }
0xf6: {  	[sflag:s31] =	ssyncset.done $0x0  }
0xf7: {  	[sflag:s31] =	ssyncadd.s32 $0xFFFFF380  }
0xf8: {  	_ =	swait.ge [sflag:s31], $0xC80  }
0xf9: {  	[sflag:s31] =	ssyncset.done $0x0  }
0xfa: {  	[sflag:s31] =	ssyncadd.s32 $0xFFFFF380  }
0xfb: {  	_ =	swait.ge [sflag:s31], $0xC80  }
0xfc: {  	[sflag:s31] =	ssyncset.done $0x0  }
0xfd: {  	[sflag:s31] =	ssyncadd.s32 $0xFFFFF380  }
0xfe: {  	_ =	swait.ge [sflag:s31], $0xC80  }
0xff: {  	[sflag:s31] =	ssyncset.done $0x0  }
0x100: {  	[sflag:s31] =	ssyncadd.s32 $0xFFFFF380  }
0x101: {  	_ =	swait.ge [sflag:s31], $0xC80  }
0x102: {  	[sflag:s31] =	ssyncset.done $0x0  }
0x103: {  	[sflag:s31] =	ssyncadd.s32 $0xFFFFF380  }
0x104: {  	_ =	swait.ge [sflag:s31], $0xC80  }
0x105: {  	[sflag:s31] =	ssyncset.done $0x0  }
0x106: {  	[sflag:s31] =	ssyncadd.s32 $0xFFFFF380  }
0x107: {  	_ =	swait.ge [sflag:s31], $0xC80  }
0x108: {  	[sflag:s31] =	ssyncset.done $0x0  }
0x109: {  	[sflag:s31] =	ssyncadd.s32 $0xFFFFF380  }
0x10a: {  	_ =	swait.ge [sflag:s31], $0xC80  }
0x10b: {  	[sflag:s31] =	ssyncset.done $0x0  }
0x10c: {  	[sflag:s31] =	ssyncadd.s32 $0xFFFFF380  }
0x10d: {  	_ =	swait.ge [sflag:s31], $0xC80  }
0x10e: {  	[sflag:s31] =	ssyncset.done $0x0  }
0x10f: {  	[sflag:s31] =	ssyncadd.s32 $0xFFFFF380  }
0x110: {  	_ =	swait.ge [sflag:s31], $0xC80  }
0x111: {  	s1 =	sshra.s32 s1, $0x2;
	[sflag:s31] =	ssyncset.done $0x0  }
0x112: {  	s12 =	sadd.s32 $0x380, s1;
	[sflag:s31] =	ssyncadd.s32 $0xFFFFF380  }
0x113: {  	[tilespmem:s0], [sflag:$0x2] =	stream.indirect.gather [hbm4b:s3+s10], $0x40, s12, s10, $0xb8;
	v63 =	vld [tilespmem:$0x0]  }
0x114: {  	s17 =	simm.s32 $0x14480;
	s12 =	sadd.s32 $0x3B8, s1  }
0x115: {  	[tilespmem:s17], [sflag:$0x2] =	stream.indirect.gather [hbm4b:s3+s10], $0x40, s12, s10, $0xb8;
	v63 =	vld [tilespmem:$0x0]  }
0x116: {  	s12 =	sadd.s32 $0x3F0, s1;
	s17 =	simm.s32 $0x15100  }
0x117: {  	[tilespmem:s17], [sflag:$0x2] =	stream.indirect.gather [hbm4b:s3+s10], $0x40, s12, s10, $0xb8;
	v63 =	vld [tilespmem:$0x0]  }
0x118: {  	s12 =	sadd.s32 $0x428, s1;
	s17 =	simm.s32 $0x15D80  }
0x119: {  	[tilespmem:s17], [sflag:$0x2] =	stream.indirect.gather [hbm4b:s3+s10], $0x40, s12, s10, $0xb8;
	v63 =	vld [tilespmem:$0x0]  }
0x11a: {  	s12 =	sadd.s32 $0x460, s1;
	s17 =	simm.s32 $0x16A00  }
0x11b: {  	[tilespmem:s17], [sflag:$0x2] =	stream.indirect.gather [hbm4b:s3+s10], $0x40, s12, s10, $0xb8;
	v63 =	vld [tilespmem:$0x0]  }
0x11c: {  	s12 =	sadd.s32 $0x498, s1;
	s17 =	simm.s32 $0x17680  }
0x11d: {  	[tilespmem:s17], [sflag:$0x2] =	stream.indirect.gather [hbm4b:s3+s10], $0x40, s12, s10, $0xb8;
	v63 =	vld [tilespmem:$0x0]  }
0x11e: {  	s12 =	sadd.s32 $0x4D0, s1;
	s17 =	simm.s32 $0x18300  }
0x11f: {  	[tilespmem:s17], [sflag:$0x2] =	stream.indirect.gather [hbm4b:s3+s10], $0x40, s12, s10, $0xb8;
	v63 =	vld [tilespmem:$0x0]  }
0x120: {  	s12 =	sadd.s32 $0x508, s1;
	s17 =	simm.s32 $0x18F80  }
0x121: {  	[tilespmem:s17], [sflag:$0x2] =	stream.indirect.gather [hbm4b:s3+s10], $0x40, s12, s10, $0xb8;
	v63 =	vld [tilespmem:$0x0]  }
0x122: {  	s12 =	sadd.s32 $0x540, s1;
	s17 =	simm.s32 $0x19C00  }
0x123: {  	[tilespmem:s17], [sflag:$0x2] =	stream.indirect.gather [hbm4b:s3+s10], $0x40, s12, s10, $0xb8;
	v63 =	vld [tilespmem:$0x0]  }
0x124: {  	s12 =	sadd.s32 $0x578, s1;
	s17 =	simm.s32 $0x1A880  }
0x125: {  	[tilespmem:s17], [sflag:$0x2] =	stream.indirect.gather [hbm4b:s3+s10], $0x40, s12, s10, $0xb8;
	v63 =	vld [tilespmem:$0x0]  }
0x126: {  	s12 =	sadd.s32 $0x5B0, s1;
	s17 =	simm.s32 $0x1B500  }
0x127: {  	[tilespmem:s17], [sflag:$0x2] =	stream.indirect.gather [hbm4b:s3+s10], $0x40, s12, s10, $0xb8;
	v63 =	vld [tilespmem:$0x0]  }
0x128: {  	s12 =	sadd.s32 $0x5E8, s1;
	s17 =	simm.s32 $0x1C180  }
0x129: {  	[tilespmem:s17], [sflag:$0x2] =	stream.indirect.gather [hbm4b:s3+s10], $0x40, s12, s10, $0xb8;
	v63 =	vld [tilespmem:$0x0]  }
0x12a: {  	s12 =	sadd.s32 $0x620, s1;
	s17 =	simm.s32 $0x1CE00  }
0x12b: {  	[tilespmem:s17], [sflag:$0x2] =	stream.indirect.gather [hbm4b:s3+s10], $0x40, s12, s10, $0xb8;
	v63 =	vld [tilespmem:$0x0]  }
0x12c: {  	s12 =	sadd.s32 $0x658, s1  }
0x12d: {  	[tilespmem:s19], [sflag:$0x2] =	stream.indirect.gather [hbm4b:s3+s10], $0x40, s12, s10, $0xb8;
	v63 =	vld [tilespmem:$0x0]  }
0x12e: {  	s12 =	sadd.s32 $0x690, s1  }
0x12f: {  	[tilespmem:s21], [sflag:$0x2] =	stream.indirect.gather [hbm4b:s3+s10], $0x40, s12, s10, $0xb8;
	v63 =	vld [tilespmem:$0x0]  }
0x130: {  	s12 =	sadd.s32 $0x6C8, s1  }
0x131: {  	[tilespmem:s23], [sflag:$0x2] =	stream.indirect.gather [hbm4b:s3+s10], $0x40, s12, s10, $0xb8;
	v63 =	vld [tilespmem:$0x0]  }
0x132: {  	_ = 	snop  }
0x133: {  	[hbm4b:s30+s2] =	stream.linear.scatter [tilespmem:s11], [sflag:$0x3], $0xC800, $0x38;
	v63 =	vld [tilespmem:$0x0]  }
0x134: {  	_ =	swait.ge [sflag:s9], $0xC800  }
0x135: {  	[sflag:s9] =	ssyncset.done $0x0  }
0x136: {  	[sflag:s9] =	ssyncadd.s32 $0xFFFF3800  }
0x137: {  	_ =	swait.ge [sflag:s25], $0xC80  }
0x138: {  	[sflag:s25] =	ssyncset.done $0x0  }
0x139: {  	[sflag:s25] =	ssyncadd.s32 $0xFFFFF380  }
0x13a: {  	_ =	swait.ge [sflag:s25], $0xC80  }
0x13b: {  	[sflag:s25] =	ssyncset.done $0x0  }
0x13c: {  	[sflag:s25] =	ssyncadd.s32 $0xFFFFF380  }
0x13d: {  	_ =	swait.ge [sflag:s25], $0xC80  }
0x13e: {  	[sflag:s25] =	ssyncset.done $0x0  }
0x13f: {  	[sflag:s25] =	ssyncadd.s32 $0xFFFFF380  }
0x140: {  	_ =	swait.ge [sflag:s25], $0xC80  }
0x141: {  	[sflag:s25] =	ssyncset.done $0x0  }
0x142: {  	[sflag:s25] =	ssyncadd.s32 $0xFFFFF380  }
0x143: {  	_ =	swait.ge [sflag:s25], $0xC80  }
0x144: {  	[sflag:s25] =	ssyncset.done $0x0  }
0x145: {  	[sflag:s25] =	ssyncadd.s32 $0xFFFFF380  }
0x146: {  	_ =	swait.ge [sflag:s25], $0xC80  }
0x147: {  	[sflag:s25] =	ssyncset.done $0x0  }
0x148: {  	[sflag:s25] =	ssyncadd.s32 $0xFFFFF380  }
0x149: {  	_ =	swait.ge [sflag:s25], $0xC80  }
0x14a: {  	[sflag:s25] =	ssyncset.done $0x0  }
0x14b: {  	[sflag:s25] =	ssyncadd.s32 $0xFFFFF380  }
0x14c: {  	_ =	swait.ge [sflag:s25], $0xC80  }
0x14d: {  	[sflag:s25] =	ssyncset.done $0x0  }
0x14e: {  	[sflag:s25] =	ssyncadd.s32 $0xFFFFF380  }
0x14f: {  	_ =	swait.ge [sflag:s25], $0xC80  }
0x150: {  	[sflag:s25] =	ssyncset.done $0x0  }
0x151: {  	[sflag:s25] =	ssyncadd.s32 $0xFFFFF380  }
0x152: {  	_ =	swait.ge [sflag:s25], $0xC80  }
0x153: {  	[sflag:s25] =	ssyncset.done $0x0  }
0x154: {  	[sflag:s25] =	ssyncadd.s32 $0xFFFFF380  }
0x155: {  	_ =	swait.ge [sflag:s25], $0xC80  }
0x156: {  	[sflag:s25] =	ssyncset.done $0x0  }
0x157: {  	[sflag:s25] =	ssyncadd.s32 $0xFFFFF380  }
0x158: {  	_ =	swait.ge [sflag:s25], $0xC80  }
0x159: {  	[sflag:s25] =	ssyncset.done $0x0  }
0x15a: {  	[sflag:s25] =	ssyncadd.s32 $0xFFFFF380  }
0x15b: {  	_ =	swait.ge [sflag:s25], $0xC80  }
0x15c: {  	[sflag:s25] =	ssyncset.done $0x0  }
0x15d: {  	[sflag:s25] =	ssyncadd.s32 $0xFFFFF380  }
0x15e: {  	_ =	swait.ge [sflag:s25], $0xC80  }
0x15f: {  	[sflag:s25] =	ssyncset.done $0x0  }
0x160: {  	[sflag:s25] =	ssyncadd.s32 $0xFFFFF380  }
0x161: {  	_ =	swait.ge [sflag:s25], $0xC80  }
0x162: {  	[sflag:s25] =	ssyncset.done $0x0  }
0x163: {  	[sflag:s25] =	ssyncadd.s32 $0xFFFFF380  }
0x164: {  	_ =	swait.ge [sflag:s25], $0xC80  }
0x165: {  	[sflag:s25] =	ssyncset.done $0x0  }
0x166: {  	s12 =	sadd.s32 $0x700, s1;
	[sflag:s25] =	ssyncadd.s32 $0xFFFFF380  }
0x167: {  	[tilespmem:s11], [sflag:$0x1] =	stream.indirect.gather [hbm4b:s3+s10], $0x40, s12, s10, $0xb8;
	v63 =	vld [tilespmem:$0x0]  }
0x168: {  	s12 =	sadd.s32 $0x738, s1  }
0x169: {  	[tilespmem:s16], [sflag:$0x1] =	stream.indirect.gather [hbm4b:s3+s10], $0x40, s12, s10, $0xb8;
	v63 =	vld [tilespmem:$0x0]  }
0x16a: {  	s12 =	sadd.s32 $0x770, s1  }
0x16b: {  	[tilespmem:s20], [sflag:$0x1] =	stream.indirect.gather [hbm4b:s3+s10], $0x40, s12, s10, $0xb8;
	v63 =	vld [tilespmem:$0x0]  }
0x16c: {  	s12 =	sadd.s32 $0x7A8, s1  }
0x16d: {  	[tilespmem:s24], [sflag:$0x1] =	stream.indirect.gather [hbm4b:s3+s10], $0x40, s12, s10, $0xb8;
	v63 =	vld [tilespmem:$0x0]  }
0x16e: {  	s12 =	sadd.s32 $0x7E0, s1  }
0x16f: {  	[tilespmem:s29], [sflag:$0x1] =	stream.indirect.gather [hbm4b:s3+s10], $0x40, s12, s10, $0xb8;
	v63 =	vld [tilespmem:$0x0]  }
0x170: {  	s12 =	sadd.s32 $0x818, s1  }
0x171: {  	[tilespmem:s14], [sflag:$0x1] =	stream.indirect.gather [hbm4b:s3+s10], $0x40, s12, s10, $0xb8;
	v63 =	vld [tilespmem:$0x0]  }
0x172: {  	s12 =	sadd.s32 $0x850, s1  }
0x173: {  	[tilespmem:s18], [sflag:$0x1] =	stream.indirect.gather [hbm4b:s3+s10], $0x40, s12, s10, $0xb8;
	v63 =	vld [tilespmem:$0x0]  }
0x174: {  	s12 =	sadd.s32 $0x888, s1  }
0x175: {  	[tilespmem:s22], [sflag:$0x1] =	stream.indirect.gather [hbm4b:s3+s10], $0x40, s12, s10, $0xb8;
	v63 =	vld [tilespmem:$0x0]  }
0x176: {  	s12 =	sadd.s32 $0x8C0, s1  }
0x177: {  	[tilespmem:s26], [sflag:$0x1] =	stream.indirect.gather [hbm4b:s3+s10], $0x40, s12, s10, $0xb8;
	v63 =	vld [tilespmem:$0x0]  }
0x178: {  	s12 =	sadd.s32 $0x8F8, s1  }
0x179: {  	[tilespmem:s4], [sflag:$0x1] =	stream.indirect.gather [hbm4b:s3+s10], $0x40, s12, s10, $0xb8;
	v63 =	vld [tilespmem:$0x0]  }
0x17a: {  	s12 =	sadd.s32 $0x930, s1  }
0x17b: {  	[tilespmem:s5], [sflag:$0x1] =	stream.indirect.gather [hbm4b:s3+s10], $0x40, s12, s10, $0xb8;
	v63 =	vld [tilespmem:$0x0]  }
0x17c: {  	s12 =	sadd.s32 $0x968, s1  }
0x17d: {  	[tilespmem:s6], [sflag:$0x1] =	stream.indirect.gather [hbm4b:s3+s10], $0x40, s12, s10, $0xb8;
	v63 =	vld [tilespmem:$0x0]  }
0x17e: {  	s12 =	sadd.s32 $0x9A0, s1  }
0x17f: {  	[tilespmem:s7], [sflag:$0x1] =	stream.indirect.gather [hbm4b:s3+s10], $0x40, s12, s10, $0xb8;
	v63 =	vld [tilespmem:$0x0]  }
0x180: {  	s12 =	sadd.s32 $0x9D8, s1  }
0x181: {  	[tilespmem:s8], [sflag:$0x1] =	stream.indirect.gather [hbm4b:s3+s10], $0x40, s12, s10, $0xb8;
	v63 =	vld [tilespmem:$0x0]  }
0x182: {  	s12 =	sadd.s32 $0xA10, s1  }
0x183: {  	[tilespmem:s13], [sflag:$0x1] =	stream.indirect.gather [hbm4b:s3+s10], $0x40, s12, s10, $0xb8;
	v63 =	vld [tilespmem:$0x0]  }
0x184: {  	s1 =	sadd.s32 $0xA48, s1  }
0x185: {  	[tilespmem:s15], [sflag:$0x1] =	stream.indirect.gather [hbm4b:s3+s10], $0x40, s1, s10, $0xb8;
	v63 =	vld [tilespmem:$0x0]  }
.Ltmp0:
0x186: {  	_ = 	snop;
	(pc) =	sbr.rel @p0 .LBB2_2-.Ltmp0, $4  }
0x187: {  	s1 =	sadd.s32 $0x1900, s30  }
0x188: {  	[hbm4b:s1+s2] =	stream.linear.scatter [tilespmem:s0], [sflag:$0x3], $0xC800, $0x38;
	v63 =	vld [tilespmem:$0x0]  }
0x189: {  	_ =	swait.ge [sflag:s9], $0xC800  }
0x18a: {  	[sflag:s9] =	ssyncset.done $0x0  }
0x18b: {  	[sflag:s9] =	ssyncadd.s32 $0xFFFF3800  }
0x18c: {  	_ =	swait.ge [sflag:s31], $0xC80  }
0x18d: {  	[sflag:s31] =	ssyncset.done $0x0  }
0x18e: {  	[sflag:s31] =	ssyncadd.s32 $0xFFFFF380  }
0x18f: {  	_ =	swait.ge [sflag:s31], $0xC80  }
0x190: {  	[sflag:s31] =	ssyncset.done $0x0  }
0x191: {  	[sflag:s31] =	ssyncadd.s32 $0xFFFFF380  }
0x192: {  	_ =	swait.ge [sflag:s31], $0xC80  }
0x193: {  	[sflag:s31] =	ssyncset.done $0x0  }
0x194: {  	[sflag:s31] =	ssyncadd.s32 $0xFFFFF380  }
0x195: {  	_ =	swait.ge [sflag:s31], $0xC80  }
0x196: {  	[sflag:s31] =	ssyncset.done $0x0  }
0x197: {  	[sflag:s31] =	ssyncadd.s32 $0xFFFFF380  }
0x198: {  	_ =	swait.ge [sflag:s31], $0xC80  }
0x199: {  	[sflag:s31] =	ssyncset.done $0x0  }
0x19a: {  	[sflag:s31] =	ssyncadd.s32 $0xFFFFF380  }
0x19b: {  	_ =	swait.ge [sflag:s31], $0xC80  }
0x19c: {  	[sflag:s31] =	ssyncset.done $0x0  }
0x19d: {  	[sflag:s31] =	ssyncadd.s32 $0xFFFFF380  }
0x19e: {  	_ =	swait.ge [sflag:s31], $0xC80  }
0x19f: {  	[sflag:s31] =	ssyncset.done $0x0  }
0x1a0: {  	[sflag:s31] =	ssyncadd.s32 $0xFFFFF380  }
0x1a1: {  	_ =	swait.ge [sflag:s31], $0xC80  }
0x1a2: {  	[sflag:s31] =	ssyncset.done $0x0  }
0x1a3: {  	[sflag:s31] =	ssyncadd.s32 $0xFFFFF380  }
0x1a4: {  	_ =	swait.ge [sflag:s31], $0xC80  }
0x1a5: {  	[sflag:s31] =	ssyncset.done $0x0  }
0x1a6: {  	[sflag:s31] =	ssyncadd.s32 $0xFFFFF380  }
0x1a7: {  	_ =	swait.ge [sflag:s31], $0xC80  }
0x1a8: {  	[sflag:s31] =	ssyncset.done $0x0  }
0x1a9: {  	[sflag:s31] =	ssyncadd.s32 $0xFFFFF380  }
0x1aa: {  	_ =	swait.ge [sflag:s31], $0xC80  }
0x1ab: {  	[sflag:s31] =	ssyncset.done $0x0  }
0x1ac: {  	[sflag:s31] =	ssyncadd.s32 $0xFFFFF380  }
0x1ad: {  	_ =	swait.ge [sflag:s31], $0xC80  }
0x1ae: {  	[sflag:s31] =	ssyncset.done $0x0  }
0x1af: {  	[sflag:s31] =	ssyncadd.s32 $0xFFFFF380  }
0x1b0: {  	_ =	swait.ge [sflag:s31], $0xC80  }
0x1b1: {  	[sflag:s31] =	ssyncset.done $0x0  }
0x1b2: {  	[sflag:s31] =	ssyncadd.s32 $0xFFFFF380  }
0x1b3: {  	_ =	swait.ge [sflag:s31], $0xC80  }
0x1b4: {  	[sflag:s31] =	ssyncset.done $0x0  }
0x1b5: {  	[sflag:s31] =	ssyncadd.s32 $0xFFFFF380  }
0x1b6: {  	_ =	swait.ge [sflag:s31], $0xC80  }
0x1b7: {  	[sflag:s31] =	ssyncset.done $0x0  }
0x1b8: {  	[sflag:s31] =	ssyncadd.s32 $0xFFFFF380  }
0x1b9: {  	_ =	swait.ge [sflag:s31], $0xC80  }
0x1ba: {  	[sflag:s31] =	ssyncset.done $0x0  }
0x1bb: {  	s1 =	simm.s32 $0x6C80;
	[sflag:s31] =	ssyncadd.s32 $0xFFFFF380  }
0x1bc: {  	[tilespmem:s0], [sflag:$0x2] =	stream.indirect.gather [hbm4b:s3+s10], $0x40, s1, s10, $0xb8;
	v63 =	vld [tilespmem:$0x0]  }
0x1bd: {  	s14 =	simm.s32 $0x14480;
	s4 =	simm.s32 $0x6CB8  }
0x1be: {  	[tilespmem:s14], [sflag:$0x2] =	stream.indirect.gather [hbm4b:s3+s10], $0x40, s4, s10, $0xb8;
	v63 =	vld [tilespmem:$0x0]  }
0x1bf: {  	s15 =	simm.s32 $0x15100;
	s16 =	simm.s32 $0x6CF0  }
0x1c0: {  	[tilespmem:s15], [sflag:$0x2] =	stream.indirect.gather [hbm4b:s3+s10], $0x40, s16, s10, $0xb8;
	v63 =	vld [tilespmem:$0x0]  }
0x1c1: {  	s17 =	simm.s32 $0x15D80;
	s18 =	simm.s32 $0x6D28  }
0x1c2: {  	[tilespmem:s17], [sflag:$0x2] =	stream.indirect.gather [hbm4b:s3+s10], $0x40, s18, s10, $0xb8;
	v63 =	vld [tilespmem:$0x0]  }
0x1c3: {  	s20 =	simm.s32 $0x16A00;
	s22 =	simm.s32 $0x6D60  }
0x1c4: {  	[tilespmem:s20], [sflag:$0x2] =	stream.indirect.gather [hbm4b:s3+s10], $0x40, s22, s10, $0xb8;
	v63 =	vld [tilespmem:$0x0]  }
0x1c5: {  	s24 =	simm.s32 $0x17680;
	s26 =	simm.s32 $0x6D98  }
0x1c6: {  	[tilespmem:s24], [sflag:$0x2] =	stream.indirect.gather [hbm4b:s3+s10], $0x40, s26, s10, $0xb8;
	v63 =	vld [tilespmem:$0x0]  }
0x1c7: {  	s28 =	simm.s32 $0x18300;
	s30 =	simm.s32 $0x6DD0  }
0x1c8: {  	[tilespmem:s28], [sflag:$0x2] =	stream.indirect.gather [hbm4b:s3+s10], $0x40, s30, s10, $0xb8;
	v63 =	vld [tilespmem:$0x0]  }
0x1c9: {  	s5 =	simm.s32 $0x6E08;
	s4 =	simm.s32 $0x18F80  }
0x1ca: {  	[tilespmem:s4], [sflag:$0x2] =	stream.indirect.gather [hbm4b:s3+s10], $0x40, s5, s10, $0xb8;
	v63 =	vld [tilespmem:$0x0]  }
0x1cb: {  	s6 =	simm.s32 $0x19C00;
	s7 =	simm.s32 $0x6E40  }
0x1cc: {  	[tilespmem:s6], [sflag:$0x2] =	stream.indirect.gather [hbm4b:s3+s10], $0x40, s7, s10, $0xb8;
	v63 =	vld [tilespmem:$0x0]  }
0x1cd: {  	s8 =	simm.s32 $0x1A880;
	s12 =	simm.s32 $0x6E78  }
0x1ce: {  	[tilespmem:s8], [sflag:$0x2] =	stream.indirect.gather [hbm4b:s3+s10], $0x40, s12, s10, $0xb8;
	v63 =	vld [tilespmem:$0x0]  }
0x1cf: {  	s13 =	simm.s32 $0x1B500;
	s14 =	simm.s32 $0x6EB0  }
0x1d0: {  	[tilespmem:s13], [sflag:$0x2] =	stream.indirect.gather [hbm4b:s3+s10], $0x40, s14, s10, $0xb8;
	v63 =	vld [tilespmem:$0x0]  }
0x1d1: {  	s15 =	simm.s32 $0x1C180;
	s16 =	simm.s32 $0x6EE8  }
0x1d2: {  	[tilespmem:s15], [sflag:$0x2] =	stream.indirect.gather [hbm4b:s3+s10], $0x40, s16, s10, $0xb8;
	v63 =	vld [tilespmem:$0x0]  }
0x1d3: {  	s17 =	simm.s32 $0x1CE00;
	s18 =	simm.s32 $0x6F20  }
0x1d4: {  	[tilespmem:s17], [sflag:$0x2] =	stream.indirect.gather [hbm4b:s3+s10], $0x40, s18, s10, $0xb8;
	v63 =	vld [tilespmem:$0x0]  }
0x1d5: {  	s20 =	simm.s32 $0x6F58  }
0x1d6: {  	[tilespmem:s19], [sflag:$0x2] =	stream.indirect.gather [hbm4b:s3+s10], $0x40, s20, s10, $0xb8;
	v63 =	vld [tilespmem:$0x0]  }
0x1d7: {  	s22 =	simm.s32 $0x6F90  }
0x1d8: {  	[tilespmem:s21], [sflag:$0x2] =	stream.indirect.gather [hbm4b:s3+s10], $0x40, s22, s10, $0xb8;
	v63 =	vld [tilespmem:$0x0]  }
0x1d9: {  	s24 =	simm.s32 $0x6FC8  }
0x1da: {  	[tilespmem:s23], [sflag:$0x2] =	stream.indirect.gather [hbm4b:s3+s10], $0x40, s24, s10, $0xb8;
	v63 =	vld [tilespmem:$0x0]  }
0x1db: {  	s26 =	rddreg [dreg:$0x4]  }
0x1dc: {  	[hbm4b:s26+s2] =	stream.linear.scatter [tilespmem:s11], [sflag:$0x3], $0xC800, $0x38;
	v63 =	vld [tilespmem:$0x0]  }
0x1dd: {  	_ =	swait.ge [sflag:s9], $0xC800  }
0x1de: {  	[sflag:s9] =	ssyncset.done $0x0  }
0x1df: {  	[sflag:s9] =	ssyncadd.s32 $0xFFFF3800  }
0x1e0: {  	_ =	swait.ge [sflag:s25], $0xC80  }
0x1e1: {  	[sflag:s25] =	ssyncset.done $0x0  }
0x1e2: {  	[sflag:s25] =	ssyncadd.s32 $0xFFFFF380  }
0x1e3: {  	_ =	swait.ge [sflag:s25], $0xC80  }
0x1e4: {  	[sflag:s25] =	ssyncset.done $0x0  }
0x1e5: {  	[sflag:s25] =	ssyncadd.s32 $0xFFFFF380  }
0x1e6: {  	_ =	swait.ge [sflag:s25], $0xC80  }
0x1e7: {  	[sflag:s25] =	ssyncset.done $0x0  }
0x1e8: {  	[sflag:s25] =	ssyncadd.s32 $0xFFFFF380  }
0x1e9: {  	_ =	swait.ge [sflag:s25], $0xC80  }
0x1ea: {  	[sflag:s25] =	ssyncset.done $0x0  }
0x1eb: {  	[sflag:s25] =	ssyncadd.s32 $0xFFFFF380  }
0x1ec: {  	_ =	swait.ge [sflag:s25], $0xC80  }
0x1ed: {  	[sflag:s25] =	ssyncset.done $0x0  }
0x1ee: {  	[sflag:s25] =	ssyncadd.s32 $0xFFFFF380  }
0x1ef: {  	_ =	swait.ge [sflag:s25], $0xC80  }
0x1f0: {  	[sflag:s25] =	ssyncset.done $0x0  }
0x1f1: {  	[sflag:s25] =	ssyncadd.s32 $0xFFFFF380  }
0x1f2: {  	_ =	swait.ge [sflag:s25], $0xC80  }
0x1f3: {  	[sflag:s25] =	ssyncset.done $0x0  }
0x1f4: {  	[sflag:s25] =	ssyncadd.s32 $0xFFFFF380  }
0x1f5: {  	_ =	swait.ge [sflag:s25], $0xC80  }
0x1f6: {  	[sflag:s25] =	ssyncset.done $0x0  }
0x1f7: {  	[sflag:s25] =	ssyncadd.s32 $0xFFFFF380  }
0x1f8: {  	_ =	swait.ge [sflag:s25], $0xC80  }
0x1f9: {  	[sflag:s25] =	ssyncset.done $0x0  }
0x1fa: {  	[sflag:s25] =	ssyncadd.s32 $0xFFFFF380  }
0x1fb: {  	_ =	swait.ge [sflag:s25], $0xC80  }
0x1fc: {  	[sflag:s25] =	ssyncset.done $0x0  }
0x1fd: {  	[sflag:s25] =	ssyncadd.s32 $0xFFFFF380  }
0x1fe: {  	_ =	swait.ge [sflag:s25], $0xC80  }
0x1ff: {  	[sflag:s25] =	ssyncset.done $0x0  }
0x200: {  	[sflag:s25] =	ssyncadd.s32 $0xFFFFF380  }
0x201: {  	_ =	swait.ge [sflag:s25], $0xC80  }
0x202: {  	[sflag:s25] =	ssyncset.done $0x0  }
0x203: {  	[sflag:s25] =	ssyncadd.s32 $0xFFFFF380  }
0x204: {  	_ =	swait.ge [sflag:s25], $0xC80  }
0x205: {  	[sflag:s25] =	ssyncset.done $0x0  }
0x206: {  	[sflag:s25] =	ssyncadd.s32 $0xFFFFF380  }
0x207: {  	_ =	swait.ge [sflag:s25], $0xC80  }
0x208: {  	[sflag:s25] =	ssyncset.done $0x0  }
0x209: {  	[sflag:s25] =	ssyncadd.s32 $0xFFFFF380  }
0x20a: {  	_ =	swait.ge [sflag:s25], $0xC80  }
0x20b: {  	[sflag:s25] =	ssyncset.done $0x0  }
0x20c: {  	[sflag:s25] =	ssyncadd.s32 $0xFFFFF380  }
0x20d: {  	_ =	swait.ge [sflag:s25], $0xC80  }
0x20e: {  	[sflag:s25] =	ssyncset.done $0x0  }
0x20f: {  	s28 =	rddreg [dreg:$0x5];
	[sflag:s25] =	ssyncadd.s32 $0xFFFFF380  }
0x210: {  	[hbm4b:s28+s2] =	stream.linear.scatter [tilespmem:s0], [sflag:$0x3], $0xC800, $0x38;
	v63 =	vld [tilespmem:$0x0]  }
0x211: {  	_ =	swait.ge [sflag:s9], $0xC800  }
0x212: {  	s17 =	rddreg [dreg:$0x8]  }
0x213: {  	s4 =	simm.s32 $0xE080;
	s30 =	rddreg [dreg:$0x6];
	s17 =	sadd.s32 $0x1, s17  }
0x214: {  	s5 =	simm.s32 $0xED00;
	s6 =	simm.s32 $0xF980;
	p0 =	sne.s32 s17, s30  }
.Ltmp1:
0x215: {  	s7 =	simm.s32 $0x10600;
	s12 =	simm.s32 $0x7C80;
	(pc) =	sbr.rel @p0 .LBB2_1-.Ltmp1, $4  }
0x216: {  	s8 =	simm.s32 $0x11280;
	s14 =	simm.s32 $0xAE80;
	s13 =	simm.s32 $0x11F00  }
0x217: {  	s16 =	simm.s32 $0x8900;
	s15 =	simm.s32 $0x12B80;
	s18 =	simm.s32 $0xBB00  }
0x218: {  	s20 =	simm.s32 $0x9580;
	s22 =	simm.s32 $0xC780;
	[sflag:s9] =	ssyncset.done $0x0  }
0x219: {  	s24 =	simm.s32 $0xA200;
	s26 =	simm.s32 $0xD400;
	[sflag:s9] =	ssyncadd.s32 $0xFFFF3800  }
0x21a: {  	_ =	sfence.sel $0x180000  }
0x21b: {  	[bflag:$0x0] =	sbarrier.arrive $0xFFFF  }
0x21c: {  	_ =	strace $0x90000047  }
0x21d: {  	s0 =	stileid.u32;
	[bflag:$0x2] =	sbarrier.arrive $0xFFFF  }
0x21e: {  	p0 =	sne.s32 s0, $0x0;
	s0 =	rddreg [dreg:$0x2]  }
0x21f: {  	s0 =	sadd.s32 @!p0 $0x100000, s0  }
0x220: {  	[sflag:s0] =	ssyncadd.tile.s32 @!p0 $0x1;
	_ =	shalt  }
.Lfunc_end2:
_tile_overlayer_lowered:
.L_overlay_start_2:
0x221: {  	(tag) =	ssettag $0x2  }
0x222: {  	s0 =	rddreg [dreg:$0x0];
	s2 =	stileid.u32  }
0x223: {  	s1 =	rddreg [dreg:$0x1];
	p0 =	sne.s32 s2, $0x0  }
0x224: {  	s3 =	rddreg [dreg:$0x2];
	[bflag:$0x3] =	sbarrier.arrive $0xFFFF;
	s2 =	simm.s32 @!p0 $0x1C03  }
0x225: {  	[timem:s3], [sflag:s2] =	dma.local @!p0 [hbm:s0], s1  }
0x226: {  	s0 =	simm.s32 @!p0 $0x3  }
0x227: {  	_ =	swait.ge @!p0 [sflag:s0], s1  }
0x228: {  	s1 =	ssub.s32 @!p0 $0x0, s1;
	[sflag:s0] =	ssyncset.done @!p0 $0x0  }
0x229: {  	[sflag:s0] =	ssyncadd.s32 @!p0 s1  }
0x22a: {  	[bflag:$0x3] =	sbarrier.arrive $0xFFFF  }
0x22b: {  	_ =	shalt  }

// kernel: sparse-core-data-format-call.cloned.1.call-start
scs
called_computation_lowered:
.L_overlay_start_0:
0x0: {  	s2 =	sld [smem:$0x3FD9]  }
0x1: {  	s3 =	sld [smem:$0x3FFE];
	_ =	sdelay $0x1  }
0x2: {  	s1 =	srdreg.scid  }
0x3: {  	s0 =	sand.u32 $0x1, s1  }
0x4: {  	s18 =	sshll.u32 s0, $0xA;
	s2 =	sadd.s32 s3, s2  }
0x5: {  	s2 =	sadd.s32 s2, s18  }
0x6: {  	[smem:$0x3FC6] =	sst s2  }
0x7: {  	_ = 	snop  }
0x8: {  	s2 =	sld [smem:$0x3FD0];
	(tm) =	ssettm $0x1  }
0x9: {  	s19 =	sld [smem:$0x3FFB];
	_ =	sdelay $0x3  }
0xa: {  	_ =	strace s19  }
0xb: {  	s3 =	sld [smem:$0x3FFC];
	_ =	sdelay $0x3  }
0xc: {  	_ =	strace s3  }
0xd: {  	s3 =	sld [smem:$0x3FFD];
	_ =	sdelay $0x3  }
0xe: {  	_ =	strace s3  }
0xf: {  	_ =	strace $0x8FFFFFFF  }
0x10: {  	s20 =	sld [smem:$0x3FDB];
	_ =	sdelay $0x1  }
0x11: {  	s4 =	simm.s32 $_scs_section_size  }
0x12: {  	s5 =	simm.s32 $_size__tile_overlayer_lowered;
	s6 =	simm.s32 $_tile_overlayer_lowered  }
0x13: {  	s23 =	simm.s32 $0x1BFF;
	s22 =	sshll.u32 s6, $0x1;
	s3 =	sadd.s32 s4, s20  }
0x14: {  	s7 =	simm.s32 $0x0;
	s21 =	sshll.u32 s5, $0x1;
	s5 =	sadd.s32 s22, s3  }
0x15: {  	[timem:s7], [sflag:s23] =	dma.local [hbm:s5], s21  }
0x16: {  	_ =	swait.ge [sflag:s23], s21  }
0x17: {  	s4 =	ssub.s32 $0x0, s21;
	[sflag:s23] =	ssyncset.done $0x0  }
0x18: {  	[sflag:s23] =	ssyncadd.s32 s4;
	_ =	sdelay $0x1  }
0x19: {  	s24 =	simm.s32 $0x1B8B  }
0x1a: {  	_ =	swait.ge [sflag:s24], $0x1  }
0x1b: {  	[sflag:s24] =	ssyncset.done $0x0  }
0x1c: {  	s26 =	simm.s32 $0x1B8E;
	s25 =	sld [smem:$0x3FFE];
	[sflag:s24] =	ssyncadd.s32 $0xFFFFFFFF  }
0x1d: {  	s27 =	simm.s32 $execute0_lowered;
	[smem:$0x3FD2] =	sst s26  }
0x1e: {  	s5 =	sshll.u32 s27, $0x1;
	_ =	strace $0x80000049;
	[dreg:$0x1] =	wrdreg $0xFFFFFFFF  }
0x1f: {  	s28 =	simm.s32 $_size_execute0_lowered;
	s3 =	sadd.s32 s3, s5;
	[dreg:$0x0] =	wrdreg $0x0  }
0x20: {  	s5 =	sshll.u32 s28, $0x1;
	[dreg:$0x2] =	wrdreg s3  }
0x21: {  	[dreg:$0x3] =	wrdreg s5  }
0x22: {  	[dreg:$0x4] =	wrdreg $0xC0  }
0x23: {  	_ =	task [dreg:s7], $0x5FFFF  }
0x24: {  	[dreg:$0x1] =	wrdreg $0xFFFFFFFF  }
0x25: {  	[dreg:$0x0] =	wrdreg $0x60  }
0x26: {  	[dreg:$0x2] =	wrdreg s25  }
0x27: {  	[dreg:$0x3] =	wrdreg s2  }
0x28: {  	[dreg:$0x4] =	wrdreg $0x9  }
0x29: {  	_ =	task.clear_ibuf [dreg:s7], $0x5FFFF;
	_ =	strace $0x90000049  }
0x2a: {  	s29 =	simm.s32 $0x9;
	_ =	strace $0x8000004B  }
0x2b: {  	_ =	swait.ge [sflag:s29], $0x1  }
0x2c: {  	[sflag:s29] =	ssyncadd.s32 $0xFFFFFFFF  }
0x2d: {  	_ =	strace $0x9000004B  }
0x2e: {  	_ =	sfence  }
0x2f: {  	s30 =	sld [smem:$0x0];
	_ =	sdelay $0x2  }
0x30: {  	s31 =	sshll.u32 s1, $0xD;
	s1 =	sshrl.u32 s1, $0x2  }
0x31: {  	s3 =	sand.u32 $0x4000, s31;
	s1 =	sadd.s32 s1, s30  }
0x32: {  	s0 =	sor.u32 s3, s0;
	s1 =	sshll.u32 s1, $0x11  }
0x33: {  	s0 =	sor.u32 s1, s0  }
0x34: {  	s0 =	sadd.s32 $0x8F2B, s0  }
0x35: {  	[sflag:s0] =	ssyncadd.remote.s32 $0x1  }
0x36: {  	_ =	sfence.sel $0xFFFF  }
0x37: {  	[dreg:$0x0] =	wrdreg $0xFFFFFFFF;
	(pc) =	sbr.abs _section_cstart, $3  }
0x38: {  	[dreg:$0x1] =	wrdreg $0xFFFFFFFF  }
0x39: {  	_ =	task.clear_ibuf [dreg:s7], $0x2FFFF;
	_ =	strace $0x9FFFFFFF  }
0x3a: {  	(tm) =	ssettm $0x7FFFFFFF  }
0x3b: {  	_ =	shalt  }
tec
execute0_lowered:
.L_overlay_start_1:
0x0: {  	(tag) =	ssettag $0x1  }
0x1: {  	s0 =	srdreg.scid  }
0x2: {  	s1 =	sshll.u32 s0, $0x4  }
0x3: {  	s0 =	stileid.u32;
	s1 =	sand.u32 $0x10, s1  }
0x4: {  	s1 =	sor.u32 s0, s1  }
0x5: {  	s6 =	rddreg [dreg:$0x0];
	s4 =	simm.s32 $0x1;
	s2 =	sshll.u32 s1, $0x7  }
0x6: {  	s7 =	simm.s32 $0x2;
	s12 =	simm.s32 $0x0;
	s1 =	ssub.s32 $0x4000, s2  }
0x7: {  	s8 =	simm.s32 $0x20000;
	s13 =	simm.s32 $0x0;
	s3 =	sand.u32 $0xF80, s1  }
0x8: {  	s9 =	simm.s32 $0x0;
	s5 =	sshrl.u32 s1, $0xC;
	p0 =	sne.s32 s3, $0x0  }
.Ltmp0:
0x9: {  	s1 =	rddreg [dreg:$0x2];
	s4 =	simm.s32 @!p0 $0x0;
	(pc) =	sbr.rel .LBB1_1-.Ltmp0, $4  }
0xa: {  	s11 =	simm.s32 $0x0;
	s3 =	rddreg [dreg:$0x1];
	s5 =	sadd.s32 s4, s5  }
0xb: {  	_ =	strace $0x8000004A;
	s4 =	simm.s32 $0x1;
	s5 =	smul.u32 $0x32, s5  }
0xc: {  	s6 =	sadd.s32 $0xA00, s6;
	s10 =	smov.u32 s2;
	[sflag:s4] =	ssyncpa.u1 $0x0  }
0xd: {  	p0 =	por $0x0, $0x0;
	[sflag:s7] =	ssyncpa.u1 $0x0;
	s7 =	sor.u32 $0x1, s5  }
.LBB1_4:
0xe: {  	s16 =	sshll.u32 s13, $0x3;
	s17 =	sand.u32 $0x78, s13  }
0xf: {  	s30 =	sand.u32 $0x1F800, s13;
	s12 =	sshll.u32 s12, $0x11;
	s16 =	sand.u32 $0x3C00, s16  }
0x10: {  	[tilespmem:s15+$0x810 ss:$0x81] =	vst.msk $0xffff, v2;
	s31 =	sand.u32 $0x7, s13;
	s16 =	sor.u32 s17, s16;
	s17 =	sadd.s32 s3, s30  }
0x11: {  	[tilespmem:s15+$0x1020 ss:$0x81] =	vst.msk $0xffff, v0;
	s13 =	sshll.u32 s31, $0x12;
	s12 =	sadd.s32 s12, s17;
	s16 =	sshrl.u32 s16, $0x3  }
0x12: {  	[tilespmem:s15+$0x0 ss:$0x81] =	vst.msk $0xffff, v1;
	s13 =	sor.u32 $0x400, s13;
	s12 =	sadd.s32 s16, s12  }
0x13: {  	[hbm4b:s12+s13] =	stream.strided.scatter [tilespmem:s14], [sflag:$0x2], $0x2000, s8, s13, $0x20;
	[tilespmem:$0x8080] =	vst v63  }
.LBB1_5:
0x14: {  	s14 =	sadd.s32 $0x1, s9  }
0x15: {  	s12 =	sadd.s32 $0x1000, s10;
	s16 =	smov.u32 s10;
	p2 =	sgt.s32 s14, $0x31  }
0x16: {  	s16 =	smov.u32 @p2 s12  }
0x17: {  	s14 =	simm.s32 @p2 $0x0;
	p2 =	sgt.s32 s16, $0x3FFF  }
0x18: {  	s16 =	smov.u32 @p2 s2;
	p2 =	sne.s32 s11, s7  }
.Ltmp1:
0x19: {  	p1 =	slt.u32 s11, $0x2;
	(pc) =	sbr.rel @!p2 .LBB1_6-.Ltmp1, $4  }
0x1a: {  	s15 =	simm.s32 @!p1 $0x2  }
0x1b: {  	s13 =	smov.u32 s10;
	p0 =	por !p0, !p0;
	_ =	swait.ge @!p1 [sflag:s15], $0x2000  }
0x1c: {  	s12 =	smov.u32 s9;
	[sflag:s15] =	ssyncset.done @!p1 $0x0;
	s9 =	smov.u32 s14  }
0x1d: {  	s11 =	sadd.s32 $0x1, s11;
	[sflag:s15] =	ssyncadd.s32 @!p1 $0xFFFFE000;
	s10 =	smov.u32 s16  }
.LBB1_1:
0x1e: {  	p1 =	sge.u32 s11, s5  }
0x1f: {  	s14 =	sand.u32 @!p1 $0x1FFFFFF, s9  }
0x20: {  	s15 =	smulhi.u32 @!p1 $0x4924925, s14;
	_ =	sdelay $0x1  }
0x21: {  	s15 =	smul.u32 @!p1 $0x38, s15  }
0x22: {  	s16 =	sxor.u32 @!p1 $0xFFFFFFFF, s11;
	s17 =	smul.u32 @!p1 $0x380, s10  }
0x23: {  	s31 =	sadd.s32 $0xFFFFFFFF, s11;
	s16 =	sshll.u32 @!p1 s16, $0xD;
	s14 =	ssub.s32 @!p1 s14, s15  }
0x24: {  	s15 =	sand.u32 @!p1 $0x2000, s16;
	s16 =	sadd.s32 @!p1 s6, s17;
	s14 =	sshll.u32 @!p1 s14, $0x4  }
0x25: {  	s17 =	simm.s32 @!p1 $0x1C00;
	s14 =	sadd.s32 @!p1 s14, s16;
	s16 =	simm.s32 @!p1 $0x40  }
0x26: {  	[tilespmem:s15], [sflag:$0x1] =	stream.strided.gather @!p1 [hbm4b:s14+s16], $0x2000, s17, s16, $0x38;
	[tilespmem:$0x8080] =	vst v63  }
0x27: {  	p1 =	sge.u32 s31, s5  }
.Ltmp2:
0x28: {  	_ = 	snop;
	(pc) =	sbr.rel @p1 .LBB1_5-.Ltmp2, $1  }
0x29: {  	_ =	sdelay $0x3  }
0x2a: {  	s14 =	simm.s32 $0x1  }
0x2b: {  	_ =	swait.ge [sflag:s4], $0x2000;
	s14 =	simm.s32 @!p0 $0x0  }
0x2c: {  	[sflag:s4] =	ssyncset.done $0x0;
	s15 =	sshll.u32 s14, $0xD  }
0x2d: {  	[sflag:s4] =	ssyncadd.s32 $0xFFFFE000;
	s18 =	sor.u32 $0x20, s15  }
0x2e: {  	s14 =	smul.u32 $0x8100, s14;
	v3 =	vld [tilespmem:s18+$0x10]  }
0x2f: {  	s30 =	sand.u32 $0x1, s11;
	v2 =	vld [tilespmem:s18+$0xFFFFFFF0]  }
0x30: {  	s15 =	smul.u32 $0x8100, s30;
	s14 =	sshrl.u32 s14, $0x2;
	v0 =	vld [tilespmem:s18+$0x0]  }
0x31: {  	v1 =	vld [tilespmem:s18+$0xFFFFFFE0];
	s16 =	sor.u32 $0x4000, s14  }
0x32: {  	s31 =	sshrl.u32 s15, $0x2;
	s15 =	sadd.s32 $0x0, s16  }
0x33: {  	s17 =	simm.s32 $0x4;
	s18 =	sadd.s32 $0x40, s18;
	s14 =	sor.u32 $0x4000, s31;
	[tilespmem:s15+$0x1830 ss:$0x81] =	vst.msk $0xffff, v3  }
.LBB1_3:
0x34: {  	v3 =	vld [tilespmem:s18+$0x10];
	p1 =	sne.s32 s17, $0x1FC;
	[tilespmem:s15+$0x810 ss:$0x81] =	vst.msk $0xffff, v2;
	s19 =	smov.u32 s17;
	s17 =	sadd.s32 $0x4, s17  }
.Ltmp3:
0x35: {  	v2 =	vld [tilespmem:s18+$0xFFFFFFF0];
	[tilespmem:s15+$0x1020 ss:$0x81] =	vst.msk $0xffff, v0;
	(pc) =	sbr.rel @p1 .LBB1_3-.Ltmp3, $4  }
0x36: {  	v0 =	vld [tilespmem:s18+$0x0];
	[tilespmem:s15+$0x0 ss:$0x81] =	vst.msk $0xffff, v1  }
0x37: {  	s15 =	sshra.s32 s19, $0x2;
	v1 =	vld [tilespmem:s18+$0xFFFFFFE0]  }
0x38: {  	s15 =	sadd.s32 s15, s16  }
0x39: {  	s18 =	sadd.s32 $0x40, s18;
	[tilespmem:s15+$0x1830 ss:$0x81] =	vst.msk $0xffff, v3  }
.Ltmp4:
0x3a: {  	_ = 	snop;
	(pc) =	sbr.rel .LBB1_4-.Ltmp4, $1  }
0x3b: {  	_ =	sdelay $0x3  }
.LBB1_6:
0x3c: {  	_ =	sfence.sel $0x180000  }
0x3d: {  	s2 =	simm.s32 $0x1;
	[bflag:$0x0] =	sbarrier.arrive $0xFFFF  }
0x3e: {  	s31 =	simm.s32 $0x2;
	[sflag:s2] =	ssyncpa.u1 $0x1  }
0x3f: {  	[sflag:s31] =	ssyncpa.u1 $0x1  }
0x40: {  	p0 =	sne.s32 s0, $0x0;
	_ =	strace $0x9000004A  }
0x41: {  	s0 =	sadd.s32 @!p0 $0x100000, s1;
	[bflag:$0x2] =	sbarrier.arrive $0xFFFF  }
0x42: {  	[sflag:s0] =	ssyncadd.tile.s32 @!p0 $0x1;
	_ =	shalt  }
.Lfunc_end1:
_tile_overlayer_lowered:
.L_overlay_start_2:
0x43: {  	(tag) =	ssettag $0x2  }
0x44: {  	s0 =	rddreg [dreg:$0x0];
	s2 =	stileid.u32  }
0x45: {  	s1 =	rddreg [dreg:$0x1];
	p0 =	sne.s32 s2, $0x0  }
0x46: {  	s3 =	rddreg [dreg:$0x2];
	[bflag:$0x3] =	sbarrier.arrive $0xFFFF;
	s2 =	simm.s32 @!p0 $0x1C01  }
0x47: {  	[timem:s3], [sflag:s2] =	dma.local @!p0 [hbm:s0], s1  }
0x48: {  	s0 =	simm.s32 @!p0 $0x1  }
0x49: {  	_ =	swait.ge @!p0 [sflag:s0], s1  }
0x4a: {  	s1 =	ssub.s32 @!p0 $0x0, s1;
	[sflag:s0] =	ssyncset.done @!p0 $0x0  }
0x4b: {  	[sflag:s0] =	ssyncadd.s32 @!p0 s1  }
0x4c: {  	[bflag:$0x3] =	sbarrier.arrive $0xFFFF  }
0x4d: {  	_ =	shalt  }

</sc_bundles>
